<compile_context>
chip_gen: v7x
topology: tpu7x:2x2x1
jax: 0.10.2.dev20260603
libtpu: 0.0.44.dev20260713+nightly
codegen_flags: <defaults>
</compile_context>

<pallas_src>
import functools

import jax
import jax.numpy as jnp
from jax import lax
from jax.experimental import pallas as pl
from jax.experimental.pallas import tpu as pltpu
from jax.experimental.pallas import tpu_sc as plsc

_NC = 2
_NS = 16
_NW = _NC * _NS
_LANES = 16

_CHUNK = 128


def _combo_body(wm_col_ref, wm_row_ref, wc_ref, out_ref):
    wc = wc_ref[...]
    m = jnp.max(wc, axis=1, keepdims=True)
    s = jnp.sum(jnp.exp(wc - m), axis=1, keepdims=True)
    lse_rows = jnp.log(s) + m
    wm_row = wm_row_ref[...]
    mm = jnp.max(wm_row)
    lse_marg = jnp.log(jnp.sum(jnp.exp(wm_row - mm))) + mm
    out_ref[...] = wm_col_ref[...] - lse_marg - lse_rows


def _combo_call(w_marg, w_cond):
    n = w_cond.shape[0]
    rows_blk = 256
    grid = (n // rows_blk,)
    return pl.pallas_call(
        _combo_body,
        grid=grid,
        in_specs=[
            pl.BlockSpec((rows_blk, 1), lambda i: (i, 0)),
            pl.BlockSpec((1, n), lambda i: (0, 0)),
            pl.BlockSpec((rows_blk, n), lambda i: (i, 0)),
        ],
        out_specs=pl.BlockSpec((rows_blk, 1), lambda i: (i, 0)),
        out_shape=jax.ShapeDtypeStruct((n, 1), jnp.float32),
    )(w_marg.reshape(n, 1), w_marg.reshape(1, n), w_cond)


def _sc_wc_gather_body(n, rows_per_w, a_hbm, b_hbm, wcflat_hbm,
                       wv_hbm, a_v, fi_v, wv_v, sem_w):
    wid = lax.axis_index("s") * _NC + lax.axis_index("c")
    r0 = wid * rows_per_w
    pltpu.sync_copy(a_hbm.at[pl.ds(r0, rows_per_w)], a_v)
    pltpu.sync_copy(b_hbm.at[pl.ds(r0, rows_per_w)], fi_v)
    ntile = n // 128
    for r in range(rows_per_w):
        for j in range(_CHUNK // _LANES):
            sl = (r, pl.ds(j * _LANES, _LANES))
            av = a_v[sl]
            bv = fi_v[sl]
            fi_v[sl] = (((av >> 3) * ntile + (bv >> 7)) * 1024
                        + ((av & 7) << 7) + (bv & 127))
    copies = [pltpu.async_copy(wcflat_hbm.at[fi_v.at[r]], wv_v.at[r], sem_w)
              for r in range(rows_per_w)]
    for cp in copies:
        cp.wait()
    pltpu.sync_copy(wv_v, wv_hbm.at[pl.ds(r0, rows_per_w)])


def _sc_combine_body(rows_per_w, a_hbm, combo_hbm, wv_hbm,
                     out_hbm, a_v, cv_v, wv_v, sem_c, sem_v):
    wid = lax.axis_index("s") * _NC + lax.axis_index("c")
    r0 = wid * rows_per_w
    cp_w = pltpu.async_copy(wv_hbm.at[pl.ds(r0, rows_per_w)], wv_v, sem_v)
    pltpu.sync_copy(a_hbm.at[pl.ds(r0, rows_per_w)], a_v)
    copies = [pltpu.async_copy(combo_hbm.at[a_v.at[r]], cv_v.at[r], sem_c)
              for r in range(rows_per_w)]
    cp_w.wait()
    for cp in copies:
        cp.wait()
    for r in range(rows_per_w):
        for j in range(_CHUNK // _LANES):
            sl = (r, pl.ds(j * _LANES, _LANES))
            wv_v[sl] = wv_v[sl] + cv_v[sl]
    pltpu.sync_copy(wv_v, out_hbm.at[pl.ds(r0, rows_per_w)])


def _sc_mesh():
    return plsc.VectorSubcoreMesh(
        core_axis_name="c", subcore_axis_name="s",
        num_cores=_NC, num_subcores=_NS)


def _sc_wc_gather_call(a2, b2, wcflat, n):
    num_rows = a2.shape[0]
    rows_per_w = num_rows // _NW
    body = functools.partial(_sc_wc_gather_body, n, rows_per_w)
    f = pl.kernel(
        body,
        out_type=jax.ShapeDtypeStruct((num_rows, _CHUNK), jnp.float32),
        mesh=_sc_mesh(),
        scratch_types=[
            pltpu.VMEM((rows_per_w, _CHUNK), jnp.int32),
            pltpu.VMEM((rows_per_w, _CHUNK), jnp.int32),
            pltpu.VMEM((rows_per_w, _CHUNK), jnp.float32),
            pltpu.SemaphoreType.DMA,
        ],
    )
    return f(a2, b2, wcflat)


def _sc_combine_call(a2, combo, wv2):
    num_rows = a2.shape[0]
    rows_per_w = num_rows // _NW
    body = functools.partial(_sc_combine_body, rows_per_w)
    f = pl.kernel(
        body,
        out_type=jax.ShapeDtypeStruct((num_rows, _CHUNK), jnp.float32),
        mesh=_sc_mesh(),
        scratch_types=[
            pltpu.VMEM((rows_per_w, _CHUNK), jnp.int32),
            pltpu.VMEM((rows_per_w, _CHUNK), jnp.float32),
            pltpu.VMEM((rows_per_w, _CHUNK), jnp.float32),
            pltpu.SemaphoreType.DMA,
            pltpu.SemaphoreType.DMA,
        ],
    )
    return f(a2, combo, wv2)


def kernel(inputs, w_marg, w_cond):
    n = w_cond.shape[0]
    batch = inputs.shape[0]
    a2 = inputs[:, 0].reshape(batch // _CHUNK, _CHUNK)
    b2 = inputs[:, 1].reshape(batch // _CHUNK, _CHUNK)
    wcflat = (w_cond.reshape(n // 8, 8, n // 128, 128)
              .transpose(0, 2, 1, 3).reshape(n * n))
    wv2 = _sc_wc_gather_call(a2, b2, wcflat, n)
    combo = _combo_call(w_marg, w_cond).reshape(n)
    out2 = _sc_combine_call(a2, combo, wv2)
    return out2.reshape(batch)

# --- scband reference (transcript-rebuilt; emitter-appended) ---
"""Pipeline reference for scband-model1-69750268887472 (READ-ONLY COPY).

The authoritative reference and input builder live on the scoring server;
editing this copy changes nothing except your own understanding.
"""

import jax, jax.numpy as jnp
import numpy as np

N = 8192
B = 16384

def setup_inputs(seed: int = 0) -> dict:
    key = jax.random.key(seed)
    k1, k2, k3 = jax.random.split(key, 3)
    inputs = jax.random.randint(k1, (B, 2), 0, N, dtype=jnp.int32)
    # learned parameters (torch init is zeros; use small noise for non-degenerate values)
    w_marg = jax.random.normal(k2, (N,), dtype=jnp.float32) * 0.02
    w_cond = jax.random.normal(k3, (N, N), dtype=jnp.float32) * 0.02
    return {"inputs": inputs, "w_marg": w_marg, "w_cond": w_cond}

def reference(inputs, w_marg, w_cond):
    # Model1.forward: split inputs into A (col 0) and B (col 1)
    a = inputs[:, 0]
    b = inputs[:, 1]
    # Marginal: w[a] - logsumexp(w)
    cste_a = jax.scipy.special.logsumexp(w_marg, axis=0)
    log_p_a = jnp.take(w_marg, a, axis=0) - cste_a
    # Conditional: w[a, b] - logsumexp(w[a], dim=1)
    rows = jnp.take(w_cond, a, axis=0)            # gather [B, N]
    cste_b = jax.scipy.special.logsumexp(rows, axis=1)
    log_p_b_a = w_cond[a, b] - cste_b
    return log_p_a + log_p_b_a

if __name__ == "__main__":
    import jax
    _d = setup_inputs()
    print(jax.jit(kernel)(*tuple(_d.values())))

</pallas_src>

<mosaic_0001>
#map = affine_map<(d0, d1) -> (0, 0)>
#map1 = affine_map<(d0, d1) -> (0)>
module attributes {stable_mosaic.version = 14 : i64} {
  func.func @_sc_wc_gather_body(%arg0: i32, %arg1: i32, %arg2: memref<128x128xi32, #tpu.memory_space<hbm>>, %arg3: memref<128x128xi32, #tpu.memory_space<hbm>>, %arg4: memref<67108864xf32, #tpu.memory_space<hbm>>, %arg5: memref<128x128xf32, #tpu.memory_space<hbm>>, %arg6: memref<4x128xi32, #tpu.memory_space<vmem>>, %arg7: memref<4x128xi32, #tpu.memory_space<vmem>>, %arg8: memref<4x128xf32, #tpu.memory_space<vmem>>, %arg9: memref<!tpu.dma_semaphore, #tpu.memory_space<semaphore_mem>>) attributes {dimension_semantics = [#tpu.dimension_semantics<core_parallel>, #tpu.dimension_semantics<subcore_parallel>], iteration_bounds = array<i64: 2, 16>, scalar_prefetch = 0 : i64, scratch_operands = 4 : i64, tpu.core_type = #tpu.core_type<sc_vector_subcore>, window_params = [{transform_indices = #map}, {transform_indices = #map}, {transform_indices = #map1}, {transform_indices = #map}]} {
    %mul3A = arith.constant 2 : i32
    %mul3A_0 = arith.muli %arg1, %mul3A : i32
    %add3A = arith.addi %mul3A_0, %arg0 : i32
    %mul3A_1 = arith.constant 4 : i32
    %mul3A_2 = arith.muli %add3A, %mul3A_1 : i32
    "tpu.region"() ({
      %run_scoped3A = tpu.sem_alloc : memref<!tpu.dma_semaphore, #tpu.memory_space<semaphore_mem>>
      %dma_start3A_1356 = arith.constant 0 : i32
      %dma_start3A_1357 = tpu.memref_slice %arg2[%mul3A_2, %dma_start3A_1356] : memref<128x128xi32, #tpu.memory_space<hbm>> -> memref<4x128xi32, #tpu.memory_space<hbm>>
      %dma_start3A_1358 = arith.constant 0 : i32
      %dma_start3A_1359 = tpu.memref_slice %arg2[%mul3A_2, %dma_start3A_1358] : memref<128x128xi32, #tpu.memory_space<hbm>> -> memref<4x128xi32, #tpu.memory_space<hbm>>
      tpu.enqueue_dma source(%dma_start3A_1359 : memref<4x128xi32, #tpu.memory_space<hbm>>) target(%arg6 : memref<4x128xi32, #tpu.memory_space<vmem>>) target_semaphore(%run_scoped3A : memref<!tpu.dma_semaphore, #tpu.memory_space<semaphore_mem>>)
      %dma_wait3A_1360 = arith.constant 0 : i32
      %dma_wait3A_1361 = tpu.memref_slice %arg2[%mul3A_2, %dma_wait3A_1360] : memref<128x128xi32, #tpu.memory_space<hbm>> -> memref<4x128xi32, #tpu.memory_space<hbm>>
      %dma_wait3A_1362 = arith.constant 0 : i32
      %dma_wait3A_1363 = tpu.memref_slice %arg2[%mul3A_2, %dma_wait3A_1362] : memref<128x128xi32, #tpu.memory_space<hbm>> -> memref<4x128xi32, #tpu.memory_space<hbm>>
      tpu.wait_dma2 semaphore(%run_scoped3A : memref<!tpu.dma_semaphore, #tpu.memory_space<semaphore_mem>>) src(%dma_wait3A_1363 : memref<4x128xi32, #tpu.memory_space<hbm>>) dst(%arg6 : memref<4x128xi32, #tpu.memory_space<vmem>>)
      tpu.yield
    }) : () -> ()
    "tpu.region"() ({
      %run_scoped3A = tpu.sem_alloc : memref<!tpu.dma_semaphore, #tpu.memory_space<semaphore_mem>>
      %dma_start3A_1356 = arith.constant 0 : i32
      %dma_start3A_1357 = tpu.memref_slice %arg3[%mul3A_2, %dma_start3A_1356] : memref<128x128xi32, #tpu.memory_space<hbm>> -> memref<4x128xi32, #tpu.memory_space<hbm>>
      %dma_start3A_1358 = arith.constant 0 : i32
      %dma_start3A_1359 = tpu.memref_slice %arg3[%mul3A_2, %dma_start3A_1358] : memref<128x128xi32, #tpu.memory_space<hbm>> -> memref<4x128xi32, #tpu.memory_space<hbm>>
      tpu.enqueue_dma source(%dma_start3A_1359 : memref<4x128xi32, #tpu.memory_space<hbm>>) target(%arg7 : memref<4x128xi32, #tpu.memory_space<vmem>>) target_semaphore(%run_scoped3A : memref<!tpu.dma_semaphore, #tpu.memory_space<semaphore_mem>>)
      %dma_wait3A_1360 = arith.constant 0 : i32
      %dma_wait3A_1361 = tpu.memref_slice %arg3[%mul3A_2, %dma_wait3A_1360] : memref<128x128xi32, #tpu.memory_space<hbm>> -> memref<4x128xi32, #tpu.memory_space<hbm>>
      %dma_wait3A_1362 = arith.constant 0 : i32
      %dma_wait3A_1363 = tpu.memref_slice %arg3[%mul3A_2, %dma_wait3A_1362] : memref<128x128xi32, #tpu.memory_space<hbm>> -> memref<4x128xi32, #tpu.memory_space<hbm>>
      tpu.wait_dma2 semaphore(%run_scoped3A : memref<!tpu.dma_semaphore, #tpu.memory_space<semaphore_mem>>) src(%dma_wait3A_1363 : memref<4x128xi32, #tpu.memory_space<hbm>>) dst(%arg7 : memref<4x128xi32, #tpu.memory_space<vmem>>)
      tpu.yield
    }) : () -> ()
    %get3A = arith.constant 0 : i32
    %get3A_3 = arith.index_cast %get3A : i32 to index
    %get3A_4 = arith.constant 0 : index
    %get3A_5 = tpu.vector_load %arg6[%get3A_3, %get3A_4] {strides = array<i32>} : memref<4x128xi32, #tpu.memory_space<vmem>>, vector<1x16xi32>,
    %get3A_6 = vector.shape_cast %get3A_5 : vector<1x16xi32> to vector<16xi32>
    %get3A_7 = arith.constant 0 : i32
    %get3A_8 = arith.index_cast %get3A_7 : i32 to index
    %get3A_9 = arith.constant 0 : index
    %get3A_10 = tpu.vector_load %arg7[%get3A_8, %get3A_9] {strides = array<i32>} : memref<4x128xi32, #tpu.memory_space<vmem>>, vector<1x16xi32>,
    %get3A_11 = vector.shape_cast %get3A_10 : vector<1x16xi32> to vector<16xi32>
    %shift_right_arithmetic3A = arith.constant 3 : i32
    %shift_right_arithmetic3A_12 = vector.broadcast %shift_right_arithmetic3A : i32 to vector<16xi32>
    %shift_right_arithmetic3A_13 = arith.shrsi %get3A_6, %shift_right_arithmetic3A_12 : vector<16xi32>
    %mul3A_14 = arith.constant 64 : i32
    %mul3A_15 = vector.broadcast %mul3A_14 : i32 to vector<16xi32>
    %mul3A_16 = arith.muli %shift_right_arithmetic3A_13, %mul3A_15 : vector<16xi32>
    %shift_right_arithmetic3A_17 = arith.constant 7 : i32
    %shift_right_arithmetic3A_18 = vector.broadcast %shift_right_arithmetic3A_17 : i32 to vector<16xi32>
    %shift_right_arithmetic3A_19 = arith.shrsi %get3A_11, %shift_right_arithmetic3A_18 : vector<16xi32>
    %add3A_20 = arith.addi %mul3A_16, %shift_right_arithmetic3A_19 : vector<16xi32>
    %mul3A_21 = arith.constant 1024 : i32
    %mul3A_22 = vector.broadcast %mul3A_21 : i32 to vector<16xi32>
    %mul3A_23 = arith.muli %add3A_20, %mul3A_22 : vector<16xi32>
    %and3A = arith.constant 7 : i32
    %and3A_24 = vector.broadcast %and3A : i32 to vector<16xi32>
    %and3A_25 = arith.andi %get3A_6, %and3A_24 : vector<16xi32>
    %shift_left3A = arith.constant 7 : i32
    %shift_left3A_26 = vector.broadcast %shift_left3A : i32 to vector<16xi32>
    %shift_left3A_27 = arith.shli %and3A_25, %shift_left3A_26 : vector<16xi32>
    %add3A_28 = arith.addi %mul3A_23, %shift_left3A_27 : vector<16xi32>
    %and3A_29 = arith.constant 127 : i32
    %and3A_30 = vector.broadcast %and3A_29 : i32 to vector<16xi32>
    %and3A_31 = arith.andi %get3A_11, %and3A_30 : vector<16xi32>
    %add3A_32 = arith.addi %add3A_28, %and3A_31 : vector<16xi32>
    %swap3A = arith.constant 0 : i32
    %swap3A_33 = arith.index_cast %swap3A : i32 to index
    %swap3A_34 = arith.constant 0 : index
    %swap3A_35 = tpu.vector_load %arg7[%swap3A_33, %swap3A_34] {strides = array<i32>} : memref<4x128xi32, #tpu.memory_space<vmem>>, vector<1x16xi32>,
    %swap3A_36 = vector.shape_cast %swap3A_35 : vector<1x16xi32> to vector<16xi32>
    %swap3A_37 = vector.shape_cast %add3A_32 : vector<16xi32> to vector<1x16xi32>
    tpu.vector_store %arg7[%swap3A_33, %swap3A_34], %swap3A_37 {strides = array<i32>} : memref<4x128xi32, #tpu.memory_space<vmem>>, vector<1x16xi32>,
    %get3A_38 = arith.constant 0 : i32
    %get3A_39 = arith.index_cast %get3A_38 : i32 to index
    %get3A_40 = arith.constant 16 : index
    %get3A_41 = tpu.vector_load %arg6[%get3A_39, %get3A_40] {strides = array<i32>} : memref<4x128xi32, #tpu.memory_space<vmem>>, vector<1x16xi32>,
    %get3A_42 = vector.shape_cast %get3A_41 : vector<1x16xi32> to vector<16xi32>
    %get3A_43 = arith.constant 0 : i32
    %get3A_44 = arith.index_cast %get3A_43 : i32 to index
    %get3A_45 = arith.constant 16 : index
    %get3A_46 = tpu.vector_load %arg7[%get3A_44, %get3A_45] {strides = array<i32>} : memref<4x128xi32, #tpu.memory_space<vmem>>, vector<1x16xi32>,
    %get3A_47 = vector.shape_cast %get3A_46 : vector<1x16xi32> to vector<16xi32>
    %shift_right_arithmetic3A_48 = arith.constant 3 : i32
    %shift_right_arithmetic3A_49 = vector.broadcast %shift_right_arithmetic3A_48 : i32 to vector<16xi32>
    %shift_right_arithmetic3A_50 = arith.shrsi %get3A_42, %shift_right_arithmetic3A_49 : vector<16xi32>
    %mul3A_51 = arith.constant 64 : i32
    %mul3A_52 = vector.broadcast %mul3A_51 : i32 to vector<16xi32>
    %mul3A_53 = arith.muli %shift_right_arithmetic3A_50, %mul3A_52 : vector<16xi32>
    %shift_right_arithmetic3A_54 = arith.constant 7 : i32
    %shift_right_arithmetic3A_55 = vector.broadcast %shift_right_arithmetic3A_54 : i32 to vector<16xi32>
    %shift_right_arithmetic3A_56 = arith.shrsi %get3A_47, %shift_right_arithmetic3A_55 : vector<16xi32>
    %add3A_57 = arith.addi %mul3A_53, %shift_right_arithmetic3A_56 : vector<16xi32>
    %mul3A_58 = arith.constant 1024 : i32
    %mul3A_59 = vector.broadcast %mul3A_58 : i32 to vector<16xi32>
    %mul3A_60 = arith.muli %add3A_57, %mul3A_59 : vector<16xi32>
    %and3A_61 = arith.constant 7 : i32
    %and3A_62 = vector.broadcast %and3A_61 : i32 to vector<16xi32>
    %and3A_63 = arith.andi %get3A_42, %and3A_62 : vector<16xi32>
    %shift_left3A_64 = arith.constant 7 : i32
    %shift_left3A_65 = vector.broadcast %shift_left3A_64 : i32 to vector<16xi32>
    %shift_left3A_66 = arith.shli %and3A_63, %shift_left3A_65 : vector<16xi32>
    %add3A_67 = arith.addi %mul3A_60, %shift_left3A_66 : vector<16xi32>
    %and3A_68 = arith.constant 127 : i32
    %and3A_69 = vector.broadcast %and3A_68 : i32 to vector<16xi32>
    %and3A_70 = arith.andi %get3A_47, %and3A_69 : vector<16xi32>
    %add3A_71 = arith.addi %add3A_67, %and3A_70 : vector<16xi32>
    %swap3A_72 = arith.constant 0 : i32
    %swap3A_73 = arith.index_cast %swap3A_72 : i32 to index
    %swap3A_74 = arith.constant 16 : index
    %swap3A_75 = tpu.vector_load %arg7[%swap3A_73, %swap3A_74] {strides = array<i32>} : memref<4x128xi32, #tpu.memory_space<vmem>>, vector<1x16xi32>,
    %swap3A_76 = vector.shape_cast %swap3A_75 : vector<1x16xi32> to vector<16xi32>
    %swap3A_77 = vector.shape_cast %add3A_71 : vector<16xi32> to vector<1x16xi32>
    tpu.vector_store %arg7[%swap3A_73, %swap3A_74], %swap3A_77 {strides = array<i32>} : memref<4x128xi32, #tpu.memory_space<vmem>>, vector<1x16xi32>,
    %get3A_78 = arith.constant 0 : i32
    %get3A_79 = arith.index_cast %get3A_78 : i32 to index
    %get3A_80 = arith.constant 32 : index
    %get3A_81 = tpu.vector_load %arg6[%get3A_79, %get3A_80] {strides = array<i32>} : memref<4x128xi32, #tpu.memory_space<vmem>>, vector<1x16xi32>,
    %get3A_82 = vector.shape_cast %get3A_81 : vector<1x16xi32> to vector<16xi32>
    %get3A_83 = arith.constant 0 : i32
    %get3A_84 = arith.index_cast %get3A_83 : i32 to index
    %get3A_85 = arith.constant 32 : index
    %get3A_86 = tpu.vector_load %arg7[%get3A_84, %get3A_85] {strides = array<i32>} : memref<4x128xi32, #tpu.memory_space<vmem>>, vector<1x16xi32>,
    %get3A_87 = vector.shape_cast %get3A_86 : vector<1x16xi32> to vector<16xi32>
    %shift_right_arithmetic3A_88 = arith.constant 3 : i32
    %shift_right_arithmetic3A_89 = vector.broadcast %shift_right_arithmetic3A_88 : i32 to vector<16xi32>
    %shift_right_arithmetic3A_90 = arith.shrsi %get3A_82, %shift_right_arithmetic3A_89 : vector<16xi32>
    %mul3A_91 = arith.constant 64 : i32
    %mul3A_92 = vector.broadcast %mul3A_91 : i32 to vector<16xi32>
    %mul3A_93 = arith.muli %shift_right_arithmetic3A_90, %mul3A_92 : vector<16xi32>
    %shift_right_arithmetic3A_94 = arith.constant 7 : i32
    %shift_right_arithmetic3A_95 = vector.broadcast %shift_right_arithmetic3A_94 : i32 to vector<16xi32>
    %shift_right_arithmetic3A_96 = arith.shrsi %get3A_87, %shift_right_arithmetic3A_95 : vector<16xi32>
    %add3A_97 = arith.addi %mul3A_93, %shift_right_arithmetic3A_96 : vector<16xi32>
    %mul3A_98 = arith.constant 1024 : i32
    %mul3A_99 = vector.broadcast %mul3A_98 : i32 to vector<16xi32>
    %mul3A_100 = arith.muli %add3A_97, %mul3A_99 : vector<16xi32>
    %and3A_101 = arith.constant 7 : i32
    %and3A_102 = vector.broadcast %and3A_101 : i32 to vector<16xi32>
    %and3A_103 = arith.andi %get3A_82, %and3A_102 : vector<16xi32>
    %shift_left3A_104 = arith.constant 7 : i32
    %shift_left3A_105 = vector.broadcast %shift_left3A_104 : i32 to vector<16xi32>
    %shift_left3A_106 = arith.shli %and3A_103, %shift_left3A_105 : vector<16xi32>
    %add3A_107 = arith.addi %mul3A_100, %shift_left3A_106 : vector<16xi32>
    %and3A_108 = arith.constant 127 : i32
    %and3A_109 = vector.broadcast %and3A_108 : i32 to vector<16xi32>
    %and3A_110 = arith.andi %get3A_87, %and3A_109 : vector<16xi32>
    %add3A_111 = arith.addi %add3A_107, %and3A_110 : vector<16xi32>
    %swap3A_112 = arith.constant 0 : i32
    %swap3A_113 = arith.index_cast %swap3A_112 : i32 to index
    %swap3A_114 = arith.constant 32 : index
    %swap3A_115 = tpu.vector_load %arg7[%swap3A_113, %swap3A_114] {strides = array<i32>} : memref<4x128xi32, #tpu.memory_space<vmem>>, vector<1x16xi32>,
    %swap3A_116 = vector.shape_cast %swap3A_115 : vector<1x16xi32> to vector<16xi32>
    %swap3A_117 = vector.shape_cast %add3A_111 : vector<16xi32> to vector<1x16xi32>
    tpu.vector_store %arg7[%swap3A_113, %swap3A_114], %swap3A_117 {strides = array<i32>} : memref<4x128xi32, #tpu.memory_space<vmem>>, vector<1x16xi32>,
    %get3A_118 = arith.constant 0 : i32
    %get3A_119 = arith.index_cast %get3A_118 : i32 to index
    %get3A_120 = arith.constant 48 : index
    %get3A_121 = tpu.vector_load %arg6[%get3A_119, %get3A_120] {strides = array<i32>} : memref<4x128xi32, #tpu.memory_space<vmem>>, vector<1x16xi32>,
    %get3A_122 = vector.shape_cast %get3A_121 : vector<1x16xi32> to vector<16xi32>
    %get3A_123 = arith.constant 0 : i32
    %get3A_124 = arith.index_cast %get3A_123 : i32 to index
    %get3A_125 = arith.constant 48 : index
    %get3A_126 = tpu.vector_load %arg7[%get3A_124, %get3A_125] {strides = array<i32>} : memref<4x128xi32, #tpu.memory_space<vmem>>, vector<1x16xi32>,
    %get3A_127 = vector.shape_cast %get3A_126 : vector<1x16xi32> to vector<16xi32>
    %shift_right_arithmetic3A_128 = arith.constant 3 : i32
    %shift_right_arithmetic3A_129 = vector.broadcast %shift_right_arithmetic3A_128 : i32 to vector<16xi32>
    %shift_right_arithmetic3A_130 = arith.shrsi %get3A_122, %shift_right_arithmetic3A_129 : vector<16xi32>
    %mul3A_131 = arith.constant 64 : i32
    %mul3A_132 = vector.broadcast %mul3A_131 : i32 to vector<16xi32>
    %mul3A_133 = arith.muli %shift_right_arithmetic3A_130, %mul3A_132 : vector<16xi32>
    %shift_right_arithmetic3A_134 = arith.constant 7 : i32
    %shift_right_arithmetic3A_135 = vector.broadcast %shift_right_arithmetic3A_134 : i32 to vector<16xi32>
    %shift_right_arithmetic3A_136 = arith.shrsi %get3A_127, %shift_right_arithmetic3A_135 : vector<16xi32>
    %add3A_137 = arith.addi %mul3A_133, %shift_right_arithmetic3A_136 : vector<16xi32>
    %mul3A_138 = arith.constant 1024 : i32
    %mul3A_139 = vector.broadcast %mul3A_138 : i32 to vector<16xi32>
    %mul3A_140 = arith.muli %add3A_137, %mul3A_139 : vector<16xi32>
    %and3A_141 = arith.constant 7 : i32
    %and3A_142 = vector.broadcast %and3A_141 : i32 to vector<16xi32>
    %and3A_143 = arith.andi %get3A_122, %and3A_142 : vector<16xi32>
    %shift_left3A_144 = arith.constant 7 : i32
    %shift_left3A_145 = vector.broadcast %shift_left3A_144 : i32 to vector<16xi32>
    %shift_left3A_146 = arith.shli %and3A_143, %shift_left3A_145 : vector<16xi32>
    %add3A_147 = arith.addi %mul3A_140, %shift_left3A_146 : vector<16xi32>
    %and3A_148 = arith.constant 127 : i32
    %and3A_149 = vector.broadcast %and3A_148 : i32 to vector<16xi32>
    %and3A_150 = arith.andi %get3A_127, %and3A_149 : vector<16xi32>
    %add3A_151 = arith.addi %add3A_147, %and3A_150 : vector<16xi32>
    %swap3A_152 = arith.constant 0 : i32
    %swap3A_153 = arith.index_cast %swap3A_152 : i32 to index
    %swap3A_154 = arith.constant 48 : index
    %swap3A_155 = tpu.vector_load %arg7[%swap3A_153, %swap3A_154] {strides = array<i32>} : memref<4x128xi32, #tpu.memory_space<vmem>>, vector<1x16xi32>,
    %swap3A_156 = vector.shape_cast %swap3A_155 : vector<1x16xi32> to vector<16xi32>
    %swap3A_157 = vector.shape_cast %add3A_151 : vector<16xi32> to vector<1x16xi32>
    tpu.vector_store %arg7[%swap3A_153, %swap3A_154], %swap3A_157 {strides = array<i32>} : memref<4x128xi32, #tpu.memory_space<vmem>>, vector<1x16xi32>,
    %get3A_158 = arith.constant 0 : i32
    %get3A_159 = arith.index_cast %get3A_158 : i32 to index
    %get3A_160 = arith.constant 64 : index
    %get3A_161 = tpu.vector_load %arg6[%get3A_159, %get3A_160] {strides = array<i32>} : memref<4x128xi32, #tpu.memory_space<vmem>>, vector<1x16xi32>,
    %get3A_162 = vector.shape_cast %get3A_161 : vector<1x16xi32> to vector<16xi32>
    %get3A_163 = arith.constant 0 : i32
    %get3A_164 = arith.index_cast %get3A_163 : i32 to index
    %get3A_165 = arith.constant 64 : index
    %get3A_166 = tpu.vector_load %arg7[%get3A_164, %get3A_165] {strides = array<i32>} : memref<4x128xi32, #tpu.memory_space<vmem>>, vector<1x16xi32>,
    %get3A_167 = vector.shape_cast %get3A_166 : vector<1x16xi32> to vector<16xi32>
    %shift_right_arithmetic3A_168 = arith.constant 3 : i32
    %shift_right_arithmetic3A_169 = vector.broadcast %shift_right_arithmetic3A_168 : i32 to vector<16xi32>
    %shift_right_arithmetic3A_170 = arith.shrsi %get3A_162, %shift_right_arithmetic3A_169 : vector<16xi32>
    %mul3A_171 = arith.constant 64 : i32
    %mul3A_172 = vector.broadcast %mul3A_171 : i32 to vector<16xi32>
    %mul3A_173 = arith.muli %shift_right_arithmetic3A_170, %mul3A_172 : vector<16xi32>
    %shift_right_arithmetic3A_174 = arith.constant 7 : i32
    %shift_right_arithmetic3A_175 = vector.broadcast %shift_right_arithmetic3A_174 : i32 to vector<16xi32>
    %shift_right_arithmetic3A_176 = arith.shrsi %get3A_167, %shift_right_arithmetic3A_175 : vector<16xi32>
    %add3A_177 = arith.addi %mul3A_173, %shift_right_arithmetic3A_176 : vector<16xi32>
    %mul3A_178 = arith.constant 1024 : i32
    %mul3A_179 = vector.broadcast %mul3A_178 : i32 to vector<16xi32>
    %mul3A_180 = arith.muli %add3A_177, %mul3A_179 : vector<16xi32>
    %and3A_181 = arith.constant 7 : i32
    %and3A_182 = vector.broadcast %and3A_181 : i32 to vector<16xi32>
    %and3A_183 = arith.andi %get3A_162, %and3A_182 : vector<16xi32>
    %shift_left3A_184 = arith.constant 7 : i32
    %shift_left3A_185 = vector.broadcast %shift_left3A_184 : i32 to vector<16xi32>
    %shift_left3A_186 = arith.shli %and3A_183, %shift_left3A_185 : vector<16xi32>
    %add3A_187 = arith.addi %mul3A_180, %shift_left3A_186 : vector<16xi32>
    %and3A_188 = arith.constant 127 : i32
    %and3A_189 = vector.broadcast %and3A_188 : i32 to vector<16xi32>
    %and3A_190 = arith.andi %get3A_167, %and3A_189 : vector<16xi32>
    %add3A_191 = arith.addi %add3A_187, %and3A_190 : vector<16xi32>
    %swap3A_192 = arith.constant 0 : i32
    %swap3A_193 = arith.index_cast %swap3A_192 : i32 to index
    %swap3A_194 = arith.constant 64 : index
    %swap3A_195 = tpu.vector_load %arg7[%swap3A_193, %swap3A_194] {strides = array<i32>} : memref<4x128xi32, #tpu.memory_space<vmem>>, vector<1x16xi32>,
    %swap3A_196 = vector.shape_cast %swap3A_195 : vector<1x16xi32> to vector<16xi32>
    %swap3A_197 = vector.shape_cast %add3A_191 : vector<16xi32> to vector<1x16xi32>
    tpu.vector_store %arg7[%swap3A_193, %swap3A_194], %swap3A_197 {strides = array<i32>} : memref<4x128xi32, #tpu.memory_space<vmem>>, vector<1x16xi32>,
    %get3A_198 = arith.constant 0 : i32
    %get3A_199 = arith.index_cast %get3A_198 : i32 to index
    %get3A_200 = arith.constant 80 : index
    %get3A_201 = tpu.vector_load %arg6[%get3A_199, %get3A_200] {strides = array<i32>} : memref<4x128xi32, #tpu.memory_space<vmem>>, vector<1x16xi32>,
    %get3A_202 = vector.shape_cast %get3A_201 : vector<1x16xi32> to vector<16xi32>
    %get3A_203 = arith.constant 0 : i32
    %get3A_204 = arith.index_cast %get3A_203 : i32 to index
    %get3A_205 = arith.constant 80 : index
    %get3A_206 = tpu.vector_load %arg7[%get3A_204, %get3A_205] {strides = array<i32>} : memref<4x128xi32, #tpu.memory_space<vmem>>, vector<1x16xi32>,
    %get3A_207 = vector.shape_cast %get3A_206 : vector<1x16xi32> to vector<16xi32>
    %shift_right_arithmetic3A_208 = arith.constant 3 : i32
    %shift_right_arithmetic3A_209 = vector.broadcast %shift_right_arithmetic3A_208 : i32 to vector<16xi32>
    %shift_right_arithmetic3A_210 = arith.shrsi %get3A_202, %shift_right_arithmetic3A_209 : vector<16xi32>
    %mul3A_211 = arith.constant 64 : i32
    %mul3A_212 = vector.broadcast %mul3A_211 : i32 to vector<16xi32>
    %mul3A_213 = arith.muli %shift_right_arithmetic3A_210, %mul3A_212 : vector<16xi32>
    %shift_right_arithmetic3A_214 = arith.constant 7 : i32
    %shift_right_arithmetic3A_215 = vector.broadcast %shift_right_arithmetic3A_214 : i32 to vector<16xi32>
    %shift_right_arithmetic3A_216 = arith.shrsi %get3A_207, %shift_right_arithmetic3A_215 : vector<16xi32>
    %add3A_217 = arith.addi %mul3A_213, %shift_right_arithmetic3A_216 : vector<16xi32>
    %mul3A_218 = arith.constant 1024 : i32
    %mul3A_219 = vector.broadcast %mul3A_218 : i32 to vector<16xi32>
    %mul3A_220 = arith.muli %add3A_217, %mul3A_219 : vector<16xi32>
    %and3A_221 = arith.constant 7 : i32
    %and3A_222 = vector.broadcast %and3A_221 : i32 to vector<16xi32>
    %and3A_223 = arith.andi %get3A_202, %and3A_222 : vector<16xi32>
    %shift_left3A_224 = arith.constant 7 : i32
    %shift_left3A_225 = vector.broadcast %shift_left3A_224 : i32 to vector<16xi32>
    %shift_left3A_226 = arith.shli %and3A_223, %shift_left3A_225 : vector<16xi32>
    %add3A_227 = arith.addi %mul3A_220, %shift_left3A_226 : vector<16xi32>
    %and3A_228 = arith.constant 127 : i32
    %and3A_229 = vector.broadcast %and3A_228 : i32 to vector<16xi32>
    %and3A_230 = arith.andi %get3A_207, %and3A_229 : vector<16xi32>
    %add3A_231 = arith.addi %add3A_227, %and3A_230 : vector<16xi32>
    %swap3A_232 = arith.constant 0 : i32
    %swap3A_233 = arith.index_cast %swap3A_232 : i32 to index
    %swap3A_234 = arith.constant 80 : index
    %swap3A_235 = tpu.vector_load %arg7[%swap3A_233, %swap3A_234] {strides = array<i32>} : memref<4x128xi32, #tpu.memory_space<vmem>>, vector<1x16xi32>,
    %swap3A_236 = vector.shape_cast %swap3A_235 : vector<1x16xi32> to vector<16xi32>
    %swap3A_237 = vector.shape_cast %add3A_231 : vector<16xi32> to vector<1x16xi32>
    tpu.vector_store %arg7[%swap3A_233, %swap3A_234], %swap3A_237 {strides = array<i32>} : memref<4x128xi32, #tpu.memory_space<vmem>>, vector<1x16xi32>,
    %get3A_238 = arith.constant 0 : i32
    %get3A_239 = arith.index_cast %get3A_238 : i32 to index
    %get3A_240 = arith.constant 96 : index
    %get3A_241 = tpu.vector_load %arg6[%get3A_239, %get3A_240] {strides = array<i32>} : memref<4x128xi32, #tpu.memory_space<vmem>>, vector<1x16xi32>,
    %get3A_242 = vector.shape_cast %get3A_241 : vector<1x16xi32> to vector<16xi32>
    %get3A_243 = arith.constant 0 : i32
    %get3A_244 = arith.index_cast %get3A_243 : i32 to index
    %get3A_245 = arith.constant 96 : index
    %get3A_246 = tpu.vector_load %arg7[%get3A_244, %get3A_245] {strides = array<i32>} : memref<4x128xi32, #tpu.memory_space<vmem>>, vector<1x16xi32>,
    %get3A_247 = vector.shape_cast %get3A_246 : vector<1x16xi32> to vector<16xi32>
    %shift_right_arithmetic3A_248 = arith.constant 3 : i32
    %shift_right_arithmetic3A_249 = vector.broadcast %shift_right_arithmetic3A_248 : i32 to vector<16xi32>
    %shift_right_arithmetic3A_250 = arith.shrsi %get3A_242, %shift_right_arithmetic3A_249 : vector<16xi32>
    %mul3A_251 = arith.constant 64 : i32
    %mul3A_252 = vector.broadcast %mul3A_251 : i32 to vector<16xi32>
    %mul3A_253 = arith.muli %shift_right_arithmetic3A_250, %mul3A_252 : vector<16xi32>
    %shift_right_arithmetic3A_254 = arith.constant 7 : i32
    %shift_right_arithmetic3A_255 = vector.broadcast %shift_right_arithmetic3A_254 : i32 to vector<16xi32>
    %shift_right_arithmetic3A_256 = arith.shrsi %get3A_247, %shift_right_arithmetic3A_255 : vector<16xi32>
    %add3A_257 = arith.addi %mul3A_253, %shift_right_arithmetic3A_256 : vector<16xi32>
    %mul3A_258 = arith.constant 1024 : i32
    %mul3A_259 = vector.broadcast %mul3A_258 : i32 to vector<16xi32>
    %mul3A_260 = arith.muli %add3A_257, %mul3A_259 : vector<16xi32>
    %and3A_261 = arith.constant 7 : i32
    %and3A_262 = vector.broadcast %and3A_261 : i32 to vector<16xi32>
    %and3A_263 = arith.andi %get3A_242, %and3A_262 : vector<16xi32>
    %shift_left3A_264 = arith.constant 7 : i32
    %shift_left3A_265 = vector.broadcast %shift_left3A_264 : i32 to vector<16xi32>
    %shift_left3A_266 = arith.shli %and3A_263, %shift_left3A_265 : vector<16xi32>
    %add3A_267 = arith.addi %mul3A_260, %shift_left3A_266 : vector<16xi32>
    %and3A_268 = arith.constant 127 : i32
    %and3A_269 = vector.broadcast %and3A_268 : i32 to vector<16xi32>
    %and3A_270 = arith.andi %get3A_247, %and3A_269 : vector<16xi32>
    %add3A_271 = arith.addi %add3A_267, %and3A_270 : vector<16xi32>
    %swap3A_272 = arith.constant 0 : i32
    %swap3A_273 = arith.index_cast %swap3A_272 : i32 to index
    %swap3A_274 = arith.constant 96 : index
    %swap3A_275 = tpu.vector_load %arg7[%swap3A_273, %swap3A_274] {strides = array<i32>} : memref<4x128xi32, #tpu.memory_space<vmem>>, vector<1x16xi32>,
    %swap3A_276 = vector.shape_cast %swap3A_275 : vector<1x16xi32> to vector<16xi32>
    %swap3A_277 = vector.shape_cast %add3A_271 : vector<16xi32> to vector<1x16xi32>
    tpu.vector_store %arg7[%swap3A_273, %swap3A_274], %swap3A_277 {strides = array<i32>} : memref<4x128xi32, #tpu.memory_space<vmem>>, vector<1x16xi32>,
    %get3A_278 = arith.constant 0 : i32
    %get3A_279 = arith.index_cast %get3A_278 : i32 to index
    %get3A_280 = arith.constant 112 : index
    %get3A_281 = tpu.vector_load %arg6[%get3A_279, %get3A_280] {strides = array<i32>} : memref<4x128xi32, #tpu.memory_space<vmem>>, vector<1x16xi32>,
    %get3A_282 = vector.shape_cast %get3A_281 : vector<1x16xi32> to vector<16xi32>
    %get3A_283 = arith.constant 0 : i32
    %get3A_284 = arith.index_cast %get3A_283 : i32 to index
    %get3A_285 = arith.constant 112 : index
    %get3A_286 = tpu.vector_load %arg7[%get3A_284, %get3A_285] {strides = array<i32>} : memref<4x128xi32, #tpu.memory_space<vmem>>, vector<1x16xi32>,
    %get3A_287 = vector.shape_cast %get3A_286 : vector<1x16xi32> to vector<16xi32>
    %shift_right_arithmetic3A_288 = arith.constant 3 : i32
    %shift_right_arithmetic3A_289 = vector.broadcast %shift_right_arithmetic3A_288 : i32 to vector<16xi32>
    %shift_right_arithmetic3A_290 = arith.shrsi %get3A_282, %shift_right_arithmetic3A_289 : vector<16xi32>
    %mul3A_291 = arith.constant 64 : i32
    %mul3A_292 = vector.broadcast %mul3A_291 : i32 to vector<16xi32>
    %mul3A_293 = arith.muli %shift_right_arithmetic3A_290, %mul3A_292 : vector<16xi32>
    %shift_right_arithmetic3A_294 = arith.constant 7 : i32
    %shift_right_arithmetic3A_295 = vector.broadcast %shift_right_arithmetic3A_294 : i32 to vector<16xi32>
    %shift_right_arithmetic3A_296 = arith.shrsi %get3A_287, %shift_right_arithmetic3A_295 : vector<16xi32>
    %add3A_297 = arith.addi %mul3A_293, %shift_right_arithmetic3A_296 : vector<16xi32>
    %mul3A_298 = arith.constant 1024 : i32
    %mul3A_299 = vector.broadcast %mul3A_298 : i32 to vector<16xi32>
    %mul3A_300 = arith.muli %add3A_297, %mul3A_299 : vector<16xi32>
    %and3A_301 = arith.constant 7 : i32
    %and3A_302 = vector.broadcast %and3A_301 : i32 to vector<16xi32>
    %and3A_303 = arith.andi %get3A_282, %and3A_302 : vector<16xi32>
    %shift_left3A_304 = arith.constant 7 : i32
    %shift_left3A_305 = vector.broadcast %shift_left3A_304 : i32 to vector<16xi32>
    %shift_left3A_306 = arith.shli %and3A_303, %shift_left3A_305 : vector<16xi32>
    %add3A_307 = arith.addi %mul3A_300, %shift_left3A_306 : vector<16xi32>
    %and3A_308 = arith.constant 127 : i32
    %and3A_309 = vector.broadcast %and3A_308 : i32 to vector<16xi32>
    %and3A_310 = arith.andi %get3A_287, %and3A_309 : vector<16xi32>
    %add3A_311 = arith.addi %add3A_307, %and3A_310 : vector<16xi32>
    %swap3A_312 = arith.constant 0 : i32
    %swap3A_313 = arith.index_cast %swap3A_312 : i32 to index
    %swap3A_314 = arith.constant 112 : index
    %swap3A_315 = tpu.vector_load %arg7[%swap3A_313, %swap3A_314] {strides = array<i32>} : memref<4x128xi32, #tpu.memory_space<vmem>>, vector<1x16xi32>,
    %swap3A_316 = vector.shape_cast %swap3A_315 : vector<1x16xi32> to vector<16xi32>
    %swap3A_317 = vector.shape_cast %add3A_311 : vector<16xi32> to vector<1x16xi32>
    tpu.vector_store %arg7[%swap3A_313, %swap3A_314], %swap3A_317 {strides = array<i32>} : memref<4x128xi32, #tpu.memory_space<vmem>>, vector<1x16xi32>,
    %get3A_318 = arith.constant 1 : i32
    %get3A_319 = arith.index_cast %get3A_318 : i32 to index
    %get3A_320 = arith.constant 0 : index
    %get3A_321 = tpu.vector_load %arg6[%get3A_319, %get3A_320] {strides = array<i32>} : memref<4x128xi32, #tpu.memory_space<vmem>>, vector<1x16xi32>,
    %get3A_322 = vector.shape_cast %get3A_321 : vector<1x16xi32> to vector<16xi32>
    %get3A_323 = arith.constant 1 : i32
    %get3A_324 = arith.index_cast %get3A_323 : i32 to index
    %get3A_325 = arith.constant 0 : index
    %get3A_326 = tpu.vector_load %arg7[%get3A_324, %get3A_325] {strides = array<i32>} : memref<4x128xi32, #tpu.memory_space<vmem>>, vector<1x16xi32>,
    %get3A_327 = vector.shape_cast %get3A_326 : vector<1x16xi32> to vector<16xi32>
    %shift_right_arithmetic3A_328 = arith.constant 3 : i32
    %shift_right_arithmetic3A_329 = vector.broadcast %shift_right_arithmetic3A_328 : i32 to vector<16xi32>
    %shift_right_arithmetic3A_330 = arith.shrsi %get3A_322, %shift_right_arithmetic3A_329 : vector<16xi32>
    %mul3A_331 = arith.constant 64 : i32
    %mul3A_332 = vector.broadcast %mul3A_331 : i32 to vector<16xi32>
    %mul3A_333 = arith.muli %shift_right_arithmetic3A_330, %mul3A_332 : vector<16xi32>
    %shift_right_arithmetic3A_334 = arith.constant 7 : i32
    %shift_right_arithmetic3A_335 = vector.broadcast %shift_right_arithmetic3A_334 : i32 to vector<16xi32>
    %shift_right_arithmetic3A_336 = arith.shrsi %get3A_327, %shift_right_arithmetic3A_335 : vector<16xi32>
    %add3A_337 = arith.addi %mul3A_333, %shift_right_arithmetic3A_336 : vector<16xi32>
    %mul3A_338 = arith.constant 1024 : i32
    %mul3A_339 = vector.broadcast %mul3A_338 : i32 to vector<16xi32>
    %mul3A_340 = arith.muli %add3A_337, %mul3A_339 : vector<16xi32>
    %and3A_341 = arith.constant 7 : i32
    %and3A_342 = vector.broadcast %and3A_341 : i32 to vector<16xi32>
    %and3A_343 = arith.andi %get3A_322, %and3A_342 : vector<16xi32>
    %shift_left3A_344 = arith.constant 7 : i32
    %shift_left3A_345 = vector.broadcast %shift_left3A_344 : i32 to vector<16xi32>
    %shift_left3A_346 = arith.shli %and3A_343, %shift_left3A_345 : vector<16xi32>
    %add3A_347 = arith.addi %mul3A_340, %shift_left3A_346 : vector<16xi32>
    %and3A_348 = arith.constant 127 : i32
    %and3A_349 = vector.broadcast %and3A_348 : i32 to vector<16xi32>
    %and3A_350 = arith.andi %get3A_327, %and3A_349 : vector<16xi32>
    %add3A_351 = arith.addi %add3A_347, %and3A_350 : vector<16xi32>
    %swap3A_352 = arith.constant 1 : i32
    %swap3A_353 = arith.index_cast %swap3A_352 : i32 to index
    %swap3A_354 = arith.constant 0 : index
    %swap3A_355 = tpu.vector_load %arg7[%swap3A_353, %swap3A_354] {strides = array<i32>} : memref<4x128xi32, #tpu.memory_space<vmem>>, vector<1x16xi32>,
    %swap3A_356 = vector.shape_cast %swap3A_355 : vector<1x16xi32> to vector<16xi32>
    %swap3A_357 = vector.shape_cast %add3A_351 : vector<16xi32> to vector<1x16xi32>
    tpu.vector_store %arg7[%swap3A_353, %swap3A_354], %swap3A_357 {strides = array<i32>} : memref<4x128xi32, #tpu.memory_space<vmem>>, vector<1x16xi32>,
    %get3A_358 = arith.constant 1 : i32
    %get3A_359 = arith.index_cast %get3A_358 : i32 to index
    %get3A_360 = arith.constant 16 : index
    %get3A_361 = tpu.vector_load %arg6[%get3A_359, %get3A_360] {strides = array<i32>} : memref<4x128xi32, #tpu.memory_space<vmem>>, vector<1x16xi32>,
    %get3A_362 = vector.shape_cast %get3A_361 : vector<1x16xi32> to vector<16xi32>
    %get3A_363 = arith.constant 1 : i32
    %get3A_364 = arith.index_cast %get3A_363 : i32 to index
    %get3A_365 = arith.constant 16 : index
    %get3A_366 = tpu.vector_load %arg7[%get3A_364, %get3A_365] {strides = array<i32>} : memref<4x128xi32, #tpu.memory_space<vmem>>, vector<1x16xi32>,
    %get3A_367 = vector.shape_cast %get3A_366 : vector<1x16xi32> to vector<16xi32>
    %shift_right_arithmetic3A_368 = arith.constant 3 : i32
    %shift_right_arithmetic3A_369 = vector.broadcast %shift_right_arithmetic3A_368 : i32 to vector<16xi32>
    %shift_right_arithmetic3A_370 = arith.shrsi %get3A_362, %shift_right_arithmetic3A_369 : vector<16xi32>
    %mul3A_371 = arith.constant 64 : i32
    %mul3A_372 = vector.broadcast %mul3A_371 : i32 to vector<16xi32>
    %mul3A_373 = arith.muli %shift_right_arithmetic3A_370, %mul3A_372 : vector<16xi32>
    %shift_right_arithmetic3A_374 = arith.constant 7 : i32
    %shift_right_arithmetic3A_375 = vector.broadcast %shift_right_arithmetic3A_374 : i32 to vector<16xi32>
    %shift_right_arithmetic3A_376 = arith.shrsi %get3A_367, %shift_right_arithmetic3A_375 : vector<16xi32>
    %add3A_377 = arith.addi %mul3A_373, %shift_right_arithmetic3A_376 : vector<16xi32>
    %mul3A_378 = arith.constant 1024 : i32
    %mul3A_379 = vector.broadcast %mul3A_378 : i32 to vector<16xi32>
    %mul3A_380 = arith.muli %add3A_377, %mul3A_379 : vector<16xi32>
    %and3A_381 = arith.constant 7 : i32
    %and3A_382 = vector.broadcast %and3A_381 : i32 to vector<16xi32>
    %and3A_383 = arith.andi %get3A_362, %and3A_382 : vector<16xi32>
    %shift_left3A_384 = arith.constant 7 : i32
    %shift_left3A_385 = vector.broadcast %shift_left3A_384 : i32 to vector<16xi32>
    %shift_left3A_386 = arith.shli %and3A_383, %shift_left3A_385 : vector<16xi32>
    %add3A_387 = arith.addi %mul3A_380, %shift_left3A_386 : vector<16xi32>
    %and3A_388 = arith.constant 127 : i32
    %and3A_389 = vector.broadcast %and3A_388 : i32 to vector<16xi32>
    %and3A_390 = arith.andi %get3A_367, %and3A_389 : vector<16xi32>
    %add3A_391 = arith.addi %add3A_387, %and3A_390 : vector<16xi32>
    %swap3A_392 = arith.constant 1 : i32
    %swap3A_393 = arith.index_cast %swap3A_392 : i32 to index
    %swap3A_394 = arith.constant 16 : index
    %swap3A_395 = tpu.vector_load %arg7[%swap3A_393, %swap3A_394] {strides = array<i32>} : memref<4x128xi32, #tpu.memory_space<vmem>>, vector<1x16xi32>,
    %swap3A_396 = vector.shape_cast %swap3A_395 : vector<1x16xi32> to vector<16xi32>
    %swap3A_397 = vector.shape_cast %add3A_391 : vector<16xi32> to vector<1x16xi32>
    tpu.vector_store %arg7[%swap3A_393, %swap3A_394], %swap3A_397 {strides = array<i32>} : memref<4x128xi32, #tpu.memory_space<vmem>>, vector<1x16xi32>,
    %get3A_398 = arith.constant 1 : i32
    %get3A_399 = arith.index_cast %get3A_398 : i32 to index
    %get3A_400 = arith.constant 32 : index
    %get3A_401 = tpu.vector_load %arg6[%get3A_399, %get3A_400] {strides = array<i32>} : memref<4x128xi32, #tpu.memory_space<vmem>>, vector<1x16xi32>,
    %get3A_402 = vector.shape_cast %get3A_401 : vector<1x16xi32> to vector<16xi32>
    %get3A_403 = arith.constant 1 : i32
    %get3A_404 = arith.index_cast %get3A_403 : i32 to index
    %get3A_405 = arith.constant 32 : index
    %get3A_406 = tpu.vector_load %arg7[%get3A_404, %get3A_405] {strides = array<i32>} : memref<4x128xi32, #tpu.memory_space<vmem>>, vector<1x16xi32>,
    %get3A_407 = vector.shape_cast %get3A_406 : vector<1x16xi32> to vector<16xi32>
    %shift_right_arithmetic3A_408 = arith.constant 3 : i32
    %shift_right_arithmetic3A_409 = vector.broadcast %shift_right_arithmetic3A_408 : i32 to vector<16xi32>
    %shift_right_arithmetic3A_410 = arith.shrsi %get3A_402, %shift_right_arithmetic3A_409 : vector<16xi32>
    %mul3A_411 = arith.constant 64 : i32
    %mul3A_412 = vector.broadcast %mul3A_411 : i32 to vector<16xi32>
    %mul3A_413 = arith.muli %shift_right_arithmetic3A_410, %mul3A_412 : vector<16xi32>
    %shift_right_arithmetic3A_414 = arith.constant 7 : i32
    %shift_right_arithmetic3A_415 = vector.broadcast %shift_right_arithmetic3A_414 : i32 to vector<16xi32>
    %shift_right_arithmetic3A_416 = arith.shrsi %get3A_407, %shift_right_arithmetic3A_415 : vector<16xi32>
    %add3A_417 = arith.addi %mul3A_413, %shift_right_arithmetic3A_416 : vector<16xi32>
    %mul3A_418 = arith.constant 1024 : i32
    %mul3A_419 = vector.broadcast %mul3A_418 : i32 to vector<16xi32>
    %mul3A_420 = arith.muli %add3A_417, %mul3A_419 : vector<16xi32>
    %and3A_421 = arith.constant 7 : i32
    %and3A_422 = vector.broadcast %and3A_421 : i32 to vector<16xi32>
    %and3A_423 = arith.andi %get3A_402, %and3A_422 : vector<16xi32>
    %shift_left3A_424 = arith.constant 7 : i32
    %shift_left3A_425 = vector.broadcast %shift_left3A_424 : i32 to vector<16xi32>
    %shift_left3A_426 = arith.shli %and3A_423, %shift_left3A_425 : vector<16xi32>
    %add3A_427 = arith.addi %mul3A_420, %shift_left3A_426 : vector<16xi32>
    %and3A_428 = arith.constant 127 : i32
    %and3A_429 = vector.broadcast %and3A_428 : i32 to vector<16xi32>
    %and3A_430 = arith.andi %get3A_407, %and3A_429 : vector<16xi32>
    %add3A_431 = arith.addi %add3A_427, %and3A_430 : vector<16xi32>
    %swap3A_432 = arith.constant 1 : i32
    %swap3A_433 = arith.index_cast %swap3A_432 : i32 to index
    %swap3A_434 = arith.constant 32 : index
    %swap3A_435 = tpu.vector_load %arg7[%swap3A_433, %swap3A_434] {strides = array<i32>} : memref<4x128xi32, #tpu.memory_space<vmem>>, vector<1x16xi32>,
    %swap3A_436 = vector.shape_cast %swap3A_435 : vector<1x16xi32> to vector<16xi32>
    %swap3A_437 = vector.shape_cast %add3A_431 : vector<16xi32> to vector<1x16xi32>
    tpu.vector_store %arg7[%swap3A_433, %swap3A_434], %swap3A_437 {strides = array<i32>} : memref<4x128xi32, #tpu.memory_space<vmem>>, vector<1x16xi32>,
    %get3A_438 = arith.constant 1 : i32
    %get3A_439 = arith.index_cast %get3A_438 : i32 to index
    %get3A_440 = arith.constant 48 : index
    %get3A_441 = tpu.vector_load %arg6[%get3A_439, %get3A_440] {strides = array<i32>} : memref<4x128xi32, #tpu.memory_space<vmem>>, vector<1x16xi32>,
    %get3A_442 = vector.shape_cast %get3A_441 : vector<1x16xi32> to vector<16xi32>
    %get3A_443 = arith.constant 1 : i32
    %get3A_444 = arith.index_cast %get3A_443 : i32 to index
    %get3A_445 = arith.constant 48 : index
    %get3A_446 = tpu.vector_load %arg7[%get3A_444, %get3A_445] {strides = array<i32>} : memref<4x128xi32, #tpu.memory_space<vmem>>, vector<1x16xi32>,
    %get3A_447 = vector.shape_cast %get3A_446 : vector<1x16xi32> to vector<16xi32>
    %shift_right_arithmetic3A_448 = arith.constant 3 : i32
    %shift_right_arithmetic3A_449 = vector.broadcast %shift_right_arithmetic3A_448 : i32 to vector<16xi32>
    %shift_right_arithmetic3A_450 = arith.shrsi %get3A_442, %shift_right_arithmetic3A_449 : vector<16xi32>
    %mul3A_451 = arith.constant 64 : i32
    %mul3A_452 = vector.broadcast %mul3A_451 : i32 to vector<16xi32>
    %mul3A_453 = arith.muli %shift_right_arithmetic3A_450, %mul3A_452 : vector<16xi32>
    %shift_right_arithmetic3A_454 = arith.constant 7 : i32
    %shift_right_arithmetic3A_455 = vector.broadcast %shift_right_arithmetic3A_454 : i32 to vector<16xi32>
    %shift_right_arithmetic3A_456 = arith.shrsi %get3A_447, %shift_right_arithmetic3A_455 : vector<16xi32>
    %add3A_457 = arith.addi %mul3A_453, %shift_right_arithmetic3A_456 : vector<16xi32>
    %mul3A_458 = arith.constant 1024 : i32
    %mul3A_459 = vector.broadcast %mul3A_458 : i32 to vector<16xi32>
    %mul3A_460 = arith.muli %add3A_457, %mul3A_459 : vector<16xi32>
    %and3A_461 = arith.constant 7 : i32
    %and3A_462 = vector.broadcast %and3A_461 : i32 to vector<16xi32>
    %and3A_463 = arith.andi %get3A_442, %and3A_462 : vector<16xi32>
    %shift_left3A_464 = arith.constant 7 : i32
    %shift_left3A_465 = vector.broadcast %shift_left3A_464 : i32 to vector<16xi32>
    %shift_left3A_466 = arith.shli %and3A_463, %shift_left3A_465 : vector<16xi32>
    %add3A_467 = arith.addi %mul3A_460, %shift_left3A_466 : vector<16xi32>
    %and3A_468 = arith.constant 127 : i32
    %and3A_469 = vector.broadcast %and3A_468 : i32 to vector<16xi32>
    %and3A_470 = arith.andi %get3A_447, %and3A_469 : vector<16xi32>
    %add3A_471 = arith.addi %add3A_467, %and3A_470 : vector<16xi32>
    %swap3A_472 = arith.constant 1 : i32
    %swap3A_473 = arith.index_cast %swap3A_472 : i32 to index
    %swap3A_474 = arith.constant 48 : index
    %swap3A_475 = tpu.vector_load %arg7[%swap3A_473, %swap3A_474] {strides = array<i32>} : memref<4x128xi32, #tpu.memory_space<vmem>>, vector<1x16xi32>,
    %swap3A_476 = vector.shape_cast %swap3A_475 : vector<1x16xi32> to vector<16xi32>
    %swap3A_477 = vector.shape_cast %add3A_471 : vector<16xi32> to vector<1x16xi32>
    tpu.vector_store %arg7[%swap3A_473, %swap3A_474], %swap3A_477 {strides = array<i32>} : memref<4x128xi32, #tpu.memory_space<vmem>>, vector<1x16xi32>,
    %get3A_478 = arith.constant 1 : i32
    %get3A_479 = arith.index_cast %get3A_478 : i32 to index
    %get3A_480 = arith.constant 64 : index
    %get3A_481 = tpu.vector_load %arg6[%get3A_479, %get3A_480] {strides = array<i32>} : memref<4x128xi32, #tpu.memory_space<vmem>>, vector<1x16xi32>,
    %get3A_482 = vector.shape_cast %get3A_481 : vector<1x16xi32> to vector<16xi32>
    %get3A_483 = arith.constant 1 : i32
    %get3A_484 = arith.index_cast %get3A_483 : i32 to index
    %get3A_485 = arith.constant 64 : index
    %get3A_486 = tpu.vector_load %arg7[%get3A_484, %get3A_485] {strides = array<i32>} : memref<4x128xi32, #tpu.memory_space<vmem>>, vector<1x16xi32>,
    %get3A_487 = vector.shape_cast %get3A_486 : vector<1x16xi32> to vector<16xi32>
    %shift_right_arithmetic3A_488 = arith.constant 3 : i32
    %shift_right_arithmetic3A_489 = vector.broadcast %shift_right_arithmetic3A_488 : i32 to vector<16xi32>
    %shift_right_arithmetic3A_490 = arith.shrsi %get3A_482, %shift_right_arithmetic3A_489 : vector<16xi32>
    %mul3A_491 = arith.constant 64 : i32
    %mul3A_492 = vector.broadcast %mul3A_491 : i32 to vector<16xi32>
    %mul3A_493 = arith.muli %shift_right_arithmetic3A_490, %mul3A_492 : vector<16xi32>
    %shift_right_arithmetic3A_494 = arith.constant 7 : i32
    %shift_right_arithmetic3A_495 = vector.broadcast %shift_right_arithmetic3A_494 : i32 to vector<16xi32>
    %shift_right_arithmetic3A_496 = arith.shrsi %get3A_487, %shift_right_arithmetic3A_495 : vector<16xi32>
    %add3A_497 = arith.addi %mul3A_493, %shift_right_arithmetic3A_496 : vector<16xi32>
    %mul3A_498 = arith.constant 1024 : i32
    %mul3A_499 = vector.broadcast %mul3A_498 : i32 to vector<16xi32>
    %mul3A_500 = arith.muli %add3A_497, %mul3A_499 : vector<16xi32>
    %and3A_501 = arith.constant 7 : i32
    %and3A_502 = vector.broadcast %and3A_501 : i32 to vector<16xi32>
    %and3A_503 = arith.andi %get3A_482, %and3A_502 : vector<16xi32>
    %shift_left3A_504 = arith.constant 7 : i32
    %shift_left3A_505 = vector.broadcast %shift_left3A_504 : i32 to vector<16xi32>
    %shift_left3A_506 = arith.shli %and3A_503, %shift_left3A_505 : vector<16xi32>
    %add3A_507 = arith.addi %mul3A_500, %shift_left3A_506 : vector<16xi32>
    %and3A_508 = arith.constant 127 : i32
    %and3A_509 = vector.broadcast %and3A_508 : i32 to vector<16xi32>
    %and3A_510 = arith.andi %get3A_487, %and3A_509 : vector<16xi32>
    %add3A_511 = arith.addi %add3A_507, %and3A_510 : vector<16xi32>
    %swap3A_512 = arith.constant 1 : i32
    %swap3A_513 = arith.index_cast %swap3A_512 : i32 to index
    %swap3A_514 = arith.constant 64 : index
    %swap3A_515 = tpu.vector_load %arg7[%swap3A_513, %swap3A_514] {strides = array<i32>} : memref<4x128xi32, #tpu.memory_space<vmem>>, vector<1x16xi32>,
    %swap3A_516 = vector.shape_cast %swap3A_515 : vector<1x16xi32> to vector<16xi32>
    %swap3A_517 = vector.shape_cast %add3A_511 : vector<16xi32> to vector<1x16xi32>
    tpu.vector_store %arg7[%swap3A_513, %swap3A_514], %swap3A_517 {strides = array<i32>} : memref<4x128xi32, #tpu.memory_space<vmem>>, vector<1x16xi32>,
    %get3A_518 = arith.constant 1 : i32
    %get3A_519 = arith.index_cast %get3A_518 : i32 to index
    %get3A_520 = arith.constant 80 : index
    %get3A_521 = tpu.vector_load %arg6[%get3A_519, %get3A_520] {strides = array<i32>} : memref<4x128xi32, #tpu.memory_space<vmem>>, vector<1x16xi32>,
    %get3A_522 = vector.shape_cast %get3A_521 : vector<1x16xi32> to vector<16xi32>
    %get3A_523 = arith.constant 1 : i32
    %get3A_524 = arith.index_cast %get3A_523 : i32 to index
    %get3A_525 = arith.constant 80 : index
    %get3A_526 = tpu.vector_load %arg7[%get3A_524, %get3A_525] {strides = array<i32>} : memref<4x128xi32, #tpu.memory_space<vmem>>, vector<1x16xi32>,
    %get3A_527 = vector.shape_cast %get3A_526 : vector<1x16xi32> to vector<16xi32>
    %shift_right_arithmetic3A_528 = arith.constant 3 : i32
    %shift_right_arithmetic3A_529 = vector.broadcast %shift_right_arithmetic3A_528 : i32 to vector<16xi32>
    %shift_right_arithmetic3A_530 = arith.shrsi %get3A_522, %shift_right_arithmetic3A_529 : vector<16xi32>
    %mul3A_531 = arith.constant 64 : i32
    %mul3A_532 = vector.broadcast %mul3A_531 : i32 to vector<16xi32>
    %mul3A_533 = arith.muli %shift_right_arithmetic3A_530, %mul3A_532 : vector<16xi32>
    %shift_right_arithmetic3A_534 = arith.constant 7 : i32
    %shift_right_arithmetic3A_535 = vector.broadcast %shift_right_arithmetic3A_534 : i32 to vector<16xi32>
    %shift_right_arithmetic3A_536 = arith.shrsi %get3A_527, %shift_right_arithmetic3A_535 : vector<16xi32>
    %add3A_537 = arith.addi %mul3A_533, %shift_right_arithmetic3A_536 : vector<16xi32>
    %mul3A_538 = arith.constant 1024 : i32
    %mul3A_539 = vector.broadcast %mul3A_538 : i32 to vector<16xi32>
    %mul3A_540 = arith.muli %add3A_537, %mul3A_539 : vector<16xi32>
    %and3A_541 = arith.constant 7 : i32
    %and3A_542 = vector.broadcast %and3A_541 : i32 to vector<16xi32>
    %and3A_543 = arith.andi %get3A_522, %and3A_542 : vector<16xi32>
    %shift_left3A_544 = arith.constant 7 : i32
    %shift_left3A_545 = vector.broadcast %shift_left3A_544 : i32 to vector<16xi32>
    %shift_left3A_546 = arith.shli %and3A_543, %shift_left3A_545 : vector<16xi32>
    %add3A_547 = arith.addi %mul3A_540, %shift_left3A_546 : vector<16xi32>
    %and3A_548 = arith.constant 127 : i32
    %and3A_549 = vector.broadcast %and3A_548 : i32 to vector<16xi32>
    %and3A_550 = arith.andi %get3A_527, %and3A_549 : vector<16xi32>
    %add3A_551 = arith.addi %add3A_547, %and3A_550 : vector<16xi32>
    %swap3A_552 = arith.constant 1 : i32
    %swap3A_553 = arith.index_cast %swap3A_552 : i32 to index
    %swap3A_554 = arith.constant 80 : index
    %swap3A_555 = tpu.vector_load %arg7[%swap3A_553, %swap3A_554] {strides = array<i32>} : memref<4x128xi32, #tpu.memory_space<vmem>>, vector<1x16xi32>,
    %swap3A_556 = vector.shape_cast %swap3A_555 : vector<1x16xi32> to vector<16xi32>
    %swap3A_557 = vector.shape_cast %add3A_551 : vector<16xi32> to vector<1x16xi32>
    tpu.vector_store %arg7[%swap3A_553, %swap3A_554], %swap3A_557 {strides = array<i32>} : memref<4x128xi32, #tpu.memory_space<vmem>>, vector<1x16xi32>,
    %get3A_558 = arith.constant 1 : i32
    %get3A_559 = arith.index_cast %get3A_558 : i32 to index
    %get3A_560 = arith.constant 96 : index
    %get3A_561 = tpu.vector_load %arg6[%get3A_559, %get3A_560] {strides = array<i32>} : memref<4x128xi32, #tpu.memory_space<vmem>>, vector<1x16xi32>,
    %get3A_562 = vector.shape_cast %get3A_561 : vector<1x16xi32> to vector<16xi32>
    %get3A_563 = arith.constant 1 : i32
    %get3A_564 = arith.index_cast %get3A_563 : i32 to index
    %get3A_565 = arith.constant 96 : index
    %get3A_566 = tpu.vector_load %arg7[%get3A_564, %get3A_565] {strides = array<i32>} : memref<4x128xi32, #tpu.memory_space<vmem>>, vector<1x16xi32>,
    %get3A_567 = vector.shape_cast %get3A_566 : vector<1x16xi32> to vector<16xi32>
    %shift_right_arithmetic3A_568 = arith.constant 3 : i32
    %shift_right_arithmetic3A_569 = vector.broadcast %shift_right_arithmetic3A_568 : i32 to vector<16xi32>
    %shift_right_arithmetic3A_570 = arith.shrsi %get3A_562, %shift_right_arithmetic3A_569 : vector<16xi32>
    %mul3A_571 = arith.constant 64 : i32
    %mul3A_572 = vector.broadcast %mul3A_571 : i32 to vector<16xi32>
    %mul3A_573 = arith.muli %shift_right_arithmetic3A_570, %mul3A_572 : vector<16xi32>
    %shift_right_arithmetic3A_574 = arith.constant 7 : i32
    %shift_right_arithmetic3A_575 = vector.broadcast %shift_right_arithmetic3A_574 : i32 to vector<16xi32>
    %shift_right_arithmetic3A_576 = arith.shrsi %get3A_567, %shift_right_arithmetic3A_575 : vector<16xi32>
    %add3A_577 = arith.addi %mul3A_573, %shift_right_arithmetic3A_576 : vector<16xi32>
    %mul3A_578 = arith.constant 1024 : i32
    %mul3A_579 = vector.broadcast %mul3A_578 : i32 to vector<16xi32>
    %mul3A_580 = arith.muli %add3A_577, %mul3A_579 : vector<16xi32>
    %and3A_581 = arith.constant 7 : i32
    %and3A_582 = vector.broadcast %and3A_581 : i32 to vector<16xi32>
    %and3A_583 = arith.andi %get3A_562, %and3A_582 : vector<16xi32>
    %shift_left3A_584 = arith.constant 7 : i32
    %shift_left3A_585 = vector.broadcast %shift_left3A_584 : i32 to vector<16xi32>
    %shift_left3A_586 = arith.shli %and3A_583, %shift_left3A_585 : vector<16xi32>
    %add3A_587 = arith.addi %mul3A_580, %shift_left3A_586 : vector<16xi32>
    %and3A_588 = arith.constant 127 : i32
    %and3A_589 = vector.broadcast %and3A_588 : i32 to vector<16xi32>
    %and3A_590 = arith.andi %get3A_567, %and3A_589 : vector<16xi32>
    %add3A_591 = arith.addi %add3A_587, %and3A_590 : vector<16xi32>
    %swap3A_592 = arith.constant 1 : i32
    %swap3A_593 = arith.index_cast %swap3A_592 : i32 to index
    %swap3A_594 = arith.constant 96 : index
    %swap3A_595 = tpu.vector_load %arg7[%swap3A_593, %swap3A_594] {strides = array<i32>} : memref<4x128xi32, #tpu.memory_space<vmem>>, vector<1x16xi32>,
    %swap3A_596 = vector.shape_cast %swap3A_595 : vector<1x16xi32> to vector<16xi32>
    %swap3A_597 = vector.shape_cast %add3A_591 : vector<16xi32> to vector<1x16xi32>
    tpu.vector_store %arg7[%swap3A_593, %swap3A_594], %swap3A_597 {strides = array<i32>} : memref<4x128xi32, #tpu.memory_space<vmem>>, vector<1x16xi32>,
    %get3A_598 = arith.constant 1 : i32
    %get3A_599 = arith.index_cast %get3A_598 : i32 to index
    %get3A_600 = arith.constant 112 : index
    %get3A_601 = tpu.vector_load %arg6[%get3A_599, %get3A_600] {strides = array<i32>} : memref<4x128xi32, #tpu.memory_space<vmem>>, vector<1x16xi32>,
    %get3A_602 = vector.shape_cast %get3A_601 : vector<1x16xi32> to vector<16xi32>
    %get3A_603 = arith.constant 1 : i32
    %get3A_604 = arith.index_cast %get3A_603 : i32 to index
    %get3A_605 = arith.constant 112 : index
    %get3A_606 = tpu.vector_load %arg7[%get3A_604, %get3A_605] {strides = array<i32>} : memref<4x128xi32, #tpu.memory_space<vmem>>, vector<1x16xi32>,
    %get3A_607 = vector.shape_cast %get3A_606 : vector<1x16xi32> to vector<16xi32>
    %shift_right_arithmetic3A_608 = arith.constant 3 : i32
    %shift_right_arithmetic3A_609 = vector.broadcast %shift_right_arithmetic3A_608 : i32 to vector<16xi32>
    %shift_right_arithmetic3A_610 = arith.shrsi %get3A_602, %shift_right_arithmetic3A_609 : vector<16xi32>
    %mul3A_611 = arith.constant 64 : i32
    %mul3A_612 = vector.broadcast %mul3A_611 : i32 to vector<16xi32>
    %mul3A_613 = arith.muli %shift_right_arithmetic3A_610, %mul3A_612 : vector<16xi32>
    %shift_right_arithmetic3A_614 = arith.constant 7 : i32
    %shift_right_arithmetic3A_615 = vector.broadcast %shift_right_arithmetic3A_614 : i32 to vector<16xi32>
    %shift_right_arithmetic3A_616 = arith.shrsi %get3A_607, %shift_right_arithmetic3A_615 : vector<16xi32>
    %add3A_617 = arith.addi %mul3A_613, %shift_right_arithmetic3A_616 : vector<16xi32>
    %mul3A_618 = arith.constant 1024 : i32
    %mul3A_619 = vector.broadcast %mul3A_618 : i32 to vector<16xi32>
    %mul3A_620 = arith.muli %add3A_617, %mul3A_619 : vector<16xi32>
    %and3A_621 = arith.constant 7 : i32
    %and3A_622 = vector.broadcast %and3A_621 : i32 to vector<16xi32>
    %and3A_623 = arith.andi %get3A_602, %and3A_622 : vector<16xi32>
    %shift_left3A_624 = arith.constant 7 : i32
    %shift_left3A_625 = vector.broadcast %shift_left3A_624 : i32 to vector<16xi32>
    %shift_left3A_626 = arith.shli %and3A_623, %shift_left3A_625 : vector<16xi32>
    %add3A_627 = arith.addi %mul3A_620, %shift_left3A_626 : vector<16xi32>
    %and3A_628 = arith.constant 127 : i32
    %and3A_629 = vector.broadcast %and3A_628 : i32 to vector<16xi32>
    %and3A_630 = arith.andi %get3A_607, %and3A_629 : vector<16xi32>
    %add3A_631 = arith.addi %add3A_627, %and3A_630 : vector<16xi32>
    %swap3A_632 = arith.constant 1 : i32
    %swap3A_633 = arith.index_cast %swap3A_632 : i32 to index
    %swap3A_634 = arith.constant 112 : index
    %swap3A_635 = tpu.vector_load %arg7[%swap3A_633, %swap3A_634] {strides = array<i32>} : memref<4x128xi32, #tpu.memory_space<vmem>>, vector<1x16xi32>,
    %swap3A_636 = vector.shape_cast %swap3A_635 : vector<1x16xi32> to vector<16xi32>
    %swap3A_637 = vector.shape_cast %add3A_631 : vector<16xi32> to vector<1x16xi32>
    tpu.vector_store %arg7[%swap3A_633, %swap3A_634], %swap3A_637 {strides = array<i32>} : memref<4x128xi32, #tpu.memory_space<vmem>>, vector<1x16xi32>,
    %get3A_638 = arith.constant 2 : i32
    %get3A_639 = arith.index_cast %get3A_638 : i32 to index
    %get3A_640 = arith.constant 0 : index
    %get3A_641 = tpu.vector_load %arg6[%get3A_639, %get3A_640] {strides = array<i32>} : memref<4x128xi32, #tpu.memory_space<vmem>>, vector<1x16xi32>,
    %get3A_642 = vector.shape_cast %get3A_641 : vector<1x16xi32> to vector<16xi32>
    %get3A_643 = arith.constant 2 : i32
    %get3A_644 = arith.index_cast %get3A_643 : i32 to index
    %get3A_645 = arith.constant 0 : index
    %get3A_646 = tpu.vector_load %arg7[%get3A_644, %get3A_645] {strides = array<i32>} : memref<4x128xi32, #tpu.memory_space<vmem>>, vector<1x16xi32>,
    %get3A_647 = vector.shape_cast %get3A_646 : vector<1x16xi32> to vector<16xi32>
    %shift_right_arithmetic3A_648 = arith.constant 3 : i32
    %shift_right_arithmetic3A_649 = vector.broadcast %shift_right_arithmetic3A_648 : i32 to vector<16xi32>
    %shift_right_arithmetic3A_650 = arith.shrsi %get3A_642, %shift_right_arithmetic3A_649 : vector<16xi32>
    %mul3A_651 = arith.constant 64 : i32
    %mul3A_652 = vector.broadcast %mul3A_651 : i32 to vector<16xi32>
    %mul3A_653 = arith.muli %shift_right_arithmetic3A_650, %mul3A_652 : vector<16xi32>
    %shift_right_arithmetic3A_654 = arith.constant 7 : i32
    %shift_right_arithmetic3A_655 = vector.broadcast %shift_right_arithmetic3A_654 : i32 to vector<16xi32>
    %shift_right_arithmetic3A_656 = arith.shrsi %get3A_647, %shift_right_arithmetic3A_655 : vector<16xi32>
    %add3A_657 = arith.addi %mul3A_653, %shift_right_arithmetic3A_656 : vector<16xi32>
    %mul3A_658 = arith.constant 1024 : i32
    %mul3A_659 = vector.broadcast %mul3A_658 : i32 to vector<16xi32>
    %mul3A_660 = arith.muli %add3A_657, %mul3A_659 : vector<16xi32>
    %and3A_661 = arith.constant 7 : i32
    %and3A_662 = vector.broadcast %and3A_661 : i32 to vector<16xi32>
    %and3A_663 = arith.andi %get3A_642, %and3A_662 : vector<16xi32>
    %shift_left3A_664 = arith.constant 7 : i32
    %shift_left3A_665 = vector.broadcast %shift_left3A_664 : i32 to vector<16xi32>
    %shift_left3A_666 = arith.shli %and3A_663, %shift_left3A_665 : vector<16xi32>
    %add3A_667 = arith.addi %mul3A_660, %shift_left3A_666 : vector<16xi32>
    %and3A_668 = arith.constant 127 : i32
    %and3A_669 = vector.broadcast %and3A_668 : i32 to vector<16xi32>
    %and3A_670 = arith.andi %get3A_647, %and3A_669 : vector<16xi32>
    %add3A_671 = arith.addi %add3A_667, %and3A_670 : vector<16xi32>
    %swap3A_672 = arith.constant 2 : i32
    %swap3A_673 = arith.index_cast %swap3A_672 : i32 to index
    %swap3A_674 = arith.constant 0 : index
    %swap3A_675 = tpu.vector_load %arg7[%swap3A_673, %swap3A_674] {strides = array<i32>} : memref<4x128xi32, #tpu.memory_space<vmem>>, vector<1x16xi32>,
    %swap3A_676 = vector.shape_cast %swap3A_675 : vector<1x16xi32> to vector<16xi32>
    %swap3A_677 = vector.shape_cast %add3A_671 : vector<16xi32> to vector<1x16xi32>
    tpu.vector_store %arg7[%swap3A_673, %swap3A_674], %swap3A_677 {strides = array<i32>} : memref<4x128xi32, #tpu.memory_space<vmem>>, vector<1x16xi32>,
    %get3A_678 = arith.constant 2 : i32
    %get3A_679 = arith.index_cast %get3A_678 : i32 to index
    %get3A_680 = arith.constant 16 : index
    %get3A_681 = tpu.vector_load %arg6[%get3A_679, %get3A_680] {strides = array<i32>} : memref<4x128xi32, #tpu.memory_space<vmem>>, vector<1x16xi32>,
    %get3A_682 = vector.shape_cast %get3A_681 : vector<1x16xi32> to vector<16xi32>
    %get3A_683 = arith.constant 2 : i32
    %get3A_684 = arith.index_cast %get3A_683 : i32 to index
    %get3A_685 = arith.constant 16 : index
    %get3A_686 = tpu.vector_load %arg7[%get3A_684, %get3A_685] {strides = array<i32>} : memref<4x128xi32, #tpu.memory_space<vmem>>, vector<1x16xi32>,
    %get3A_687 = vector.shape_cast %get3A_686 : vector<1x16xi32> to vector<16xi32>
    %shift_right_arithmetic3A_688 = arith.constant 3 : i32
    %shift_right_arithmetic3A_689 = vector.broadcast %shift_right_arithmetic3A_688 : i32 to vector<16xi32>
    %shift_right_arithmetic3A_690 = arith.shrsi %get3A_682, %shift_right_arithmetic3A_689 : vector<16xi32>
    %mul3A_691 = arith.constant 64 : i32
    %mul3A_692 = vector.broadcast %mul3A_691 : i32 to vector<16xi32>
    %mul3A_693 = arith.muli %shift_right_arithmetic3A_690, %mul3A_692 : vector<16xi32>
    %shift_right_arithmetic3A_694 = arith.constant 7 : i32
    %shift_right_arithmetic3A_695 = vector.broadcast %shift_right_arithmetic3A_694 : i32 to vector<16xi32>
    %shift_right_arithmetic3A_696 = arith.shrsi %get3A_687, %shift_right_arithmetic3A_695 : vector<16xi32>
    %add3A_697 = arith.addi %mul3A_693, %shift_right_arithmetic3A_696 : vector<16xi32>
    %mul3A_698 = arith.constant 1024 : i32
    %mul3A_699 = vector.broadcast %mul3A_698 : i32 to vector<16xi32>
    %mul3A_700 = arith.muli %add3A_697, %mul3A_699 : vector<16xi32>
    %and3A_701 = arith.constant 7 : i32
    %and3A_702 = vector.broadcast %and3A_701 : i32 to vector<16xi32>
    %and3A_703 = arith.andi %get3A_682, %and3A_702 : vector<16xi32>
    %shift_left3A_704 = arith.constant 7 : i32
    %shift_left3A_705 = vector.broadcast %shift_left3A_704 : i32 to vector<16xi32>
    %shift_left3A_706 = arith.shli %and3A_703, %shift_left3A_705 : vector<16xi32>
    %add3A_707 = arith.addi %mul3A_700, %shift_left3A_706 : vector<16xi32>
    %and3A_708 = arith.constant 127 : i32
    %and3A_709 = vector.broadcast %and3A_708 : i32 to vector<16xi32>
    %and3A_710 = arith.andi %get3A_687, %and3A_709 : vector<16xi32>
    %add3A_711 = arith.addi %add3A_707, %and3A_710 : vector<16xi32>
    %swap3A_712 = arith.constant 2 : i32
    %swap3A_713 = arith.index_cast %swap3A_712 : i32 to index
    %swap3A_714 = arith.constant 16 : index
    %swap3A_715 = tpu.vector_load %arg7[%swap3A_713, %swap3A_714] {strides = array<i32>} : memref<4x128xi32, #tpu.memory_space<vmem>>, vector<1x16xi32>,
    %swap3A_716 = vector.shape_cast %swap3A_715 : vector<1x16xi32> to vector<16xi32>
    %swap3A_717 = vector.shape_cast %add3A_711 : vector<16xi32> to vector<1x16xi32>
    tpu.vector_store %arg7[%swap3A_713, %swap3A_714], %swap3A_717 {strides = array<i32>} : memref<4x128xi32, #tpu.memory_space<vmem>>, vector<1x16xi32>,
    %get3A_718 = arith.constant 2 : i32
    %get3A_719 = arith.index_cast %get3A_718 : i32 to index
    %get3A_720 = arith.constant 32 : index
    %get3A_721 = tpu.vector_load %arg6[%get3A_719, %get3A_720] {strides = array<i32>} : memref<4x128xi32, #tpu.memory_space<vmem>>, vector<1x16xi32>,
    %get3A_722 = vector.shape_cast %get3A_721 : vector<1x16xi32> to vector<16xi32>
    %get3A_723 = arith.constant 2 : i32
    %get3A_724 = arith.index_cast %get3A_723 : i32 to index
    %get3A_725 = arith.constant 32 : index
    %get3A_726 = tpu.vector_load %arg7[%get3A_724, %get3A_725] {strides = array<i32>} : memref<4x128xi32, #tpu.memory_space<vmem>>, vector<1x16xi32>,
    %get3A_727 = vector.shape_cast %get3A_726 : vector<1x16xi32> to vector<16xi32>
    %shift_right_arithmetic3A_728 = arith.constant 3 : i32
    %shift_right_arithmetic3A_729 = vector.broadcast %shift_right_arithmetic3A_728 : i32 to vector<16xi32>
    %shift_right_arithmetic3A_730 = arith.shrsi %get3A_722, %shift_right_arithmetic3A_729 : vector<16xi32>
    %mul3A_731 = arith.constant 64 : i32
    %mul3A_732 = vector.broadcast %mul3A_731 : i32 to vector<16xi32>
    %mul3A_733 = arith.muli %shift_right_arithmetic3A_730, %mul3A_732 : vector<16xi32>
    %shift_right_arithmetic3A_734 = arith.constant 7 : i32
    %shift_right_arithmetic3A_735 = vector.broadcast %shift_right_arithmetic3A_734 : i32 to vector<16xi32>
    %shift_right_arithmetic3A_736 = arith.shrsi %get3A_727, %shift_right_arithmetic3A_735 : vector<16xi32>
    %add3A_737 = arith.addi %mul3A_733, %shift_right_arithmetic3A_736 : vector<16xi32>
    %mul3A_738 = arith.constant 1024 : i32
    %mul3A_739 = vector.broadcast %mul3A_738 : i32 to vector<16xi32>
    %mul3A_740 = arith.muli %add3A_737, %mul3A_739 : vector<16xi32>
    %and3A_741 = arith.constant 7 : i32
    %and3A_742 = vector.broadcast %and3A_741 : i32 to vector<16xi32>
    %and3A_743 = arith.andi %get3A_722, %and3A_742 : vector<16xi32>
    %shift_left3A_744 = arith.constant 7 : i32
    %shift_left3A_745 = vector.broadcast %shift_left3A_744 : i32 to vector<16xi32>
    %shift_left3A_746 = arith.shli %and3A_743, %shift_left3A_745 : vector<16xi32>
    %add3A_747 = arith.addi %mul3A_740, %shift_left3A_746 : vector<16xi32>
    %and3A_748 = arith.constant 127 : i32
    %and3A_749 = vector.broadcast %and3A_748 : i32 to vector<16xi32>
    %and3A_750 = arith.andi %get3A_727, %and3A_749 : vector<16xi32>
    %add3A_751 = arith.addi %add3A_747, %and3A_750 : vector<16xi32>
    %swap3A_752 = arith.constant 2 : i32
    %swap3A_753 = arith.index_cast %swap3A_752 : i32 to index
    %swap3A_754 = arith.constant 32 : index
    %swap3A_755 = tpu.vector_load %arg7[%swap3A_753, %swap3A_754] {strides = array<i32>} : memref<4x128xi32, #tpu.memory_space<vmem>>, vector<1x16xi32>,
    %swap3A_756 = vector.shape_cast %swap3A_755 : vector<1x16xi32> to vector<16xi32>
    %swap3A_757 = vector.shape_cast %add3A_751 : vector<16xi32> to vector<1x16xi32>
    tpu.vector_store %arg7[%swap3A_753, %swap3A_754], %swap3A_757 {strides = array<i32>} : memref<4x128xi32, #tpu.memory_space<vmem>>, vector<1x16xi32>,
    %get3A_758 = arith.constant 2 : i32
    %get3A_759 = arith.index_cast %get3A_758 : i32 to index
    %get3A_760 = arith.constant 48 : index
    %get3A_761 = tpu.vector_load %arg6[%get3A_759, %get3A_760] {strides = array<i32>} : memref<4x128xi32, #tpu.memory_space<vmem>>, vector<1x16xi32>,
    %get3A_762 = vector.shape_cast %get3A_761 : vector<1x16xi32> to vector<16xi32>
    %get3A_763 = arith.constant 2 : i32
    %get3A_764 = arith.index_cast %get3A_763 : i32 to index
    %get3A_765 = arith.constant 48 : index
    %get3A_766 = tpu.vector_load %arg7[%get3A_764, %get3A_765] {strides = array<i32>} : memref<4x128xi32, #tpu.memory_space<vmem>>, vector<1x16xi32>,
    %get3A_767 = vector.shape_cast %get3A_766 : vector<1x16xi32> to vector<16xi32>
    %shift_right_arithmetic3A_768 = arith.constant 3 : i32
    %shift_right_arithmetic3A_769 = vector.broadcast %shift_right_arithmetic3A_768 : i32 to vector<16xi32>
    %shift_right_arithmetic3A_770 = arith.shrsi %get3A_762, %shift_right_arithmetic3A_769 : vector<16xi32>
    %mul3A_771 = arith.constant 64 : i32
    %mul3A_772 = vector.broadcast %mul3A_771 : i32 to vector<16xi32>
    %mul3A_773 = arith.muli %shift_right_arithmetic3A_770, %mul3A_772 : vector<16xi32>
    %shift_right_arithmetic3A_774 = arith.constant 7 : i32
    %shift_right_arithmetic3A_775 = vector.broadcast %shift_right_arithmetic3A_774 : i32 to vector<16xi32>
    %shift_right_arithmetic3A_776 = arith.shrsi %get3A_767, %shift_right_arithmetic3A_775 : vector<16xi32>
    %add3A_777 = arith.addi %mul3A_773, %shift_right_arithmetic3A_776 : vector<16xi32>
    %mul3A_778 = arith.constant 1024 : i32
    %mul3A_779 = vector.broadcast %mul3A_778 : i32 to vector<16xi32>
    %mul3A_780 = arith.muli %add3A_777, %mul3A_779 : vector<16xi32>
    %and3A_781 = arith.constant 7 : i32
    %and3A_782 = vector.broadcast %and3A_781 : i32 to vector<16xi32>
    %and3A_783 = arith.andi %get3A_762, %and3A_782 : vector<16xi32>
    %shift_left3A_784 = arith.constant 7 : i32
    %shift_left3A_785 = vector.broadcast %shift_left3A_784 : i32 to vector<16xi32>
    %shift_left3A_786 = arith.shli %and3A_783, %shift_left3A_785 : vector<16xi32>
    %add3A_787 = arith.addi %mul3A_780, %shift_left3A_786 : vector<16xi32>
    %and3A_788 = arith.constant 127 : i32
    %and3A_789 = vector.broadcast %and3A_788 : i32 to vector<16xi32>
    %and3A_790 = arith.andi %get3A_767, %and3A_789 : vector<16xi32>
    %add3A_791 = arith.addi %add3A_787, %and3A_790 : vector<16xi32>
    %swap3A_792 = arith.constant 2 : i32
    %swap3A_793 = arith.index_cast %swap3A_792 : i32 to index
    %swap3A_794 = arith.constant 48 : index
    %swap3A_795 = tpu.vector_load %arg7[%swap3A_793, %swap3A_794] {strides = array<i32>} : memref<4x128xi32, #tpu.memory_space<vmem>>, vector<1x16xi32>,
    %swap3A_796 = vector.shape_cast %swap3A_795 : vector<1x16xi32> to vector<16xi32>
    %swap3A_797 = vector.shape_cast %add3A_791 : vector<16xi32> to vector<1x16xi32>
    tpu.vector_store %arg7[%swap3A_793, %swap3A_794], %swap3A_797 {strides = array<i32>} : memref<4x128xi32, #tpu.memory_space<vmem>>, vector<1x16xi32>,
    %get3A_798 = arith.constant 2 : i32
    %get3A_799 = arith.index_cast %get3A_798 : i32 to index
    %get3A_800 = arith.constant 64 : index
    %get3A_801 = tpu.vector_load %arg6[%get3A_799, %get3A_800] {strides = array<i32>} : memref<4x128xi32, #tpu.memory_space<vmem>>, vector<1x16xi32>,
    %get3A_802 = vector.shape_cast %get3A_801 : vector<1x16xi32> to vector<16xi32>
    %get3A_803 = arith.constant 2 : i32
    %get3A_804 = arith.index_cast %get3A_803 : i32 to index
    %get3A_805 = arith.constant 64 : index
    %get3A_806 = tpu.vector_load %arg7[%get3A_804, %get3A_805] {strides = array<i32>} : memref<4x128xi32, #tpu.memory_space<vmem>>, vector<1x16xi32>,
    %get3A_807 = vector.shape_cast %get3A_806 : vector<1x16xi32> to vector<16xi32>
    %shift_right_arithmetic3A_808 = arith.constant 3 : i32
    %shift_right_arithmetic3A_809 = vector.broadcast %shift_right_arithmetic3A_808 : i32 to vector<16xi32>
    %shift_right_arithmetic3A_810 = arith.shrsi %get3A_802, %shift_right_arithmetic3A_809 : vector<16xi32>
    %mul3A_811 = arith.constant 64 : i32
    %mul3A_812 = vector.broadcast %mul3A_811 : i32 to vector<16xi32>
    %mul3A_813 = arith.muli %shift_right_arithmetic3A_810, %mul3A_812 : vector<16xi32>
    %shift_right_arithmetic3A_814 = arith.constant 7 : i32
    %shift_right_arithmetic3A_815 = vector.broadcast %shift_right_arithmetic3A_814 : i32 to vector<16xi32>
    %shift_right_arithmetic3A_816 = arith.shrsi %get3A_807, %shift_right_arithmetic3A_815 : vector<16xi32>
    %add3A_817 = arith.addi %mul3A_813, %shift_right_arithmetic3A_816 : vector<16xi32>
    %mul3A_818 = arith.constant 1024 : i32
    %mul3A_819 = vector.broadcast %mul3A_818 : i32 to vector<16xi32>
    %mul3A_820 = arith.muli %add3A_817, %mul3A_819 : vector<16xi32>
    %and3A_821 = arith.constant 7 : i32
    %and3A_822 = vector.broadcast %and3A_821 : i32 to vector<16xi32>
    %and3A_823 = arith.andi %get3A_802, %and3A_822 : vector<16xi32>
    %shift_left3A_824 = arith.constant 7 : i32
    %shift_left3A_825 = vector.broadcast %shift_left3A_824 : i32 to vector<16xi32>
    %shift_left3A_826 = arith.shli %and3A_823, %shift_left3A_825 : vector<16xi32>
    %add3A_827 = arith.addi %mul3A_820, %shift_left3A_826 : vector<16xi32>
    %and3A_828 = arith.constant 127 : i32
    %and3A_829 = vector.broadcast %and3A_828 : i32 to vector<16xi32>
    %and3A_830 = arith.andi %get3A_807, %and3A_829 : vector<16xi32>
    %add3A_831 = arith.addi %add3A_827, %and3A_830 : vector<16xi32>
    %swap3A_832 = arith.constant 2 : i32
    %swap3A_833 = arith.index_cast %swap3A_832 : i32 to index
    %swap3A_834 = arith.constant 64 : index
    %swap3A_835 = tpu.vector_load %arg7[%swap3A_833, %swap3A_834] {strides = array<i32>} : memref<4x128xi32, #tpu.memory_space<vmem>>, vector<1x16xi32>,
    %swap3A_836 = vector.shape_cast %swap3A_835 : vector<1x16xi32> to vector<16xi32>
    %swap3A_837 = vector.shape_cast %add3A_831 : vector<16xi32> to vector<1x16xi32>
    tpu.vector_store %arg7[%swap3A_833, %swap3A_834], %swap3A_837 {strides = array<i32>} : memref<4x128xi32, #tpu.memory_space<vmem>>, vector<1x16xi32>,
    %get3A_838 = arith.constant 2 : i32
    %get3A_839 = arith.index_cast %get3A_838 : i32 to index
    %get3A_840 = arith.constant 80 : index
    %get3A_841 = tpu.vector_load %arg6[%get3A_839, %get3A_840] {strides = array<i32>} : memref<4x128xi32, #tpu.memory_space<vmem>>, vector<1x16xi32>,
    %get3A_842 = vector.shape_cast %get3A_841 : vector<1x16xi32> to vector<16xi32>
    %get3A_843 = arith.constant 2 : i32
    %get3A_844 = arith.index_cast %get3A_843 : i32 to index
    %get3A_845 = arith.constant 80 : index
    %get3A_846 = tpu.vector_load %arg7[%get3A_844, %get3A_845] {strides = array<i32>} : memref<4x128xi32, #tpu.memory_space<vmem>>, vector<1x16xi32>,
    %get3A_847 = vector.shape_cast %get3A_846 : vector<1x16xi32> to vector<16xi32>
    %shift_right_arithmetic3A_848 = arith.constant 3 : i32
    %shift_right_arithmetic3A_849 = vector.broadcast %shift_right_arithmetic3A_848 : i32 to vector<16xi32>
    %shift_right_arithmetic3A_850 = arith.shrsi %get3A_842, %shift_right_arithmetic3A_849 : vector<16xi32>
    %mul3A_851 = arith.constant 64 : i32
    %mul3A_852 = vector.broadcast %mul3A_851 : i32 to vector<16xi32>
    %mul3A_853 = arith.muli %shift_right_arithmetic3A_850, %mul3A_852 : vector<16xi32>
    %shift_right_arithmetic3A_854 = arith.constant 7 : i32
    %shift_right_arithmetic3A_855 = vector.broadcast %shift_right_arithmetic3A_854 : i32 to vector<16xi32>
    %shift_right_arithmetic3A_856 = arith.shrsi %get3A_847, %shift_right_arithmetic3A_855 : vector<16xi32>
    %add3A_857 = arith.addi %mul3A_853, %shift_right_arithmetic3A_856 : vector<16xi32>
    %mul3A_858 = arith.constant 1024 : i32
    %mul3A_859 = vector.broadcast %mul3A_858 : i32 to vector<16xi32>
    %mul3A_860 = arith.muli %add3A_857, %mul3A_859 : vector<16xi32>
    %and3A_861 = arith.constant 7 : i32
    %and3A_862 = vector.broadcast %and3A_861 : i32 to vector<16xi32>
    %and3A_863 = arith.andi %get3A_842, %and3A_862 : vector<16xi32>
    %shift_left3A_864 = arith.constant 7 : i32
    %shift_left3A_865 = vector.broadcast %shift_left3A_864 : i32 to vector<16xi32>
    %shift_left3A_866 = arith.shli %and3A_863, %shift_left3A_865 : vector<16xi32>
    %add3A_867 = arith.addi %mul3A_860, %shift_left3A_866 : vector<16xi32>
    %and3A_868 = arith.constant 127 : i32
    %and3A_869 = vector.broadcast %and3A_868 : i32 to vector<16xi32>
    %and3A_870 = arith.andi %get3A_847, %and3A_869 : vector<16xi32>
    %add3A_871 = arith.addi %add3A_867, %and3A_870 : vector<16xi32>
    %swap3A_872 = arith.constant 2 : i32
    %swap3A_873 = arith.index_cast %swap3A_872 : i32 to index
    %swap3A_874 = arith.constant 80 : index
    %swap3A_875 = tpu.vector_load %arg7[%swap3A_873, %swap3A_874] {strides = array<i32>} : memref<4x128xi32, #tpu.memory_space<vmem>>, vector<1x16xi32>,
    %swap3A_876 = vector.shape_cast %swap3A_875 : vector<1x16xi32> to vector<16xi32>
    %swap3A_877 = vector.shape_cast %add3A_871 : vector<16xi32> to vector<1x16xi32>
    tpu.vector_store %arg7[%swap3A_873, %swap3A_874], %swap3A_877 {strides = array<i32>} : memref<4x128xi32, #tpu.memory_space<vmem>>, vector<1x16xi32>,
    %get3A_878 = arith.constant 2 : i32
    %get3A_879 = arith.index_cast %get3A_878 : i32 to index
    %get3A_880 = arith.constant 96 : index
    %get3A_881 = tpu.vector_load %arg6[%get3A_879, %get3A_880] {strides = array<i32>} : memref<4x128xi32, #tpu.memory_space<vmem>>, vector<1x16xi32>,
    %get3A_882 = vector.shape_cast %get3A_881 : vector<1x16xi32> to vector<16xi32>
    %get3A_883 = arith.constant 2 : i32
    %get3A_884 = arith.index_cast %get3A_883 : i32 to index
    %get3A_885 = arith.constant 96 : index
    %get3A_886 = tpu.vector_load %arg7[%get3A_884, %get3A_885] {strides = array<i32>} : memref<4x128xi32, #tpu.memory_space<vmem>>, vector<1x16xi32>,
    %get3A_887 = vector.shape_cast %get3A_886 : vector<1x16xi32> to vector<16xi32>
    %shift_right_arithmetic3A_888 = arith.constant 3 : i32
    %shift_right_arithmetic3A_889 = vector.broadcast %shift_right_arithmetic3A_888 : i32 to vector<16xi32>
    %shift_right_arithmetic3A_890 = arith.shrsi %get3A_882, %shift_right_arithmetic3A_889 : vector<16xi32>
    %mul3A_891 = arith.constant 64 : i32
    %mul3A_892 = vector.broadcast %mul3A_891 : i32 to vector<16xi32>
    %mul3A_893 = arith.muli %shift_right_arithmetic3A_890, %mul3A_892 : vector<16xi32>
    %shift_right_arithmetic3A_894 = arith.constant 7 : i32
    %shift_right_arithmetic3A_895 = vector.broadcast %shift_right_arithmetic3A_894 : i32 to vector<16xi32>
    %shift_right_arithmetic3A_896 = arith.shrsi %get3A_887, %shift_right_arithmetic3A_895 : vector<16xi32>
    %add3A_897 = arith.addi %mul3A_893, %shift_right_arithmetic3A_896 : vector<16xi32>
    %mul3A_898 = arith.constant 1024 : i32
    %mul3A_899 = vector.broadcast %mul3A_898 : i32 to vector<16xi32>
    %mul3A_900 = arith.muli %add3A_897, %mul3A_899 : vector<16xi32>
    %and3A_901 = arith.constant 7 : i32
    %and3A_902 = vector.broadcast %and3A_901 : i32 to vector<16xi32>
    %and3A_903 = arith.andi %get3A_882, %and3A_902 : vector<16xi32>
    %shift_left3A_904 = arith.constant 7 : i32
    %shift_left3A_905 = vector.broadcast %shift_left3A_904 : i32 to vector<16xi32>
    %shift_left3A_906 = arith.shli %and3A_903, %shift_left3A_905 : vector<16xi32>
    %add3A_907 = arith.addi %mul3A_900, %shift_left3A_906 : vector<16xi32>
    %and3A_908 = arith.constant 127 : i32
    %and3A_909 = vector.broadcast %and3A_908 : i32 to vector<16xi32>
    %and3A_910 = arith.andi %get3A_887, %and3A_909 : vector<16xi32>
    %add3A_911 = arith.addi %add3A_907, %and3A_910 : vector<16xi32>
    %swap3A_912 = arith.constant 2 : i32
    %swap3A_913 = arith.index_cast %swap3A_912 : i32 to index
    %swap3A_914 = arith.constant 96 : index
    %swap3A_915 = tpu.vector_load %arg7[%swap3A_913, %swap3A_914] {strides = array<i32>} : memref<4x128xi32, #tpu.memory_space<vmem>>, vector<1x16xi32>,
    %swap3A_916 = vector.shape_cast %swap3A_915 : vector<1x16xi32> to vector<16xi32>
    %swap3A_917 = vector.shape_cast %add3A_911 : vector<16xi32> to vector<1x16xi32>
    tpu.vector_store %arg7[%swap3A_913, %swap3A_914], %swap3A_917 {strides = array<i32>} : memref<4x128xi32, #tpu.memory_space<vmem>>, vector<1x16xi32>,
    %get3A_918 = arith.constant 2 : i32
    %get3A_919 = arith.index_cast %get3A_918 : i32 to index
    %get3A_920 = arith.constant 112 : index
    %get3A_921 = tpu.vector_load %arg6[%get3A_919, %get3A_920] {strides = array<i32>} : memref<4x128xi32, #tpu.memory_space<vmem>>, vector<1x16xi32>,
    %get3A_922 = vector.shape_cast %get3A_921 : vector<1x16xi32> to vector<16xi32>
    %get3A_923 = arith.constant 2 : i32
    %get3A_924 = arith.index_cast %get3A_923 : i32 to index
    %get3A_925 = arith.constant 112 : index
    %get3A_926 = tpu.vector_load %arg7[%get3A_924, %get3A_925] {strides = array<i32>} : memref<4x128xi32, #tpu.memory_space<vmem>>, vector<1x16xi32>,
    %get3A_927 = vector.shape_cast %get3A_926 : vector<1x16xi32> to vector<16xi32>
    %shift_right_arithmetic3A_928 = arith.constant 3 : i32
    %shift_right_arithmetic3A_929 = vector.broadcast %shift_right_arithmetic3A_928 : i32 to vector<16xi32>
    %shift_right_arithmetic3A_930 = arith.shrsi %get3A_922, %shift_right_arithmetic3A_929 : vector<16xi32>
    %mul3A_931 = arith.constant 64 : i32
    %mul3A_932 = vector.broadcast %mul3A_931 : i32 to vector<16xi32>
    %mul3A_933 = arith.muli %shift_right_arithmetic3A_930, %mul3A_932 : vector<16xi32>
    %shift_right_arithmetic3A_934 = arith.constant 7 : i32
    %shift_right_arithmetic3A_935 = vector.broadcast %shift_right_arithmetic3A_934 : i32 to vector<16xi32>
    %shift_right_arithmetic3A_936 = arith.shrsi %get3A_927, %shift_right_arithmetic3A_935 : vector<16xi32>
    %add3A_937 = arith.addi %mul3A_933, %shift_right_arithmetic3A_936 : vector<16xi32>
    %mul3A_938 = arith.constant 1024 : i32
    %mul3A_939 = vector.broadcast %mul3A_938 : i32 to vector<16xi32>
    %mul3A_940 = arith.muli %add3A_937, %mul3A_939 : vector<16xi32>
    %and3A_941 = arith.constant 7 : i32
    %and3A_942 = vector.broadcast %and3A_941 : i32 to vector<16xi32>
    %and3A_943 = arith.andi %get3A_922, %and3A_942 : vector<16xi32>
    %shift_left3A_944 = arith.constant 7 : i32
    %shift_left3A_945 = vector.broadcast %shift_left3A_944 : i32 to vector<16xi32>
    %shift_left3A_946 = arith.shli %and3A_943, %shift_left3A_945 : vector<16xi32>
    %add3A_947 = arith.addi %mul3A_940, %shift_left3A_946 : vector<16xi32>
    %and3A_948 = arith.constant 127 : i32
    %and3A_949 = vector.broadcast %and3A_948 : i32 to vector<16xi32>
    %and3A_950 = arith.andi %get3A_927, %and3A_949 : vector<16xi32>
    %add3A_951 = arith.addi %add3A_947, %and3A_950 : vector<16xi32>
    %swap3A_952 = arith.constant 2 : i32
    %swap3A_953 = arith.index_cast %swap3A_952 : i32 to index
    %swap3A_954 = arith.constant 112 : index
    %swap3A_955 = tpu.vector_load %arg7[%swap3A_953, %swap3A_954] {strides = array<i32>} : memref<4x128xi32, #tpu.memory_space<vmem>>, vector<1x16xi32>,
    %swap3A_956 = vector.shape_cast %swap3A_955 : vector<1x16xi32> to vector<16xi32>
    %swap3A_957 = vector.shape_cast %add3A_951 : vector<16xi32> to vector<1x16xi32>
    tpu.vector_store %arg7[%swap3A_953, %swap3A_954], %swap3A_957 {strides = array<i32>} : memref<4x128xi32, #tpu.memory_space<vmem>>, vector<1x16xi32>,
    %get3A_958 = arith.constant 3 : i32
    %get3A_959 = arith.index_cast %get3A_958 : i32 to index
    %get3A_960 = arith.constant 0 : index
    %get3A_961 = tpu.vector_load %arg6[%get3A_959, %get3A_960] {strides = array<i32>} : memref<4x128xi32, #tpu.memory_space<vmem>>, vector<1x16xi32>,
    %get3A_962 = vector.shape_cast %get3A_961 : vector<1x16xi32> to vector<16xi32>
    %get3A_963 = arith.constant 3 : i32
    %get3A_964 = arith.index_cast %get3A_963 : i32 to index
    %get3A_965 = arith.constant 0 : index
    %get3A_966 = tpu.vector_load %arg7[%get3A_964, %get3A_965] {strides = array<i32>} : memref<4x128xi32, #tpu.memory_space<vmem>>, vector<1x16xi32>,
    %get3A_967 = vector.shape_cast %get3A_966 : vector<1x16xi32> to vector<16xi32>
    %shift_right_arithmetic3A_968 = arith.constant 3 : i32
    %shift_right_arithmetic3A_969 = vector.broadcast %shift_right_arithmetic3A_968 : i32 to vector<16xi32>
    %shift_right_arithmetic3A_970 = arith.shrsi %get3A_962, %shift_right_arithmetic3A_969 : vector<16xi32>
    %mul3A_971 = arith.constant 64 : i32
    %mul3A_972 = vector.broadcast %mul3A_971 : i32 to vector<16xi32>
    %mul3A_973 = arith.muli %shift_right_arithmetic3A_970, %mul3A_972 : vector<16xi32>
    %shift_right_arithmetic3A_974 = arith.constant 7 : i32
    %shift_right_arithmetic3A_975 = vector.broadcast %shift_right_arithmetic3A_974 : i32 to vector<16xi32>
    %shift_right_arithmetic3A_976 = arith.shrsi %get3A_967, %shift_right_arithmetic3A_975 : vector<16xi32>
    %add3A_977 = arith.addi %mul3A_973, %shift_right_arithmetic3A_976 : vector<16xi32>
    %mul3A_978 = arith.constant 1024 : i32
    %mul3A_979 = vector.broadcast %mul3A_978 : i32 to vector<16xi32>
    %mul3A_980 = arith.muli %add3A_977, %mul3A_979 : vector<16xi32>
    %and3A_981 = arith.constant 7 : i32
    %and3A_982 = vector.broadcast %and3A_981 : i32 to vector<16xi32>
    %and3A_983 = arith.andi %get3A_962, %and3A_982 : vector<16xi32>
    %shift_left3A_984 = arith.constant 7 : i32
    %shift_left3A_985 = vector.broadcast %shift_left3A_984 : i32 to vector<16xi32>
    %shift_left3A_986 = arith.shli %and3A_983, %shift_left3A_985 : vector<16xi32>
    %add3A_987 = arith.addi %mul3A_980, %shift_left3A_986 : vector<16xi32>
    %and3A_988 = arith.constant 127 : i32
    %and3A_989 = vector.broadcast %and3A_988 : i32 to vector<16xi32>
    %and3A_990 = arith.andi %get3A_967, %and3A_989 : vector<16xi32>
    %add3A_991 = arith.addi %add3A_987, %and3A_990 : vector<16xi32>
    %swap3A_992 = arith.constant 3 : i32
    %swap3A_993 = arith.index_cast %swap3A_992 : i32 to index
    %swap3A_994 = arith.constant 0 : index
    %swap3A_995 = tpu.vector_load %arg7[%swap3A_993, %swap3A_994] {strides = array<i32>} : memref<4x128xi32, #tpu.memory_space<vmem>>, vector<1x16xi32>,
    %swap3A_996 = vector.shape_cast %swap3A_995 : vector<1x16xi32> to vector<16xi32>
    %swap3A_997 = vector.shape_cast %add3A_991 : vector<16xi32> to vector<1x16xi32>
    tpu.vector_store %arg7[%swap3A_993, %swap3A_994], %swap3A_997 {strides = array<i32>} : memref<4x128xi32, #tpu.memory_space<vmem>>, vector<1x16xi32>,
    %get3A_998 = arith.constant 3 : i32
    %get3A_999 = arith.index_cast %get3A_998 : i32 to index
    %get3A_1000 = arith.constant 16 : index
    %get3A_1001 = tpu.vector_load %arg6[%get3A_999, %get3A_1000] {strides = array<i32>} : memref<4x128xi32, #tpu.memory_space<vmem>>, vector<1x16xi32>,
    %get3A_1002 = vector.shape_cast %get3A_1001 : vector<1x16xi32> to vector<16xi32>
    %get3A_1003 = arith.constant 3 : i32
    %get3A_1004 = arith.index_cast %get3A_1003 : i32 to index
    %get3A_1005 = arith.constant 16 : index
    %get3A_1006 = tpu.vector_load %arg7[%get3A_1004, %get3A_1005] {strides = array<i32>} : memref<4x128xi32, #tpu.memory_space<vmem>>, vector<1x16xi32>,
    %get3A_1007 = vector.shape_cast %get3A_1006 : vector<1x16xi32> to vector<16xi32>
    %shift_right_arithmetic3A_1008 = arith.constant 3 : i32
    %shift_right_arithmetic3A_1009 = vector.broadcast %shift_right_arithmetic3A_1008 : i32 to vector<16xi32>
    %shift_right_arithmetic3A_1010 = arith.shrsi %get3A_1002, %shift_right_arithmetic3A_1009 : vector<16xi32>
    %mul3A_1011 = arith.constant 64 : i32
    %mul3A_1012 = vector.broadcast %mul3A_1011 : i32 to vector<16xi32>
    %mul3A_1013 = arith.muli %shift_right_arithmetic3A_1010, %mul3A_1012 : vector<16xi32>
    %shift_right_arithmetic3A_1014 = arith.constant 7 : i32
    %shift_right_arithmetic3A_1015 = vector.broadcast %shift_right_arithmetic3A_1014 : i32 to vector<16xi32>
    %shift_right_arithmetic3A_1016 = arith.shrsi %get3A_1007, %shift_right_arithmetic3A_1015 : vector<16xi32>
    %add3A_1017 = arith.addi %mul3A_1013, %shift_right_arithmetic3A_1016 : vector<16xi32>
    %mul3A_1018 = arith.constant 1024 : i32
    %mul3A_1019 = vector.broadcast %mul3A_1018 : i32 to vector<16xi32>
    %mul3A_1020 = arith.muli %add3A_1017, %mul3A_1019 : vector<16xi32>
    %and3A_1021 = arith.constant 7 : i32
    %and3A_1022 = vector.broadcast %and3A_1021 : i32 to vector<16xi32>
    %and3A_1023 = arith.andi %get3A_1002, %and3A_1022 : vector<16xi32>
    %shift_left3A_1024 = arith.constant 7 : i32
    %shift_left3A_1025 = vector.broadcast %shift_left3A_1024 : i32 to vector<16xi32>
    %shift_left3A_1026 = arith.shli %and3A_1023, %shift_left3A_1025 : vector<16xi32>
    %add3A_1027 = arith.addi %mul3A_1020, %shift_left3A_1026 : vector<16xi32>
    %and3A_1028 = arith.constant 127 : i32
    %and3A_1029 = vector.broadcast %and3A_1028 : i32 to vector<16xi32>
    %and3A_1030 = arith.andi %get3A_1007, %and3A_1029 : vector<16xi32>
    %add3A_1031 = arith.addi %add3A_1027, %and3A_1030 : vector<16xi32>
    %swap3A_1032 = arith.constant 3 : i32
    %swap3A_1033 = arith.index_cast %swap3A_1032 : i32 to index
    %swap3A_1034 = arith.constant 16 : index
    %swap3A_1035 = tpu.vector_load %arg7[%swap3A_1033, %swap3A_1034] {strides = array<i32>} : memref<4x128xi32, #tpu.memory_space<vmem>>, vector<1x16xi32>,
    %swap3A_1036 = vector.shape_cast %swap3A_1035 : vector<1x16xi32> to vector<16xi32>
    %swap3A_1037 = vector.shape_cast %add3A_1031 : vector<16xi32> to vector<1x16xi32>
    tpu.vector_store %arg7[%swap3A_1033, %swap3A_1034], %swap3A_1037 {strides = array<i32>} : memref<4x128xi32, #tpu.memory_space<vmem>>, vector<1x16xi32>,
    %get3A_1038 = arith.constant 3 : i32
    %get3A_1039 = arith.index_cast %get3A_1038 : i32 to index
    %get3A_1040 = arith.constant 32 : index
    %get3A_1041 = tpu.vector_load %arg6[%get3A_1039, %get3A_1040] {strides = array<i32>} : memref<4x128xi32, #tpu.memory_space<vmem>>, vector<1x16xi32>,
    %get3A_1042 = vector.shape_cast %get3A_1041 : vector<1x16xi32> to vector<16xi32>
    %get3A_1043 = arith.constant 3 : i32
    %get3A_1044 = arith.index_cast %get3A_1043 : i32 to index
    %get3A_1045 = arith.constant 32 : index
    %get3A_1046 = tpu.vector_load %arg7[%get3A_1044, %get3A_1045] {strides = array<i32>} : memref<4x128xi32, #tpu.memory_space<vmem>>, vector<1x16xi32>,
    %get3A_1047 = vector.shape_cast %get3A_1046 : vector<1x16xi32> to vector<16xi32>
    %shift_right_arithmetic3A_1048 = arith.constant 3 : i32
    %shift_right_arithmetic3A_1049 = vector.broadcast %shift_right_arithmetic3A_1048 : i32 to vector<16xi32>
    %shift_right_arithmetic3A_1050 = arith.shrsi %get3A_1042, %shift_right_arithmetic3A_1049 : vector<16xi32>
    %mul3A_1051 = arith.constant 64 : i32
    %mul3A_1052 = vector.broadcast %mul3A_1051 : i32 to vector<16xi32>
    %mul3A_1053 = arith.muli %shift_right_arithmetic3A_1050, %mul3A_1052 : vector<16xi32>
    %shift_right_arithmetic3A_1054 = arith.constant 7 : i32
    %shift_right_arithmetic3A_1055 = vector.broadcast %shift_right_arithmetic3A_1054 : i32 to vector<16xi32>
    %shift_right_arithmetic3A_1056 = arith.shrsi %get3A_1047, %shift_right_arithmetic3A_1055 : vector<16xi32>
    %add3A_1057 = arith.addi %mul3A_1053, %shift_right_arithmetic3A_1056 : vector<16xi32>
    %mul3A_1058 = arith.constant 1024 : i32
    %mul3A_1059 = vector.broadcast %mul3A_1058 : i32 to vector<16xi32>
    %mul3A_1060 = arith.muli %add3A_1057, %mul3A_1059 : vector<16xi32>
    %and3A_1061 = arith.constant 7 : i32
    %and3A_1062 = vector.broadcast %and3A_1061 : i32 to vector<16xi32>
    %and3A_1063 = arith.andi %get3A_1042, %and3A_1062 : vector<16xi32>
    %shift_left3A_1064 = arith.constant 7 : i32
    %shift_left3A_1065 = vector.broadcast %shift_left3A_1064 : i32 to vector<16xi32>
    %shift_left3A_1066 = arith.shli %and3A_1063, %shift_left3A_1065 : vector<16xi32>
    %add3A_1067 = arith.addi %mul3A_1060, %shift_left3A_1066 : vector<16xi32>
    %and3A_1068 = arith.constant 127 : i32
    %and3A_1069 = vector.broadcast %and3A_1068 : i32 to vector<16xi32>
    %and3A_1070 = arith.andi %get3A_1047, %and3A_1069 : vector<16xi32>
    %add3A_1071 = arith.addi %add3A_1067, %and3A_1070 : vector<16xi32>
    %swap3A_1072 = arith.constant 3 : i32
    %swap3A_1073 = arith.index_cast %swap3A_1072 : i32 to index
    %swap3A_1074 = arith.constant 32 : index
    %swap3A_1075 = tpu.vector_load %arg7[%swap3A_1073, %swap3A_1074] {strides = array<i32>} : memref<4x128xi32, #tpu.memory_space<vmem>>, vector<1x16xi32>,
    %swap3A_1076 = vector.shape_cast %swap3A_1075 : vector<1x16xi32> to vector<16xi32>
    %swap3A_1077 = vector.shape_cast %add3A_1071 : vector<16xi32> to vector<1x16xi32>
    tpu.vector_store %arg7[%swap3A_1073, %swap3A_1074], %swap3A_1077 {strides = array<i32>} : memref<4x128xi32, #tpu.memory_space<vmem>>, vector<1x16xi32>,
    %get3A_1078 = arith.constant 3 : i32
    %get3A_1079 = arith.index_cast %get3A_1078 : i32 to index
    %get3A_1080 = arith.constant 48 : index
    %get3A_1081 = tpu.vector_load %arg6[%get3A_1079, %get3A_1080] {strides = array<i32>} : memref<4x128xi32, #tpu.memory_space<vmem>>, vector<1x16xi32>,
    %get3A_1082 = vector.shape_cast %get3A_1081 : vector<1x16xi32> to vector<16xi32>
    %get3A_1083 = arith.constant 3 : i32
    %get3A_1084 = arith.index_cast %get3A_1083 : i32 to index
    %get3A_1085 = arith.constant 48 : index
    %get3A_1086 = tpu.vector_load %arg7[%get3A_1084, %get3A_1085] {strides = array<i32>} : memref<4x128xi32, #tpu.memory_space<vmem>>, vector<1x16xi32>,
    %get3A_1087 = vector.shape_cast %get3A_1086 : vector<1x16xi32> to vector<16xi32>
    %shift_right_arithmetic3A_1088 = arith.constant 3 : i32
    %shift_right_arithmetic3A_1089 = vector.broadcast %shift_right_arithmetic3A_1088 : i32 to vector<16xi32>
    %shift_right_arithmetic3A_1090 = arith.shrsi %get3A_1082, %shift_right_arithmetic3A_1089 : vector<16xi32>
    %mul3A_1091 = arith.constant 64 : i32
    %mul3A_1092 = vector.broadcast %mul3A_1091 : i32 to vector<16xi32>
    %mul3A_1093 = arith.muli %shift_right_arithmetic3A_1090, %mul3A_1092 : vector<16xi32>
    %shift_right_arithmetic3A_1094 = arith.constant 7 : i32
    %shift_right_arithmetic3A_1095 = vector.broadcast %shift_right_arithmetic3A_1094 : i32 to vector<16xi32>
    %shift_right_arithmetic3A_1096 = arith.shrsi %get3A_1087, %shift_right_arithmetic3A_1095 : vector<16xi32>
    %add3A_1097 = arith.addi %mul3A_1093, %shift_right_arithmetic3A_1096 : vector<16xi32>
    %mul3A_1098 = arith.constant 1024 : i32
    %mul3A_1099 = vector.broadcast %mul3A_1098 : i32 to vector<16xi32>
    %mul3A_1100 = arith.muli %add3A_1097, %mul3A_1099 : vector<16xi32>
    %and3A_1101 = arith.constant 7 : i32
    %and3A_1102 = vector.broadcast %and3A_1101 : i32 to vector<16xi32>
    %and3A_1103 = arith.andi %get3A_1082, %and3A_1102 : vector<16xi32>
    %shift_left3A_1104 = arith.constant 7 : i32
    %shift_left3A_1105 = vector.broadcast %shift_left3A_1104 : i32 to vector<16xi32>
    %shift_left3A_1106 = arith.shli %and3A_1103, %shift_left3A_1105 : vector<16xi32>
    %add3A_1107 = arith.addi %mul3A_1100, %shift_left3A_1106 : vector<16xi32>
    %and3A_1108 = arith.constant 127 : i32
    %and3A_1109 = vector.broadcast %and3A_1108 : i32 to vector<16xi32>
    %and3A_1110 = arith.andi %get3A_1087, %and3A_1109 : vector<16xi32>
    %add3A_1111 = arith.addi %add3A_1107, %and3A_1110 : vector<16xi32>
    %swap3A_1112 = arith.constant 3 : i32
    %swap3A_1113 = arith.index_cast %swap3A_1112 : i32 to index
    %swap3A_1114 = arith.constant 48 : index
    %swap3A_1115 = tpu.vector_load %arg7[%swap3A_1113, %swap3A_1114] {strides = array<i32>} : memref<4x128xi32, #tpu.memory_space<vmem>>, vector<1x16xi32>,
    %swap3A_1116 = vector.shape_cast %swap3A_1115 : vector<1x16xi32> to vector<16xi32>
    %swap3A_1117 = vector.shape_cast %add3A_1111 : vector<16xi32> to vector<1x16xi32>
    tpu.vector_store %arg7[%swap3A_1113, %swap3A_1114], %swap3A_1117 {strides = array<i32>} : memref<4x128xi32, #tpu.memory_space<vmem>>, vector<1x16xi32>,
    %get3A_1118 = arith.constant 3 : i32
    %get3A_1119 = arith.index_cast %get3A_1118 : i32 to index
    %get3A_1120 = arith.constant 64 : index
    %get3A_1121 = tpu.vector_load %arg6[%get3A_1119, %get3A_1120] {strides = array<i32>} : memref<4x128xi32, #tpu.memory_space<vmem>>, vector<1x16xi32>,
    %get3A_1122 = vector.shape_cast %get3A_1121 : vector<1x16xi32> to vector<16xi32>
    %get3A_1123 = arith.constant 3 : i32
    %get3A_1124 = arith.index_cast %get3A_1123 : i32 to index
    %get3A_1125 = arith.constant 64 : index
    %get3A_1126 = tpu.vector_load %arg7[%get3A_1124, %get3A_1125] {strides = array<i32>} : memref<4x128xi32, #tpu.memory_space<vmem>>, vector<1x16xi32>,
    %get3A_1127 = vector.shape_cast %get3A_1126 : vector<1x16xi32> to vector<16xi32>
    %shift_right_arithmetic3A_1128 = arith.constant 3 : i32
    %shift_right_arithmetic3A_1129 = vector.broadcast %shift_right_arithmetic3A_1128 : i32 to vector<16xi32>
    %shift_right_arithmetic3A_1130 = arith.shrsi %get3A_1122, %shift_right_arithmetic3A_1129 : vector<16xi32>
    %mul3A_1131 = arith.constant 64 : i32
    %mul3A_1132 = vector.broadcast %mul3A_1131 : i32 to vector<16xi32>
    %mul3A_1133 = arith.muli %shift_right_arithmetic3A_1130, %mul3A_1132 : vector<16xi32>
    %shift_right_arithmetic3A_1134 = arith.constant 7 : i32
    %shift_right_arithmetic3A_1135 = vector.broadcast %shift_right_arithmetic3A_1134 : i32 to vector<16xi32>
    %shift_right_arithmetic3A_1136 = arith.shrsi %get3A_1127, %shift_right_arithmetic3A_1135 : vector<16xi32>
    %add3A_1137 = arith.addi %mul3A_1133, %shift_right_arithmetic3A_1136 : vector<16xi32>
    %mul3A_1138 = arith.constant 1024 : i32
    %mul3A_1139 = vector.broadcast %mul3A_1138 : i32 to vector<16xi32>
    %mul3A_1140 = arith.muli %add3A_1137, %mul3A_1139 : vector<16xi32>
    %and3A_1141 = arith.constant 7 : i32
    %and3A_1142 = vector.broadcast %and3A_1141 : i32 to vector<16xi32>
    %and3A_1143 = arith.andi %get3A_1122, %and3A_1142 : vector<16xi32>
    %shift_left3A_1144 = arith.constant 7 : i32
    %shift_left3A_1145 = vector.broadcast %shift_left3A_1144 : i32 to vector<16xi32>
    %shift_left3A_1146 = arith.shli %and3A_1143, %shift_left3A_1145 : vector<16xi32>
    %add3A_1147 = arith.addi %mul3A_1140, %shift_left3A_1146 : vector<16xi32>
    %and3A_1148 = arith.constant 127 : i32
    %and3A_1149 = vector.broadcast %and3A_1148 : i32 to vector<16xi32>
    %and3A_1150 = arith.andi %get3A_1127, %and3A_1149 : vector<16xi32>
    %add3A_1151 = arith.addi %add3A_1147, %and3A_1150 : vector<16xi32>
    %swap3A_1152 = arith.constant 3 : i32
    %swap3A_1153 = arith.index_cast %swap3A_1152 : i32 to index
    %swap3A_1154 = arith.constant 64 : index
    %swap3A_1155 = tpu.vector_load %arg7[%swap3A_1153, %swap3A_1154] {strides = array<i32>} : memref<4x128xi32, #tpu.memory_space<vmem>>, vector<1x16xi32>,
    %swap3A_1156 = vector.shape_cast %swap3A_1155 : vector<1x16xi32> to vector<16xi32>
    %swap3A_1157 = vector.shape_cast %add3A_1151 : vector<16xi32> to vector<1x16xi32>
    tpu.vector_store %arg7[%swap3A_1153, %swap3A_1154], %swap3A_1157 {strides = array<i32>} : memref<4x128xi32, #tpu.memory_space<vmem>>, vector<1x16xi32>,
    %get3A_1158 = arith.constant 3 : i32
    %get3A_1159 = arith.index_cast %get3A_1158 : i32 to index
    %get3A_1160 = arith.constant 80 : index
    %get3A_1161 = tpu.vector_load %arg6[%get3A_1159, %get3A_1160] {strides = array<i32>} : memref<4x128xi32, #tpu.memory_space<vmem>>, vector<1x16xi32>,
    %get3A_1162 = vector.shape_cast %get3A_1161 : vector<1x16xi32> to vector<16xi32>
    %get3A_1163 = arith.constant 3 : i32
    %get3A_1164 = arith.index_cast %get3A_1163 : i32 to index
    %get3A_1165 = arith.constant 80 : index
    %get3A_1166 = tpu.vector_load %arg7[%get3A_1164, %get3A_1165] {strides = array<i32>} : memref<4x128xi32, #tpu.memory_space<vmem>>, vector<1x16xi32>,
    %get3A_1167 = vector.shape_cast %get3A_1166 : vector<1x16xi32> to vector<16xi32>
    %shift_right_arithmetic3A_1168 = arith.constant 3 : i32
    %shift_right_arithmetic3A_1169 = vector.broadcast %shift_right_arithmetic3A_1168 : i32 to vector<16xi32>
    %shift_right_arithmetic3A_1170 = arith.shrsi %get3A_1162, %shift_right_arithmetic3A_1169 : vector<16xi32>
    %mul3A_1171 = arith.constant 64 : i32
    %mul3A_1172 = vector.broadcast %mul3A_1171 : i32 to vector<16xi32>
    %mul3A_1173 = arith.muli %shift_right_arithmetic3A_1170, %mul3A_1172 : vector<16xi32>
    %shift_right_arithmetic3A_1174 = arith.constant 7 : i32
    %shift_right_arithmetic3A_1175 = vector.broadcast %shift_right_arithmetic3A_1174 : i32 to vector<16xi32>
    %shift_right_arithmetic3A_1176 = arith.shrsi %get3A_1167, %shift_right_arithmetic3A_1175 : vector<16xi32>
    %add3A_1177 = arith.addi %mul3A_1173, %shift_right_arithmetic3A_1176 : vector<16xi32>
    %mul3A_1178 = arith.constant 1024 : i32
    %mul3A_1179 = vector.broadcast %mul3A_1178 : i32 to vector<16xi32>
    %mul3A_1180 = arith.muli %add3A_1177, %mul3A_1179 : vector<16xi32>
    %and3A_1181 = arith.constant 7 : i32
    %and3A_1182 = vector.broadcast %and3A_1181 : i32 to vector<16xi32>
    %and3A_1183 = arith.andi %get3A_1162, %and3A_1182 : vector<16xi32>
    %shift_left3A_1184 = arith.constant 7 : i32
    %shift_left3A_1185 = vector.broadcast %shift_left3A_1184 : i32 to vector<16xi32>
    %shift_left3A_1186 = arith.shli %and3A_1183, %shift_left3A_1185 : vector<16xi32>
    %add3A_1187 = arith.addi %mul3A_1180, %shift_left3A_1186 : vector<16xi32>
    %and3A_1188 = arith.constant 127 : i32
    %and3A_1189 = vector.broadcast %and3A_1188 : i32 to vector<16xi32>
    %and3A_1190 = arith.andi %get3A_1167, %and3A_1189 : vector<16xi32>
    %add3A_1191 = arith.addi %add3A_1187, %and3A_1190 : vector<16xi32>
    %swap3A_1192 = arith.constant 3 : i32
    %swap3A_1193 = arith.index_cast %swap3A_1192 : i32 to index
    %swap3A_1194 = arith.constant 80 : index
    %swap3A_1195 = tpu.vector_load %arg7[%swap3A_1193, %swap3A_1194] {strides = array<i32>} : memref<4x128xi32, #tpu.memory_space<vmem>>, vector<1x16xi32>,
    %swap3A_1196 = vector.shape_cast %swap3A_1195 : vector<1x16xi32> to vector<16xi32>
    %swap3A_1197 = vector.shape_cast %add3A_1191 : vector<16xi32> to vector<1x16xi32>
    tpu.vector_store %arg7[%swap3A_1193, %swap3A_1194], %swap3A_1197 {strides = array<i32>} : memref<4x128xi32, #tpu.memory_space<vmem>>, vector<1x16xi32>,
    %get3A_1198 = arith.constant 3 : i32
    %get3A_1199 = arith.index_cast %get3A_1198 : i32 to index
    %get3A_1200 = arith.constant 96 : index
    %get3A_1201 = tpu.vector_load %arg6[%get3A_1199, %get3A_1200] {strides = array<i32>} : memref<4x128xi32, #tpu.memory_space<vmem>>, vector<1x16xi32>,
    %get3A_1202 = vector.shape_cast %get3A_1201 : vector<1x16xi32> to vector<16xi32>
    %get3A_1203 = arith.constant 3 : i32
    %get3A_1204 = arith.index_cast %get3A_1203 : i32 to index
    %get3A_1205 = arith.constant 96 : index
    %get3A_1206 = tpu.vector_load %arg7[%get3A_1204, %get3A_1205] {strides = array<i32>} : memref<4x128xi32, #tpu.memory_space<vmem>>, vector<1x16xi32>,
    %get3A_1207 = vector.shape_cast %get3A_1206 : vector<1x16xi32> to vector<16xi32>
    %shift_right_arithmetic3A_1208 = arith.constant 3 : i32
    %shift_right_arithmetic3A_1209 = vector.broadcast %shift_right_arithmetic3A_1208 : i32 to vector<16xi32>
    %shift_right_arithmetic3A_1210 = arith.shrsi %get3A_1202, %shift_right_arithmetic3A_1209 : vector<16xi32>
    %mul3A_1211 = arith.constant 64 : i32
    %mul3A_1212 = vector.broadcast %mul3A_1211 : i32 to vector<16xi32>
    %mul3A_1213 = arith.muli %shift_right_arithmetic3A_1210, %mul3A_1212 : vector<16xi32>
    %shift_right_arithmetic3A_1214 = arith.constant 7 : i32
    %shift_right_arithmetic3A_1215 = vector.broadcast %shift_right_arithmetic3A_1214 : i32 to vector<16xi32>
    %shift_right_arithmetic3A_1216 = arith.shrsi %get3A_1207, %shift_right_arithmetic3A_1215 : vector<16xi32>
    %add3A_1217 = arith.addi %mul3A_1213, %shift_right_arithmetic3A_1216 : vector<16xi32>
    %mul3A_1218 = arith.constant 1024 : i32
    %mul3A_1219 = vector.broadcast %mul3A_1218 : i32 to vector<16xi32>
    %mul3A_1220 = arith.muli %add3A_1217, %mul3A_1219 : vector<16xi32>
    %and3A_1221 = arith.constant 7 : i32
    %and3A_1222 = vector.broadcast %and3A_1221 : i32 to vector<16xi32>
    %and3A_1223 = arith.andi %get3A_1202, %and3A_1222 : vector<16xi32>
    %shift_left3A_1224 = arith.constant 7 : i32
    %shift_left3A_1225 = vector.broadcast %shift_left3A_1224 : i32 to vector<16xi32>
    %shift_left3A_1226 = arith.shli %and3A_1223, %shift_left3A_1225 : vector<16xi32>
    %add3A_1227 = arith.addi %mul3A_1220, %shift_left3A_1226 : vector<16xi32>
    %and3A_1228 = arith.constant 127 : i32
    %and3A_1229 = vector.broadcast %and3A_1228 : i32 to vector<16xi32>
    %and3A_1230 = arith.andi %get3A_1207, %and3A_1229 : vector<16xi32>
    %add3A_1231 = arith.addi %add3A_1227, %and3A_1230 : vector<16xi32>
    %swap3A_1232 = arith.constant 3 : i32
    %swap3A_1233 = arith.index_cast %swap3A_1232 : i32 to index
    %swap3A_1234 = arith.constant 96 : index
    %swap3A_1235 = tpu.vector_load %arg7[%swap3A_1233, %swap3A_1234] {strides = array<i32>} : memref<4x128xi32, #tpu.memory_space<vmem>>, vector<1x16xi32>,
    %swap3A_1236 = vector.shape_cast %swap3A_1235 : vector<1x16xi32> to vector<16xi32>
    %swap3A_1237 = vector.shape_cast %add3A_1231 : vector<16xi32> to vector<1x16xi32>
    tpu.vector_store %arg7[%swap3A_1233, %swap3A_1234], %swap3A_1237 {strides = array<i32>} : memref<4x128xi32, #tpu.memory_space<vmem>>, vector<1x16xi32>,
    %get3A_1238 = arith.constant 3 : i32
    %get3A_1239 = arith.index_cast %get3A_1238 : i32 to index
    %get3A_1240 = arith.constant 112 : index
    %get3A_1241 = tpu.vector_load %arg6[%get3A_1239, %get3A_1240] {strides = array<i32>} : memref<4x128xi32, #tpu.memory_space<vmem>>, vector<1x16xi32>,
    %get3A_1242 = vector.shape_cast %get3A_1241 : vector<1x16xi32> to vector<16xi32>
    %get3A_1243 = arith.constant 3 : i32
    %get3A_1244 = arith.index_cast %get3A_1243 : i32 to index
    %get3A_1245 = arith.constant 112 : index
    %get3A_1246 = tpu.vector_load %arg7[%get3A_1244, %get3A_1245] {strides = array<i32>} : memref<4x128xi32, #tpu.memory_space<vmem>>, vector<1x16xi32>,
    %get3A_1247 = vector.shape_cast %get3A_1246 : vector<1x16xi32> to vector<16xi32>
    %shift_right_arithmetic3A_1248 = arith.constant 3 : i32
    %shift_right_arithmetic3A_1249 = vector.broadcast %shift_right_arithmetic3A_1248 : i32 to vector<16xi32>
    %shift_right_arithmetic3A_1250 = arith.shrsi %get3A_1242, %shift_right_arithmetic3A_1249 : vector<16xi32>
    %mul3A_1251 = arith.constant 64 : i32
    %mul3A_1252 = vector.broadcast %mul3A_1251 : i32 to vector<16xi32>
    %mul3A_1253 = arith.muli %shift_right_arithmetic3A_1250, %mul3A_1252 : vector<16xi32>
    %shift_right_arithmetic3A_1254 = arith.constant 7 : i32
    %shift_right_arithmetic3A_1255 = vector.broadcast %shift_right_arithmetic3A_1254 : i32 to vector<16xi32>
    %shift_right_arithmetic3A_1256 = arith.shrsi %get3A_1247, %shift_right_arithmetic3A_1255 : vector<16xi32>
    %add3A_1257 = arith.addi %mul3A_1253, %shift_right_arithmetic3A_1256 : vector<16xi32>
    %mul3A_1258 = arith.constant 1024 : i32
    %mul3A_1259 = vector.broadcast %mul3A_1258 : i32 to vector<16xi32>
    %mul3A_1260 = arith.muli %add3A_1257, %mul3A_1259 : vector<16xi32>
    %and3A_1261 = arith.constant 7 : i32
    %and3A_1262 = vector.broadcast %and3A_1261 : i32 to vector<16xi32>
    %and3A_1263 = arith.andi %get3A_1242, %and3A_1262 : vector<16xi32>
    %shift_left3A_1264 = arith.constant 7 : i32
    %shift_left3A_1265 = vector.broadcast %shift_left3A_1264 : i32 to vector<16xi32>
    %shift_left3A_1266 = arith.shli %and3A_1263, %shift_left3A_1265 : vector<16xi32>
    %add3A_1267 = arith.addi %mul3A_1260, %shift_left3A_1266 : vector<16xi32>
    %and3A_1268 = arith.constant 127 : i32
    %and3A_1269 = vector.broadcast %and3A_1268 : i32 to vector<16xi32>
    %and3A_1270 = arith.andi %get3A_1247, %and3A_1269 : vector<16xi32>
    %add3A_1271 = arith.addi %add3A_1267, %and3A_1270 : vector<16xi32>
    %swap3A_1272 = arith.constant 3 : i32
    %swap3A_1273 = arith.index_cast %swap3A_1272 : i32 to index
    %swap3A_1274 = arith.constant 112 : index
    %swap3A_1275 = tpu.vector_load %arg7[%swap3A_1273, %swap3A_1274] {strides = array<i32>} : memref<4x128xi32, #tpu.memory_space<vmem>>, vector<1x16xi32>,
    %swap3A_1276 = vector.shape_cast %swap3A_1275 : vector<1x16xi32> to vector<16xi32>
    %swap3A_1277 = vector.shape_cast %add3A_1271 : vector<16xi32> to vector<1x16xi32>
    tpu.vector_store %arg7[%swap3A_1273, %swap3A_1274], %swap3A_1277 {strides = array<i32>} : memref<4x128xi32, #tpu.memory_space<vmem>>, vector<1x16xi32>,
    %dma_start3A = arith.constant 0 : i32
    %dma_start3A_1278 = arith.constant 0 : i32
    %dma_start3A_1279 = arith.constant 0 : i32
    %dma_start3A_1280 = tpu.memref_slice %arg8[%dma_start3A_1278, %dma_start3A_1279] : memref<4x128xf32, #tpu.memory_space<vmem>> -> memref<1x128xf32, #tpu.memory_space<vmem>>
    %dma_start3A_1281 = tpu.memref_squeeze %dma_start3A_1280 : memref<1x128xf32, #tpu.memory_space<vmem>> -> memref<128xf32, #tpu.memory_space<vmem>>
    %dma_start3A_1282 = arith.constant 0 : i32
    %dma_start3A_1283 = tpu.memref_slice %arg7[%dma_start3A, %dma_start3A_1282] : memref<4x128xi32, #tpu.memory_space<vmem>> -> memref<1x128xi32, #tpu.memory_space<vmem>>
    %dma_start3A_1284 = tpu.memref_squeeze %dma_start3A_1283 : memref<1x128xi32, #tpu.memory_space<vmem>> -> memref<128xi32, #tpu.memory_space<vmem>>
    %dma_start3A_1285 = arith.constant 0 : i32
    %dma_start3A_1286 = tpu.memref_slice %arg4[%dma_start3A_1285] : memref<67108864xf32, #tpu.memory_space<hbm>> -> memref<67108864xf32, #tpu.memory_space<hbm>>
    tpu.enqueue_indirect_dma source(%dma_start3A_1286 : memref<67108864xf32, #tpu.memory_space<hbm>>) target(%dma_start3A_1281 : memref<128xf32, #tpu.memory_space<vmem>>) offsets(%dma_start3A_1284 : memref<128xi32, #tpu.memory_space<vmem>>) semaphore(%arg9 : memref<!tpu.dma_semaphore, #tpu.memory_space<semaphore_mem>>)
    %dma_start3A_1287 = arith.constant 1 : i32
    %dma_start3A_1288 = arith.constant 1 : i32
    %dma_start3A_1289 = arith.constant 0 : i32
    %dma_start3A_1290 = tpu.memref_slice %arg8[%dma_start3A_1288, %dma_start3A_1289] : memref<4x128xf32, #tpu.memory_space<vmem>> -> memref<1x128xf32, #tpu.memory_space<vmem>>
    %dma_start3A_1291 = tpu.memref_squeeze %dma_start3A_1290 : memref<1x128xf32, #tpu.memory_space<vmem>> -> memref<128xf32, #tpu.memory_space<vmem>>
    %dma_start3A_1292 = arith.constant 0 : i32
    %dma_start3A_1293 = tpu.memref_slice %arg7[%dma_start3A_1287, %dma_start3A_1292] : memref<4x128xi32, #tpu.memory_space<vmem>> -> memref<1x128xi32, #tpu.memory_space<vmem>>
    %dma_start3A_1294 = tpu.memref_squeeze %dma_start3A_1293 : memref<1x128xi32, #tpu.memory_space<vmem>> -> memref<128xi32, #tpu.memory_space<vmem>>
    %dma_start3A_1295 = arith.constant 0 : i32
    %dma_start3A_1296 = tpu.memref_slice %arg4[%dma_start3A_1295] : memref<67108864xf32, #tpu.memory_space<hbm>> -> memref<67108864xf32, #tpu.memory_space<hbm>>
    tpu.enqueue_indirect_dma source(%dma_start3A_1296 : memref<67108864xf32, #tpu.memory_space<hbm>>) target(%dma_start3A_1291 : memref<128xf32, #tpu.memory_space<vmem>>) offsets(%dma_start3A_1294 : memref<128xi32, #tpu.memory_space<vmem>>) semaphore(%arg9 : memref<!tpu.dma_semaphore, #tpu.memory_space<semaphore_mem>>)
    %dma_start3A_1297 = arith.constant 2 : i32
    %dma_start3A_1298 = arith.constant 2 : i32
    %dma_start3A_1299 = arith.constant 0 : i32
    %dma_start3A_1300 = tpu.memref_slice %arg8[%dma_start3A_1298, %dma_start3A_1299] : memref<4x128xf32, #tpu.memory_space<vmem>> -> memref<1x128xf32, #tpu.memory_space<vmem>>
    %dma_start3A_1301 = tpu.memref_squeeze %dma_start3A_1300 : memref<1x128xf32, #tpu.memory_space<vmem>> -> memref<128xf32, #tpu.memory_space<vmem>>
    %dma_start3A_1302 = arith.constant 0 : i32
    %dma_start3A_1303 = tpu.memref_slice %arg7[%dma_start3A_1297, %dma_start3A_1302] : memref<4x128xi32, #tpu.memory_space<vmem>> -> memref<1x128xi32, #tpu.memory_space<vmem>>
    %dma_start3A_1304 = tpu.memref_squeeze %dma_start3A_1303 : memref<1x128xi32, #tpu.memory_space<vmem>> -> memref<128xi32, #tpu.memory_space<vmem>>
    %dma_start3A_1305 = arith.constant 0 : i32
    %dma_start3A_1306 = tpu.memref_slice %arg4[%dma_start3A_1305] : memref<67108864xf32, #tpu.memory_space<hbm>> -> memref<67108864xf32, #tpu.memory_space<hbm>>
    tpu.enqueue_indirect_dma source(%dma_start3A_1306 : memref<67108864xf32, #tpu.memory_space<hbm>>) target(%dma_start3A_1301 : memref<128xf32, #tpu.memory_space<vmem>>) offsets(%dma_start3A_1304 : memref<128xi32, #tpu.memory_space<vmem>>) semaphore(%arg9 : memref<!tpu.dma_semaphore, #tpu.memory_space<semaphore_mem>>)
    %dma_start3A_1307 = arith.constant 3 : i32
    %dma_start3A_1308 = arith.constant 3 : i32
    %dma_start3A_1309 = arith.constant 0 : i32
    %dma_start3A_1310 = tpu.memref_slice %arg8[%dma_start3A_1308, %dma_start3A_1309] : memref<4x128xf32, #tpu.memory_space<vmem>> -> memref<1x128xf32, #tpu.memory_space<vmem>>
    %dma_start3A_1311 = tpu.memref_squeeze %dma_start3A_1310 : memref<1x128xf32, #tpu.memory_space<vmem>> -> memref<128xf32, #tpu.memory_space<vmem>>
    %dma_start3A_1312 = arith.constant 0 : i32
    %dma_start3A_1313 = tpu.memref_slice %arg7[%dma_start3A_1307, %dma_start3A_1312] : memref<4x128xi32, #tpu.memory_space<vmem>> -> memref<1x128xi32, #tpu.memory_space<vmem>>
    %dma_start3A_1314 = tpu.memref_squeeze %dma_start3A_1313 : memref<1x128xi32, #tpu.memory_space<vmem>> -> memref<128xi32, #tpu.memory_space<vmem>>
    %dma_start3A_1315 = arith.constant 0 : i32
    %dma_start3A_1316 = tpu.memref_slice %arg4[%dma_start3A_1315] : memref<67108864xf32, #tpu.memory_space<hbm>> -> memref<67108864xf32, #tpu.memory_space<hbm>>
    tpu.enqueue_indirect_dma source(%dma_start3A_1316 : memref<67108864xf32, #tpu.memory_space<hbm>>) target(%dma_start3A_1311 : memref<128xf32, #tpu.memory_space<vmem>>) offsets(%dma_start3A_1314 : memref<128xi32, #tpu.memory_space<vmem>>) semaphore(%arg9 : memref<!tpu.dma_semaphore, #tpu.memory_space<semaphore_mem>>)
    %dma_wait3A = arith.constant 0 : i32
    %dma_wait3A_1317 = arith.constant 0 : i32
    %dma_wait3A_1318 = arith.constant 0 : i32
    %dma_wait3A_1319 = tpu.memref_slice %arg8[%dma_wait3A_1317, %dma_wait3A_1318] : memref<4x128xf32, #tpu.memory_space<vmem>> -> memref<1x128xf32, #tpu.memory_space<vmem>>
    %dma_wait3A_1320 = tpu.memref_squeeze %dma_wait3A_1319 : memref<1x128xf32, #tpu.memory_space<vmem>> -> memref<128xf32, #tpu.memory_space<vmem>>
    %dma_wait3A_1321 = arith.constant 0 : i32
    %dma_wait3A_1322 = tpu.memref_slice %arg7[%dma_wait3A, %dma_wait3A_1321] : memref<4x128xi32, #tpu.memory_space<vmem>> -> memref<1x128xi32, #tpu.memory_space<vmem>>
    %dma_wait3A_1323 = tpu.memref_squeeze %dma_wait3A_1322 : memref<1x128xi32, #tpu.memory_space<vmem>> -> memref<128xi32, #tpu.memory_space<vmem>>
    %dma_wait3A_1324 = arith.constant 0 : i32
    %dma_wait3A_1325 = tpu.memref_slice %arg4[%dma_wait3A_1324] : memref<67108864xf32, #tpu.memory_space<hbm>> -> memref<67108864xf32, #tpu.memory_space<hbm>>
    tpu.wait_indirect_dma semaphore(%arg9 : memref<!tpu.dma_semaphore, #tpu.memory_space<semaphore_mem>>) src(%dma_wait3A_1325 : memref<67108864xf32, #tpu.memory_space<hbm>>) dst(%dma_wait3A_1320 : memref<128xf32, #tpu.memory_space<vmem>>)
    %dma_wait3A_1326 = arith.constant 1 : i32
    %dma_wait3A_1327 = arith.constant 1 : i32
    %dma_wait3A_1328 = arith.constant 0 : i32
    %dma_wait3A_1329 = tpu.memref_slice %arg8[%dma_wait3A_1327, %dma_wait3A_1328] : memref<4x128xf32, #tpu.memory_space<vmem>> -> memref<1x128xf32, #tpu.memory_space<vmem>>
    %dma_wait3A_1330 = tpu.memref_squeeze %dma_wait3A_1329 : memref<1x128xf32, #tpu.memory_space<vmem>> -> memref<128xf32, #tpu.memory_space<vmem>>
    %dma_wait3A_1331 = arith.constant 0 : i32
    %dma_wait3A_1332 = tpu.memref_slice %arg7[%dma_wait3A_1326, %dma_wait3A_1331] : memref<4x128xi32, #tpu.memory_space<vmem>> -> memref<1x128xi32, #tpu.memory_space<vmem>>
    %dma_wait3A_1333 = tpu.memref_squeeze %dma_wait3A_1332 : memref<1x128xi32, #tpu.memory_space<vmem>> -> memref<128xi32, #tpu.memory_space<vmem>>
    %dma_wait3A_1334 = arith.constant 0 : i32
    %dma_wait3A_1335 = tpu.memref_slice %arg4[%dma_wait3A_1334] : memref<67108864xf32, #tpu.memory_space<hbm>> -> memref<67108864xf32, #tpu.memory_space<hbm>>
    tpu.wait_indirect_dma semaphore(%arg9 : memref<!tpu.dma_semaphore, #tpu.memory_space<semaphore_mem>>) src(%dma_wait3A_1335 : memref<67108864xf32, #tpu.memory_space<hbm>>) dst(%dma_wait3A_1330 : memref<128xf32, #tpu.memory_space<vmem>>)
    %dma_wait3A_1336 = arith.constant 2 : i32
    %dma_wait3A_1337 = arith.constant 2 : i32
    %dma_wait3A_1338 = arith.constant 0 : i32
    %dma_wait3A_1339 = tpu.memref_slice %arg8[%dma_wait3A_1337, %dma_wait3A_1338] : memref<4x128xf32, #tpu.memory_space<vmem>> -> memref<1x128xf32, #tpu.memory_space<vmem>>
    %dma_wait3A_1340 = tpu.memref_squeeze %dma_wait3A_1339 : memref<1x128xf32, #tpu.memory_space<vmem>> -> memref<128xf32, #tpu.memory_space<vmem>>
    %dma_wait3A_1341 = arith.constant 0 : i32
    %dma_wait3A_1342 = tpu.memref_slice %arg7[%dma_wait3A_1336, %dma_wait3A_1341] : memref<4x128xi32, #tpu.memory_space<vmem>> -> memref<1x128xi32, #tpu.memory_space<vmem>>
    %dma_wait3A_1343 = tpu.memref_squeeze %dma_wait3A_1342 : memref<1x128xi32, #tpu.memory_space<vmem>> -> memref<128xi32, #tpu.memory_space<vmem>>
    %dma_wait3A_1344 = arith.constant 0 : i32
    %dma_wait3A_1345 = tpu.memref_slice %arg4[%dma_wait3A_1344] : memref<67108864xf32, #tpu.memory_space<hbm>> -> memref<67108864xf32, #tpu.memory_space<hbm>>
    tpu.wait_indirect_dma semaphore(%arg9 : memref<!tpu.dma_semaphore, #tpu.memory_space<semaphore_mem>>) src(%dma_wait3A_1345 : memref<67108864xf32, #tpu.memory_space<hbm>>) dst(%dma_wait3A_1340 : memref<128xf32, #tpu.memory_space<vmem>>)
    %dma_wait3A_1346 = arith.constant 3 : i32
    %dma_wait3A_1347 = arith.constant 3 : i32
    %dma_wait3A_1348 = arith.constant 0 : i32
    %dma_wait3A_1349 = tpu.memref_slice %arg8[%dma_wait3A_1347, %dma_wait3A_1348] : memref<4x128xf32, #tpu.memory_space<vmem>> -> memref<1x128xf32, #tpu.memory_space<vmem>>
    %dma_wait3A_1350 = tpu.memref_squeeze %dma_wait3A_1349 : memref<1x128xf32, #tpu.memory_space<vmem>> -> memref<128xf32, #tpu.memory_space<vmem>>
    %dma_wait3A_1351 = arith.constant 0 : i32
    %dma_wait3A_1352 = tpu.memref_slice %arg7[%dma_wait3A_1346, %dma_wait3A_1351] : memref<4x128xi32, #tpu.memory_space<vmem>> -> memref<1x128xi32, #tpu.memory_space<vmem>>
    %dma_wait3A_1353 = tpu.memref_squeeze %dma_wait3A_1352 : memref<1x128xi32, #tpu.memory_space<vmem>> -> memref<128xi32, #tpu.memory_space<vmem>>
    %dma_wait3A_1354 = arith.constant 0 : i32
    %dma_wait3A_1355 = tpu.memref_slice %arg4[%dma_wait3A_1354] : memref<67108864xf32, #tpu.memory_space<hbm>> -> memref<67108864xf32, #tpu.memory_space<hbm>>
    tpu.wait_indirect_dma semaphore(%arg9 : memref<!tpu.dma_semaphore, #tpu.memory_space<semaphore_mem>>) src(%dma_wait3A_1355 : memref<67108864xf32, #tpu.memory_space<hbm>>) dst(%dma_wait3A_1350 : memref<128xf32, #tpu.memory_space<vmem>>)
    "tpu.region"() ({
      %run_scoped3A = tpu.sem_alloc : memref<!tpu.dma_semaphore, #tpu.memory_space<semaphore_mem>>
      %dma_start3A_1356 = arith.constant 0 : i32
      %dma_start3A_1357 = tpu.memref_slice %arg5[%mul3A_2, %dma_start3A_1356] : memref<128x128xf32, #tpu.memory_space<hbm>> -> memref<4x128xf32, #tpu.memory_space<hbm>>
      %dma_start3A_1358 = arith.constant 0 : i32
      %dma_start3A_1359 = tpu.memref_slice %arg5[%mul3A_2, %dma_start3A_1358] : memref<128x128xf32, #tpu.memory_space<hbm>> -> memref<4x128xf32, #tpu.memory_space<hbm>>
      tpu.enqueue_dma source(%arg8 : memref<4x128xf32, #tpu.memory_space<vmem>>) target(%dma_start3A_1359 : memref<4x128xf32, #tpu.memory_space<hbm>>) target_semaphore(%run_scoped3A : memref<!tpu.dma_semaphore, #tpu.memory_space<semaphore_mem>>)
      %dma_wait3A_1360 = arith.constant 0 : i32
      %dma_wait3A_1361 = tpu.memref_slice %arg5[%mul3A_2, %dma_wait3A_1360] : memref<128x128xf32, #tpu.memory_space<hbm>> -> memref<4x128xf32, #tpu.memory_space<hbm>>
      %dma_wait3A_1362 = arith.constant 0 : i32
      %dma_wait3A_1363 = tpu.memref_slice %arg5[%mul3A_2, %dma_wait3A_1362] : memref<128x128xf32, #tpu.memory_space<hbm>> -> memref<4x128xf32, #tpu.memory_space<hbm>>
      tpu.wait_dma2 semaphore(%run_scoped3A : memref<!tpu.dma_semaphore, #tpu.memory_space<semaphore_mem>>) src(%arg8 : memref<4x128xf32, #tpu.memory_space<vmem>>) dst(%dma_wait3A_1363 : memref<4x128xf32, #tpu.memory_space<hbm>>)
      tpu.yield
    }) : () -> ()
    return
  }
}

#map = affine_map<(d0, d1) -> (0, 0)>
#map1 = affine_map<(d0, d1) -> (0)>
module attributes {stable_mosaic.version = 14 : i64} {
  func.func @_sc_combine_body(%arg0: i32, %arg1: i32, %arg2: memref<128x128xi32, #tpu.memory_space<hbm>>, %arg3: memref<8192xf32, #tpu.memory_space<hbm>>, %arg4: memref<128x128xf32, #tpu.memory_space<hbm>>, %arg5: memref<128x128xf32, #tpu.memory_space<hbm>>, %arg6: memref<4x128xi32, #tpu.memory_space<vmem>>, %arg7: memref<4x128xf32, #tpu.memory_space<vmem>>, %arg8: memref<4x128xf32, #tpu.memory_space<vmem>>, %arg9: memref<!tpu.dma_semaphore, #tpu.memory_space<semaphore_mem>>, %arg10: memref<!tpu.dma_semaphore, #tpu.memory_space<semaphore_mem>>) attributes {dimension_semantics = [#tpu.dimension_semantics<core_parallel>, #tpu.dimension_semantics<subcore_parallel>], iteration_bounds = array<i64: 2, 16>, scalar_prefetch = 0 : i64, scratch_operands = 5 : i64, tpu.core_type = #tpu.core_type<sc_vector_subcore>, window_params = [{transform_indices = #map}, {transform_indices = #map1}, {transform_indices = #map}, {transform_indices = #map}]} {
    %mul3A = arith.constant 2 : i32
    %mul3A_0 = arith.muli %arg1, %mul3A : i32
    %add3A = arith.addi %mul3A_0, %arg0 : i32
    %mul3A_1 = arith.constant 4 : i32
    %mul3A_2 = arith.muli %add3A, %mul3A_1 : i32
    %dma_start3A = arith.constant 0 : i32
    %dma_start3A_3 = tpu.memref_slice %arg4[%mul3A_2, %dma_start3A] : memref<128x128xf32, #tpu.memory_space<hbm>> -> memref<4x128xf32, #tpu.memory_space<hbm>>
    %dma_start3A_4 = arith.constant 0 : i32
    %dma_start3A_5 = tpu.memref_slice %arg4[%mul3A_2, %dma_start3A_4] : memref<128x128xf32, #tpu.memory_space<hbm>> -> memref<4x128xf32, #tpu.memory_space<hbm>>
    tpu.enqueue_dma source(%dma_start3A_5 : memref<4x128xf32, #tpu.memory_space<hbm>>) target(%arg8 : memref<4x128xf32, #tpu.memory_space<vmem>>) target_semaphore(%arg10 : memref<!tpu.dma_semaphore, #tpu.memory_space<semaphore_mem>>)
    "tpu.region"() ({
      %run_scoped3A = tpu.sem_alloc : memref<!tpu.dma_semaphore, #tpu.memory_space<semaphore_mem>>
      %dma_start3A_631 = arith.constant 0 : i32
      %dma_start3A_632 = tpu.memref_slice %arg2[%mul3A_2, %dma_start3A_631] : memref<128x128xi32, #tpu.memory_space<hbm>> -> memref<4x128xi32, #tpu.memory_space<hbm>>
      %dma_start3A_633 = arith.constant 0 : i32
      %dma_start3A_634 = tpu.memref_slice %arg2[%mul3A_2, %dma_start3A_633] : memref<128x128xi32, #tpu.memory_space<hbm>> -> memref<4x128xi32, #tpu.memory_space<hbm>>
      tpu.enqueue_dma source(%dma_start3A_634 : memref<4x128xi32, #tpu.memory_space<hbm>>) target(%arg6 : memref<4x128xi32, #tpu.memory_space<vmem>>) target_semaphore(%run_scoped3A : memref<!tpu.dma_semaphore, #tpu.memory_space<semaphore_mem>>)
      %dma_wait3A_635 = arith.constant 0 : i32
      %dma_wait3A_636 = tpu.memref_slice %arg2[%mul3A_2, %dma_wait3A_635] : memref<128x128xi32, #tpu.memory_space<hbm>> -> memref<4x128xi32, #tpu.memory_space<hbm>>
      %dma_wait3A_637 = arith.constant 0 : i32
      %dma_wait3A_638 = tpu.memref_slice %arg2[%mul3A_2, %dma_wait3A_637] : memref<128x128xi32, #tpu.memory_space<hbm>> -> memref<4x128xi32, #tpu.memory_space<hbm>>
      tpu.wait_dma2 semaphore(%run_scoped3A : memref<!tpu.dma_semaphore, #tpu.memory_space<semaphore_mem>>) src(%dma_wait3A_638 : memref<4x128xi32, #tpu.memory_space<hbm>>) dst(%arg6 : memref<4x128xi32, #tpu.memory_space<vmem>>)
      tpu.yield
    }) : () -> ()
    %dma_start3A_6 = arith.constant 0 : i32
    %dma_start3A_7 = arith.constant 0 : i32
    %dma_start3A_8 = arith.constant 0 : i32
    %dma_start3A_9 = tpu.memref_slice %arg7[%dma_start3A_7, %dma_start3A_8] : memref<4x128xf32, #tpu.memory_space<vmem>> -> memref<1x128xf32, #tpu.memory_space<vmem>>
    %dma_start3A_10 = tpu.memref_squeeze %dma_start3A_9 : memref<1x128xf32, #tpu.memory_space<vmem>> -> memref<128xf32, #tpu.memory_space<vmem>>
    %dma_start3A_11 = arith.constant 0 : i32
    %dma_start3A_12 = tpu.memref_slice %arg6[%dma_start3A_6, %dma_start3A_11] : memref<4x128xi32, #tpu.memory_space<vmem>> -> memref<1x128xi32, #tpu.memory_space<vmem>>
    %dma_start3A_13 = tpu.memref_squeeze %dma_start3A_12 : memref<1x128xi32, #tpu.memory_space<vmem>> -> memref<128xi32, #tpu.memory_space<vmem>>
    %dma_start3A_14 = arith.constant 0 : i32
    %dma_start3A_15 = tpu.memref_slice %arg3[%dma_start3A_14] : memref<8192xf32, #tpu.memory_space<hbm>> -> memref<8192xf32, #tpu.memory_space<hbm>>
    tpu.enqueue_indirect_dma source(%dma_start3A_15 : memref<8192xf32, #tpu.memory_space<hbm>>) target(%dma_start3A_10 : memref<128xf32, #tpu.memory_space<vmem>>) offsets(%dma_start3A_13 : memref<128xi32, #tpu.memory_space<vmem>>) semaphore(%arg9 : memref<!tpu.dma_semaphore, #tpu.memory_space<semaphore_mem>>)
    %dma_start3A_16 = arith.constant 1 : i32
    %dma_start3A_17 = arith.constant 1 : i32
    %dma_start3A_18 = arith.constant 0 : i32
    %dma_start3A_19 = tpu.memref_slice %arg7[%dma_start3A_17, %dma_start3A_18] : memref<4x128xf32, #tpu.memory_space<vmem>> -> memref<1x128xf32, #tpu.memory_space<vmem>>
    %dma_start3A_20 = tpu.memref_squeeze %dma_start3A_19 : memref<1x128xf32, #tpu.memory_space<vmem>> -> memref<128xf32, #tpu.memory_space<vmem>>
    %dma_start3A_21 = arith.constant 0 : i32
    %dma_start3A_22 = tpu.memref_slice %arg6[%dma_start3A_16, %dma_start3A_21] : memref<4x128xi32, #tpu.memory_space<vmem>> -> memref<1x128xi32, #tpu.memory_space<vmem>>
    %dma_start3A_23 = tpu.memref_squeeze %dma_start3A_22 : memref<1x128xi32, #tpu.memory_space<vmem>> -> memref<128xi32, #tpu.memory_space<vmem>>
    %dma_start3A_24 = arith.constant 0 : i32
    %dma_start3A_25 = tpu.memref_slice %arg3[%dma_start3A_24] : memref<8192xf32, #tpu.memory_space<hbm>> -> memref<8192xf32, #tpu.memory_space<hbm>>
    tpu.enqueue_indirect_dma source(%dma_start3A_25 : memref<8192xf32, #tpu.memory_space<hbm>>) target(%dma_start3A_20 : memref<128xf32, #tpu.memory_space<vmem>>) offsets(%dma_start3A_23 : memref<128xi32, #tpu.memory_space<vmem>>) semaphore(%arg9 : memref<!tpu.dma_semaphore, #tpu.memory_space<semaphore_mem>>)
    %dma_start3A_26 = arith.constant 2 : i32
    %dma_start3A_27 = arith.constant 2 : i32
    %dma_start3A_28 = arith.constant 0 : i32
    %dma_start3A_29 = tpu.memref_slice %arg7[%dma_start3A_27, %dma_start3A_28] : memref<4x128xf32, #tpu.memory_space<vmem>> -> memref<1x128xf32, #tpu.memory_space<vmem>>
    %dma_start3A_30 = tpu.memref_squeeze %dma_start3A_29 : memref<1x128xf32, #tpu.memory_space<vmem>> -> memref<128xf32, #tpu.memory_space<vmem>>
    %dma_start3A_31 = arith.constant 0 : i32
    %dma_start3A_32 = tpu.memref_slice %arg6[%dma_start3A_26, %dma_start3A_31] : memref<4x128xi32, #tpu.memory_space<vmem>> -> memref<1x128xi32, #tpu.memory_space<vmem>>
    %dma_start3A_33 = tpu.memref_squeeze %dma_start3A_32 : memref<1x128xi32, #tpu.memory_space<vmem>> -> memref<128xi32, #tpu.memory_space<vmem>>
    %dma_start3A_34 = arith.constant 0 : i32
    %dma_start3A_35 = tpu.memref_slice %arg3[%dma_start3A_34] : memref<8192xf32, #tpu.memory_space<hbm>> -> memref<8192xf32, #tpu.memory_space<hbm>>
    tpu.enqueue_indirect_dma source(%dma_start3A_35 : memref<8192xf32, #tpu.memory_space<hbm>>) target(%dma_start3A_30 : memref<128xf32, #tpu.memory_space<vmem>>) offsets(%dma_start3A_33 : memref<128xi32, #tpu.memory_space<vmem>>) semaphore(%arg9 : memref<!tpu.dma_semaphore, #tpu.memory_space<semaphore_mem>>)
    %dma_start3A_36 = arith.constant 3 : i32
    %dma_start3A_37 = arith.constant 3 : i32
    %dma_start3A_38 = arith.constant 0 : i32
    %dma_start3A_39 = tpu.memref_slice %arg7[%dma_start3A_37, %dma_start3A_38] : memref<4x128xf32, #tpu.memory_space<vmem>> -> memref<1x128xf32, #tpu.memory_space<vmem>>
    %dma_start3A_40 = tpu.memref_squeeze %dma_start3A_39 : memref<1x128xf32, #tpu.memory_space<vmem>> -> memref<128xf32, #tpu.memory_space<vmem>>
    %dma_start3A_41 = arith.constant 0 : i32
    %dma_start3A_42 = tpu.memref_slice %arg6[%dma_start3A_36, %dma_start3A_41] : memref<4x128xi32, #tpu.memory_space<vmem>> -> memref<1x128xi32, #tpu.memory_space<vmem>>
    %dma_start3A_43 = tpu.memref_squeeze %dma_start3A_42 : memref<1x128xi32, #tpu.memory_space<vmem>> -> memref<128xi32, #tpu.memory_space<vmem>>
    %dma_start3A_44 = arith.constant 0 : i32
    %dma_start3A_45 = tpu.memref_slice %arg3[%dma_start3A_44] : memref<8192xf32, #tpu.memory_space<hbm>> -> memref<8192xf32, #tpu.memory_space<hbm>>
    tpu.enqueue_indirect_dma source(%dma_start3A_45 : memref<8192xf32, #tpu.memory_space<hbm>>) target(%dma_start3A_40 : memref<128xf32, #tpu.memory_space<vmem>>) offsets(%dma_start3A_43 : memref<128xi32, #tpu.memory_space<vmem>>) semaphore(%arg9 : memref<!tpu.dma_semaphore, #tpu.memory_space<semaphore_mem>>)
    %dma_wait3A = arith.constant 0 : i32
    %dma_wait3A_46 = tpu.memref_slice %arg4[%mul3A_2, %dma_wait3A] : memref<128x128xf32, #tpu.memory_space<hbm>> -> memref<4x128xf32, #tpu.memory_space<hbm>>
    %dma_wait3A_47 = arith.constant 0 : i32
    %dma_wait3A_48 = tpu.memref_slice %arg4[%mul3A_2, %dma_wait3A_47] : memref<128x128xf32, #tpu.memory_space<hbm>> -> memref<4x128xf32, #tpu.memory_space<hbm>>
    tpu.wait_dma2 semaphore(%arg10 : memref<!tpu.dma_semaphore, #tpu.memory_space<semaphore_mem>>) src(%dma_wait3A_48 : memref<4x128xf32, #tpu.memory_space<hbm>>) dst(%arg8 : memref<4x128xf32, #tpu.memory_space<vmem>>)
    %dma_wait3A_49 = arith.constant 0 : i32
    %dma_wait3A_50 = arith.constant 0 : i32
    %dma_wait3A_51 = arith.constant 0 : i32
    %dma_wait3A_52 = tpu.memref_slice %arg7[%dma_wait3A_50, %dma_wait3A_51] : memref<4x128xf32, #tpu.memory_space<vmem>> -> memref<1x128xf32, #tpu.memory_space<vmem>>
    %dma_wait3A_53 = tpu.memref_squeeze %dma_wait3A_52 : memref<1x128xf32, #tpu.memory_space<vmem>> -> memref<128xf32, #tpu.memory_space<vmem>>
    %dma_wait3A_54 = arith.constant 0 : i32
    %dma_wait3A_55 = tpu.memref_slice %arg6[%dma_wait3A_49, %dma_wait3A_54] : memref<4x128xi32, #tpu.memory_space<vmem>> -> memref<1x128xi32, #tpu.memory_space<vmem>>
    %dma_wait3A_56 = tpu.memref_squeeze %dma_wait3A_55 : memref<1x128xi32, #tpu.memory_space<vmem>> -> memref<128xi32, #tpu.memory_space<vmem>>
    %dma_wait3A_57 = arith.constant 0 : i32
    %dma_wait3A_58 = tpu.memref_slice %arg3[%dma_wait3A_57] : memref<8192xf32, #tpu.memory_space<hbm>> -> memref<8192xf32, #tpu.memory_space<hbm>>
    tpu.wait_indirect_dma semaphore(%arg9 : memref<!tpu.dma_semaphore, #tpu.memory_space<semaphore_mem>>) src(%dma_wait3A_58 : memref<8192xf32, #tpu.memory_space<hbm>>) dst(%dma_wait3A_53 : memref<128xf32, #tpu.memory_space<vmem>>)
    %dma_wait3A_59 = arith.constant 1 : i32
    %dma_wait3A_60 = arith.constant 1 : i32
    %dma_wait3A_61 = arith.constant 0 : i32
    %dma_wait3A_62 = tpu.memref_slice %arg7[%dma_wait3A_60, %dma_wait3A_61] : memref<4x128xf32, #tpu.memory_space<vmem>> -> memref<1x128xf32, #tpu.memory_space<vmem>>
    %dma_wait3A_63 = tpu.memref_squeeze %dma_wait3A_62 : memref<1x128xf32, #tpu.memory_space<vmem>> -> memref<128xf32, #tpu.memory_space<vmem>>
    %dma_wait3A_64 = arith.constant 0 : i32
    %dma_wait3A_65 = tpu.memref_slice %arg6[%dma_wait3A_59, %dma_wait3A_64] : memref<4x128xi32, #tpu.memory_space<vmem>> -> memref<1x128xi32, #tpu.memory_space<vmem>>
    %dma_wait3A_66 = tpu.memref_squeeze %dma_wait3A_65 : memref<1x128xi32, #tpu.memory_space<vmem>> -> memref<128xi32, #tpu.memory_space<vmem>>
    %dma_wait3A_67 = arith.constant 0 : i32
    %dma_wait3A_68 = tpu.memref_slice %arg3[%dma_wait3A_67] : memref<8192xf32, #tpu.memory_space<hbm>> -> memref<8192xf32, #tpu.memory_space<hbm>>
    tpu.wait_indirect_dma semaphore(%arg9 : memref<!tpu.dma_semaphore, #tpu.memory_space<semaphore_mem>>) src(%dma_wait3A_68 : memref<8192xf32, #tpu.memory_space<hbm>>) dst(%dma_wait3A_63 : memref<128xf32, #tpu.memory_space<vmem>>)
    %dma_wait3A_69 = arith.constant 2 : i32
    %dma_wait3A_70 = arith.constant 2 : i32
    %dma_wait3A_71 = arith.constant 0 : i32
    %dma_wait3A_72 = tpu.memref_slice %arg7[%dma_wait3A_70, %dma_wait3A_71] : memref<4x128xf32, #tpu.memory_space<vmem>> -> memref<1x128xf32, #tpu.memory_space<vmem>>
    %dma_wait3A_73 = tpu.memref_squeeze %dma_wait3A_72 : memref<1x128xf32, #tpu.memory_space<vmem>> -> memref<128xf32, #tpu.memory_space<vmem>>
    %dma_wait3A_74 = arith.constant 0 : i32
    %dma_wait3A_75 = tpu.memref_slice %arg6[%dma_wait3A_69, %dma_wait3A_74] : memref<4x128xi32, #tpu.memory_space<vmem>> -> memref<1x128xi32, #tpu.memory_space<vmem>>
    %dma_wait3A_76 = tpu.memref_squeeze %dma_wait3A_75 : memref<1x128xi32, #tpu.memory_space<vmem>> -> memref<128xi32, #tpu.memory_space<vmem>>
    %dma_wait3A_77 = arith.constant 0 : i32
    %dma_wait3A_78 = tpu.memref_slice %arg3[%dma_wait3A_77] : memref<8192xf32, #tpu.memory_space<hbm>> -> memref<8192xf32, #tpu.memory_space<hbm>>
    tpu.wait_indirect_dma semaphore(%arg9 : memref<!tpu.dma_semaphore, #tpu.memory_space<semaphore_mem>>) src(%dma_wait3A_78 : memref<8192xf32, #tpu.memory_space<hbm>>) dst(%dma_wait3A_73 : memref<128xf32, #tpu.memory_space<vmem>>)
    %dma_wait3A_79 = arith.constant 3 : i32
    %dma_wait3A_80 = arith.constant 3 : i32
    %dma_wait3A_81 = arith.constant 0 : i32
    %dma_wait3A_82 = tpu.memref_slice %arg7[%dma_wait3A_80, %dma_wait3A_81] : memref<4x128xf32, #tpu.memory_space<vmem>> -> memref<1x128xf32, #tpu.memory_space<vmem>>
    %dma_wait3A_83 = tpu.memref_squeeze %dma_wait3A_82 : memref<1x128xf32, #tpu.memory_space<vmem>> -> memref<128xf32, #tpu.memory_space<vmem>>
    %dma_wait3A_84 = arith.constant 0 : i32
    %dma_wait3A_85 = tpu.memref_slice %arg6[%dma_wait3A_79, %dma_wait3A_84] : memref<4x128xi32, #tpu.memory_space<vmem>> -> memref<1x128xi32, #tpu.memory_space<vmem>>
    %dma_wait3A_86 = tpu.memref_squeeze %dma_wait3A_85 : memref<1x128xi32, #tpu.memory_space<vmem>> -> memref<128xi32, #tpu.memory_space<vmem>>
    %dma_wait3A_87 = arith.constant 0 : i32
    %dma_wait3A_88 = tpu.memref_slice %arg3[%dma_wait3A_87] : memref<8192xf32, #tpu.memory_space<hbm>> -> memref<8192xf32, #tpu.memory_space<hbm>>
    tpu.wait_indirect_dma semaphore(%arg9 : memref<!tpu.dma_semaphore, #tpu.memory_space<semaphore_mem>>) src(%dma_wait3A_88 : memref<8192xf32, #tpu.memory_space<hbm>>) dst(%dma_wait3A_83 : memref<128xf32, #tpu.memory_space<vmem>>)
    %get3A = arith.constant 0 : i32
    %get3A_89 = arith.index_cast %get3A : i32 to index
    %get3A_90 = arith.constant 0 : index
    %get3A_91 = tpu.vector_load %arg8[%get3A_89, %get3A_90] {strides = array<i32>} : memref<4x128xf32, #tpu.memory_space<vmem>>, vector<1x16xf32>,
    %get3A_92 = vector.shape_cast %get3A_91 : vector<1x16xf32> to vector<16xf32>
    %get3A_93 = arith.constant 0 : i32
    %get3A_94 = arith.index_cast %get3A_93 : i32 to index
    %get3A_95 = arith.constant 0 : index
    %get3A_96 = tpu.vector_load %arg7[%get3A_94, %get3A_95] {strides = array<i32>} : memref<4x128xf32, #tpu.memory_space<vmem>>, vector<1x16xf32>,
    %get3A_97 = vector.shape_cast %get3A_96 : vector<1x16xf32> to vector<16xf32>
    %add3A_98 = arith.addf %get3A_92, %get3A_97 : vector<16xf32>
    %swap3A = arith.constant 0 : i32
    %swap3A_99 = arith.index_cast %swap3A : i32 to index
    %swap3A_100 = arith.constant 0 : index
    %swap3A_101 = tpu.vector_load %arg8[%swap3A_99, %swap3A_100] {strides = array<i32>} : memref<4x128xf32, #tpu.memory_space<vmem>>, vector<1x16xf32>,
    %swap3A_102 = vector.shape_cast %swap3A_101 : vector<1x16xf32> to vector<16xf32>
    %swap3A_103 = vector.shape_cast %add3A_98 : vector<16xf32> to vector<1x16xf32>
    tpu.vector_store %arg8[%swap3A_99, %swap3A_100], %swap3A_103 {strides = array<i32>} : memref<4x128xf32, #tpu.memory_space<vmem>>, vector<1x16xf32>,
    %get3A_104 = arith.constant 0 : i32
    %get3A_105 = arith.index_cast %get3A_104 : i32 to index
    %get3A_106 = arith.constant 16 : index
    %get3A_107 = tpu.vector_load %arg8[%get3A_105, %get3A_106] {strides = array<i32>} : memref<4x128xf32, #tpu.memory_space<vmem>>, vector<1x16xf32>,
    %get3A_108 = vector.shape_cast %get3A_107 : vector<1x16xf32> to vector<16xf32>
    %get3A_109 = arith.constant 0 : i32
    %get3A_110 = arith.index_cast %get3A_109 : i32 to index
    %get3A_111 = arith.constant 16 : index
    %get3A_112 = tpu.vector_load %arg7[%get3A_110, %get3A_111] {strides = array<i32>} : memref<4x128xf32, #tpu.memory_space<vmem>>, vector<1x16xf32>,
    %get3A_113 = vector.shape_cast %get3A_112 : vector<1x16xf32> to vector<16xf32>
    %add3A_114 = arith.addf %get3A_108, %get3A_113 : vector<16xf32>
    %swap3A_115 = arith.constant 0 : i32
    %swap3A_116 = arith.index_cast %swap3A_115 : i32 to index
    %swap3A_117 = arith.constant 16 : index
    %swap3A_118 = tpu.vector_load %arg8[%swap3A_116, %swap3A_117] {strides = array<i32>} : memref<4x128xf32, #tpu.memory_space<vmem>>, vector<1x16xf32>,
    %swap3A_119 = vector.shape_cast %swap3A_118 : vector<1x16xf32> to vector<16xf32>
    %swap3A_120 = vector.shape_cast %add3A_114 : vector<16xf32> to vector<1x16xf32>
    tpu.vector_store %arg8[%swap3A_116, %swap3A_117], %swap3A_120 {strides = array<i32>} : memref<4x128xf32, #tpu.memory_space<vmem>>, vector<1x16xf32>,
    %get3A_121 = arith.constant 0 : i32
    %get3A_122 = arith.index_cast %get3A_121 : i32 to index
    %get3A_123 = arith.constant 32 : index
    %get3A_124 = tpu.vector_load %arg8[%get3A_122, %get3A_123] {strides = array<i32>} : memref<4x128xf32, #tpu.memory_space<vmem>>, vector<1x16xf32>,
    %get3A_125 = vector.shape_cast %get3A_124 : vector<1x16xf32> to vector<16xf32>
    %get3A_126 = arith.constant 0 : i32
    %get3A_127 = arith.index_cast %get3A_126 : i32 to index
    %get3A_128 = arith.constant 32 : index
    %get3A_129 = tpu.vector_load %arg7[%get3A_127, %get3A_128] {strides = array<i32>} : memref<4x128xf32, #tpu.memory_space<vmem>>, vector<1x16xf32>,
    %get3A_130 = vector.shape_cast %get3A_129 : vector<1x16xf32> to vector<16xf32>
    %add3A_131 = arith.addf %get3A_125, %get3A_130 : vector<16xf32>
    %swap3A_132 = arith.constant 0 : i32
    %swap3A_133 = arith.index_cast %swap3A_132 : i32 to index
    %swap3A_134 = arith.constant 32 : index
    %swap3A_135 = tpu.vector_load %arg8[%swap3A_133, %swap3A_134] {strides = array<i32>} : memref<4x128xf32, #tpu.memory_space<vmem>>, vector<1x16xf32>,
    %swap3A_136 = vector.shape_cast %swap3A_135 : vector<1x16xf32> to vector<16xf32>
    %swap3A_137 = vector.shape_cast %add3A_131 : vector<16xf32> to vector<1x16xf32>
    tpu.vector_store %arg8[%swap3A_133, %swap3A_134], %swap3A_137 {strides = array<i32>} : memref<4x128xf32, #tpu.memory_space<vmem>>, vector<1x16xf32>,
    %get3A_138 = arith.constant 0 : i32
    %get3A_139 = arith.index_cast %get3A_138 : i32 to index
    %get3A_140 = arith.constant 48 : index
    %get3A_141 = tpu.vector_load %arg8[%get3A_139, %get3A_140] {strides = array<i32>} : memref<4x128xf32, #tpu.memory_space<vmem>>, vector<1x16xf32>,
    %get3A_142 = vector.shape_cast %get3A_141 : vector<1x16xf32> to vector<16xf32>
    %get3A_143 = arith.constant 0 : i32
    %get3A_144 = arith.index_cast %get3A_143 : i32 to index
    %get3A_145 = arith.constant 48 : index
    %get3A_146 = tpu.vector_load %arg7[%get3A_144, %get3A_145] {strides = array<i32>} : memref<4x128xf32, #tpu.memory_space<vmem>>, vector<1x16xf32>,
    %get3A_147 = vector.shape_cast %get3A_146 : vector<1x16xf32> to vector<16xf32>
    %add3A_148 = arith.addf %get3A_142, %get3A_147 : vector<16xf32>
    %swap3A_149 = arith.constant 0 : i32
    %swap3A_150 = arith.index_cast %swap3A_149 : i32 to index
    %swap3A_151 = arith.constant 48 : index
    %swap3A_152 = tpu.vector_load %arg8[%swap3A_150, %swap3A_151] {strides = array<i32>} : memref<4x128xf32, #tpu.memory_space<vmem>>, vector<1x16xf32>,
    %swap3A_153 = vector.shape_cast %swap3A_152 : vector<1x16xf32> to vector<16xf32>
    %swap3A_154 = vector.shape_cast %add3A_148 : vector<16xf32> to vector<1x16xf32>
    tpu.vector_store %arg8[%swap3A_150, %swap3A_151], %swap3A_154 {strides = array<i32>} : memref<4x128xf32, #tpu.memory_space<vmem>>, vector<1x16xf32>,
    %get3A_155 = arith.constant 0 : i32
    %get3A_156 = arith.index_cast %get3A_155 : i32 to index
    %get3A_157 = arith.constant 64 : index
    %get3A_158 = tpu.vector_load %arg8[%get3A_156, %get3A_157] {strides = array<i32>} : memref<4x128xf32, #tpu.memory_space<vmem>>, vector<1x16xf32>,
    %get3A_159 = vector.shape_cast %get3A_158 : vector<1x16xf32> to vector<16xf32>
    %get3A_160 = arith.constant 0 : i32
    %get3A_161 = arith.index_cast %get3A_160 : i32 to index
    %get3A_162 = arith.constant 64 : index
    %get3A_163 = tpu.vector_load %arg7[%get3A_161, %get3A_162] {strides = array<i32>} : memref<4x128xf32, #tpu.memory_space<vmem>>, vector<1x16xf32>,
    %get3A_164 = vector.shape_cast %get3A_163 : vector<1x16xf32> to vector<16xf32>
    %add3A_165 = arith.addf %get3A_159, %get3A_164 : vector<16xf32>
    %swap3A_166 = arith.constant 0 : i32
    %swap3A_167 = arith.index_cast %swap3A_166 : i32 to index
    %swap3A_168 = arith.constant 64 : index
    %swap3A_169 = tpu.vector_load %arg8[%swap3A_167, %swap3A_168] {strides = array<i32>} : memref<4x128xf32, #tpu.memory_space<vmem>>, vector<1x16xf32>,
    %swap3A_170 = vector.shape_cast %swap3A_169 : vector<1x16xf32> to vector<16xf32>
    %swap3A_171 = vector.shape_cast %add3A_165 : vector<16xf32> to vector<1x16xf32>
    tpu.vector_store %arg8[%swap3A_167, %swap3A_168], %swap3A_171 {strides = array<i32>} : memref<4x128xf32, #tpu.memory_space<vmem>>, vector<1x16xf32>,
    %get3A_172 = arith.constant 0 : i32
    %get3A_173 = arith.index_cast %get3A_172 : i32 to index
    %get3A_174 = arith.constant 80 : index
    %get3A_175 = tpu.vector_load %arg8[%get3A_173, %get3A_174] {strides = array<i32>} : memref<4x128xf32, #tpu.memory_space<vmem>>, vector<1x16xf32>,
    %get3A_176 = vector.shape_cast %get3A_175 : vector<1x16xf32> to vector<16xf32>
    %get3A_177 = arith.constant 0 : i32
    %get3A_178 = arith.index_cast %get3A_177 : i32 to index
    %get3A_179 = arith.constant 80 : index
    %get3A_180 = tpu.vector_load %arg7[%get3A_178, %get3A_179] {strides = array<i32>} : memref<4x128xf32, #tpu.memory_space<vmem>>, vector<1x16xf32>,
    %get3A_181 = vector.shape_cast %get3A_180 : vector<1x16xf32> to vector<16xf32>
    %add3A_182 = arith.addf %get3A_176, %get3A_181 : vector<16xf32>
    %swap3A_183 = arith.constant 0 : i32
    %swap3A_184 = arith.index_cast %swap3A_183 : i32 to index
    %swap3A_185 = arith.constant 80 : index
    %swap3A_186 = tpu.vector_load %arg8[%swap3A_184, %swap3A_185] {strides = array<i32>} : memref<4x128xf32, #tpu.memory_space<vmem>>, vector<1x16xf32>,
    %swap3A_187 = vector.shape_cast %swap3A_186 : vector<1x16xf32> to vector<16xf32>
    %swap3A_188 = vector.shape_cast %add3A_182 : vector<16xf32> to vector<1x16xf32>
    tpu.vector_store %arg8[%swap3A_184, %swap3A_185], %swap3A_188 {strides = array<i32>} : memref<4x128xf32, #tpu.memory_space<vmem>>, vector<1x16xf32>,
    %get3A_189 = arith.constant 0 : i32
    %get3A_190 = arith.index_cast %get3A_189 : i32 to index
    %get3A_191 = arith.constant 96 : index
    %get3A_192 = tpu.vector_load %arg8[%get3A_190, %get3A_191] {strides = array<i32>} : memref<4x128xf32, #tpu.memory_space<vmem>>, vector<1x16xf32>,
    %get3A_193 = vector.shape_cast %get3A_192 : vector<1x16xf32> to vector<16xf32>
    %get3A_194 = arith.constant 0 : i32
    %get3A_195 = arith.index_cast %get3A_194 : i32 to index
    %get3A_196 = arith.constant 96 : index
    %get3A_197 = tpu.vector_load %arg7[%get3A_195, %get3A_196] {strides = array<i32>} : memref<4x128xf32, #tpu.memory_space<vmem>>, vector<1x16xf32>,
    %get3A_198 = vector.shape_cast %get3A_197 : vector<1x16xf32> to vector<16xf32>
    %add3A_199 = arith.addf %get3A_193, %get3A_198 : vector<16xf32>
    %swap3A_200 = arith.constant 0 : i32
    %swap3A_201 = arith.index_cast %swap3A_200 : i32 to index
    %swap3A_202 = arith.constant 96 : index
    %swap3A_203 = tpu.vector_load %arg8[%swap3A_201, %swap3A_202] {strides = array<i32>} : memref<4x128xf32, #tpu.memory_space<vmem>>, vector<1x16xf32>,
    %swap3A_204 = vector.shape_cast %swap3A_203 : vector<1x16xf32> to vector<16xf32>
    %swap3A_205 = vector.shape_cast %add3A_199 : vector<16xf32> to vector<1x16xf32>
    tpu.vector_store %arg8[%swap3A_201, %swap3A_202], %swap3A_205 {strides = array<i32>} : memref<4x128xf32, #tpu.memory_space<vmem>>, vector<1x16xf32>,
    %get3A_206 = arith.constant 0 : i32
    %get3A_207 = arith.index_cast %get3A_206 : i32 to index
    %get3A_208 = arith.constant 112 : index
    %get3A_209 = tpu.vector_load %arg8[%get3A_207, %get3A_208] {strides = array<i32>} : memref<4x128xf32, #tpu.memory_space<vmem>>, vector<1x16xf32>,
    %get3A_210 = vector.shape_cast %get3A_209 : vector<1x16xf32> to vector<16xf32>
    %get3A_211 = arith.constant 0 : i32
    %get3A_212 = arith.index_cast %get3A_211 : i32 to index
    %get3A_213 = arith.constant 112 : index
    %get3A_214 = tpu.vector_load %arg7[%get3A_212, %get3A_213] {strides = array<i32>} : memref<4x128xf32, #tpu.memory_space<vmem>>, vector<1x16xf32>,
    %get3A_215 = vector.shape_cast %get3A_214 : vector<1x16xf32> to vector<16xf32>
    %add3A_216 = arith.addf %get3A_210, %get3A_215 : vector<16xf32>
    %swap3A_217 = arith.constant 0 : i32
    %swap3A_218 = arith.index_cast %swap3A_217 : i32 to index
    %swap3A_219 = arith.constant 112 : index
    %swap3A_220 = tpu.vector_load %arg8[%swap3A_218, %swap3A_219] {strides = array<i32>} : memref<4x128xf32, #tpu.memory_space<vmem>>, vector<1x16xf32>,
    %swap3A_221 = vector.shape_cast %swap3A_220 : vector<1x16xf32> to vector<16xf32>
    %swap3A_222 = vector.shape_cast %add3A_216 : vector<16xf32> to vector<1x16xf32>
    tpu.vector_store %arg8[%swap3A_218, %swap3A_219], %swap3A_222 {strides = array<i32>} : memref<4x128xf32, #tpu.memory_space<vmem>>, vector<1x16xf32>,
    %get3A_223 = arith.constant 1 : i32
    %get3A_224 = arith.index_cast %get3A_223 : i32 to index
    %get3A_225 = arith.constant 0 : index
    %get3A_226 = tpu.vector_load %arg8[%get3A_224, %get3A_225] {strides = array<i32>} : memref<4x128xf32, #tpu.memory_space<vmem>>, vector<1x16xf32>,
    %get3A_227 = vector.shape_cast %get3A_226 : vector<1x16xf32> to vector<16xf32>
    %get3A_228 = arith.constant 1 : i32
    %get3A_229 = arith.index_cast %get3A_228 : i32 to index
    %get3A_230 = arith.constant 0 : index
    %get3A_231 = tpu.vector_load %arg7[%get3A_229, %get3A_230] {strides = array<i32>} : memref<4x128xf32, #tpu.memory_space<vmem>>, vector<1x16xf32>,
    %get3A_232 = vector.shape_cast %get3A_231 : vector<1x16xf32> to vector<16xf32>
    %add3A_233 = arith.addf %get3A_227, %get3A_232 : vector<16xf32>
    %swap3A_234 = arith.constant 1 : i32
    %swap3A_235 = arith.index_cast %swap3A_234 : i32 to index
    %swap3A_236 = arith.constant 0 : index
    %swap3A_237 = tpu.vector_load %arg8[%swap3A_235, %swap3A_236] {strides = array<i32>} : memref<4x128xf32, #tpu.memory_space<vmem>>, vector<1x16xf32>,
    %swap3A_238 = vector.shape_cast %swap3A_237 : vector<1x16xf32> to vector<16xf32>
    %swap3A_239 = vector.shape_cast %add3A_233 : vector<16xf32> to vector<1x16xf32>
    tpu.vector_store %arg8[%swap3A_235, %swap3A_236], %swap3A_239 {strides = array<i32>} : memref<4x128xf32, #tpu.memory_space<vmem>>, vector<1x16xf32>,
    %get3A_240 = arith.constant 1 : i32
    %get3A_241 = arith.index_cast %get3A_240 : i32 to index
    %get3A_242 = arith.constant 16 : index
    %get3A_243 = tpu.vector_load %arg8[%get3A_241, %get3A_242] {strides = array<i32>} : memref<4x128xf32, #tpu.memory_space<vmem>>, vector<1x16xf32>,
    %get3A_244 = vector.shape_cast %get3A_243 : vector<1x16xf32> to vector<16xf32>
    %get3A_245 = arith.constant 1 : i32
    %get3A_246 = arith.index_cast %get3A_245 : i32 to index
    %get3A_247 = arith.constant 16 : index
    %get3A_248 = tpu.vector_load %arg7[%get3A_246, %get3A_247] {strides = array<i32>} : memref<4x128xf32, #tpu.memory_space<vmem>>, vector<1x16xf32>,
    %get3A_249 = vector.shape_cast %get3A_248 : vector<1x16xf32> to vector<16xf32>
    %add3A_250 = arith.addf %get3A_244, %get3A_249 : vector<16xf32>
    %swap3A_251 = arith.constant 1 : i32
    %swap3A_252 = arith.index_cast %swap3A_251 : i32 to index
    %swap3A_253 = arith.constant 16 : index
    %swap3A_254 = tpu.vector_load %arg8[%swap3A_252, %swap3A_253] {strides = array<i32>} : memref<4x128xf32, #tpu.memory_space<vmem>>, vector<1x16xf32>,
    %swap3A_255 = vector.shape_cast %swap3A_254 : vector<1x16xf32> to vector<16xf32>
    %swap3A_256 = vector.shape_cast %add3A_250 : vector<16xf32> to vector<1x16xf32>
    tpu.vector_store %arg8[%swap3A_252, %swap3A_253], %swap3A_256 {strides = array<i32>} : memref<4x128xf32, #tpu.memory_space<vmem>>, vector<1x16xf32>,
    %get3A_257 = arith.constant 1 : i32
    %get3A_258 = arith.index_cast %get3A_257 : i32 to index
    %get3A_259 = arith.constant 32 : index
    %get3A_260 = tpu.vector_load %arg8[%get3A_258, %get3A_259] {strides = array<i32>} : memref<4x128xf32, #tpu.memory_space<vmem>>, vector<1x16xf32>,
    %get3A_261 = vector.shape_cast %get3A_260 : vector<1x16xf32> to vector<16xf32>
    %get3A_262 = arith.constant 1 : i32
    %get3A_263 = arith.index_cast %get3A_262 : i32 to index
    %get3A_264 = arith.constant 32 : index
    %get3A_265 = tpu.vector_load %arg7[%get3A_263, %get3A_264] {strides = array<i32>} : memref<4x128xf32, #tpu.memory_space<vmem>>, vector<1x16xf32>,
    %get3A_266 = vector.shape_cast %get3A_265 : vector<1x16xf32> to vector<16xf32>
    %add3A_267 = arith.addf %get3A_261, %get3A_266 : vector<16xf32>
    %swap3A_268 = arith.constant 1 : i32
    %swap3A_269 = arith.index_cast %swap3A_268 : i32 to index
    %swap3A_270 = arith.constant 32 : index
    %swap3A_271 = tpu.vector_load %arg8[%swap3A_269, %swap3A_270] {strides = array<i32>} : memref<4x128xf32, #tpu.memory_space<vmem>>, vector<1x16xf32>,
    %swap3A_272 = vector.shape_cast %swap3A_271 : vector<1x16xf32> to vector<16xf32>
    %swap3A_273 = vector.shape_cast %add3A_267 : vector<16xf32> to vector<1x16xf32>
    tpu.vector_store %arg8[%swap3A_269, %swap3A_270], %swap3A_273 {strides = array<i32>} : memref<4x128xf32, #tpu.memory_space<vmem>>, vector<1x16xf32>,
    %get3A_274 = arith.constant 1 : i32
    %get3A_275 = arith.index_cast %get3A_274 : i32 to index
    %get3A_276 = arith.constant 48 : index
    %get3A_277 = tpu.vector_load %arg8[%get3A_275, %get3A_276] {strides = array<i32>} : memref<4x128xf32, #tpu.memory_space<vmem>>, vector<1x16xf32>,
    %get3A_278 = vector.shape_cast %get3A_277 : vector<1x16xf32> to vector<16xf32>
    %get3A_279 = arith.constant 1 : i32
    %get3A_280 = arith.index_cast %get3A_279 : i32 to index
    %get3A_281 = arith.constant 48 : index
    %get3A_282 = tpu.vector_load %arg7[%get3A_280, %get3A_281] {strides = array<i32>} : memref<4x128xf32, #tpu.memory_space<vmem>>, vector<1x16xf32>,
    %get3A_283 = vector.shape_cast %get3A_282 : vector<1x16xf32> to vector<16xf32>
    %add3A_284 = arith.addf %get3A_278, %get3A_283 : vector<16xf32>
    %swap3A_285 = arith.constant 1 : i32
    %swap3A_286 = arith.index_cast %swap3A_285 : i32 to index
    %swap3A_287 = arith.constant 48 : index
    %swap3A_288 = tpu.vector_load %arg8[%swap3A_286, %swap3A_287] {strides = array<i32>} : memref<4x128xf32, #tpu.memory_space<vmem>>, vector<1x16xf32>,
    %swap3A_289 = vector.shape_cast %swap3A_288 : vector<1x16xf32> to vector<16xf32>
    %swap3A_290 = vector.shape_cast %add3A_284 : vector<16xf32> to vector<1x16xf32>
    tpu.vector_store %arg8[%swap3A_286, %swap3A_287], %swap3A_290 {strides = array<i32>} : memref<4x128xf32, #tpu.memory_space<vmem>>, vector<1x16xf32>,
    %get3A_291 = arith.constant 1 : i32
    %get3A_292 = arith.index_cast %get3A_291 : i32 to index
    %get3A_293 = arith.constant 64 : index
    %get3A_294 = tpu.vector_load %arg8[%get3A_292, %get3A_293] {strides = array<i32>} : memref<4x128xf32, #tpu.memory_space<vmem>>, vector<1x16xf32>,
    %get3A_295 = vector.shape_cast %get3A_294 : vector<1x16xf32> to vector<16xf32>
    %get3A_296 = arith.constant 1 : i32
    %get3A_297 = arith.index_cast %get3A_296 : i32 to index
    %get3A_298 = arith.constant 64 : index
    %get3A_299 = tpu.vector_load %arg7[%get3A_297, %get3A_298] {strides = array<i32>} : memref<4x128xf32, #tpu.memory_space<vmem>>, vector<1x16xf32>,
    %get3A_300 = vector.shape_cast %get3A_299 : vector<1x16xf32> to vector<16xf32>
    %add3A_301 = arith.addf %get3A_295, %get3A_300 : vector<16xf32>
    %swap3A_302 = arith.constant 1 : i32
    %swap3A_303 = arith.index_cast %swap3A_302 : i32 to index
    %swap3A_304 = arith.constant 64 : index
    %swap3A_305 = tpu.vector_load %arg8[%swap3A_303, %swap3A_304] {strides = array<i32>} : memref<4x128xf32, #tpu.memory_space<vmem>>, vector<1x16xf32>,
    %swap3A_306 = vector.shape_cast %swap3A_305 : vector<1x16xf32> to vector<16xf32>
    %swap3A_307 = vector.shape_cast %add3A_301 : vector<16xf32> to vector<1x16xf32>
    tpu.vector_store %arg8[%swap3A_303, %swap3A_304], %swap3A_307 {strides = array<i32>} : memref<4x128xf32, #tpu.memory_space<vmem>>, vector<1x16xf32>,
    %get3A_308 = arith.constant 1 : i32
    %get3A_309 = arith.index_cast %get3A_308 : i32 to index
    %get3A_310 = arith.constant 80 : index
    %get3A_311 = tpu.vector_load %arg8[%get3A_309, %get3A_310] {strides = array<i32>} : memref<4x128xf32, #tpu.memory_space<vmem>>, vector<1x16xf32>,
    %get3A_312 = vector.shape_cast %get3A_311 : vector<1x16xf32> to vector<16xf32>
    %get3A_313 = arith.constant 1 : i32
    %get3A_314 = arith.index_cast %get3A_313 : i32 to index
    %get3A_315 = arith.constant 80 : index
    %get3A_316 = tpu.vector_load %arg7[%get3A_314, %get3A_315] {strides = array<i32>} : memref<4x128xf32, #tpu.memory_space<vmem>>, vector<1x16xf32>,
    %get3A_317 = vector.shape_cast %get3A_316 : vector<1x16xf32> to vector<16xf32>
    %add3A_318 = arith.addf %get3A_312, %get3A_317 : vector<16xf32>
    %swap3A_319 = arith.constant 1 : i32
    %swap3A_320 = arith.index_cast %swap3A_319 : i32 to index
    %swap3A_321 = arith.constant 80 : index
    %swap3A_322 = tpu.vector_load %arg8[%swap3A_320, %swap3A_321] {strides = array<i32>} : memref<4x128xf32, #tpu.memory_space<vmem>>, vector<1x16xf32>,
    %swap3A_323 = vector.shape_cast %swap3A_322 : vector<1x16xf32> to vector<16xf32>
    %swap3A_324 = vector.shape_cast %add3A_318 : vector<16xf32> to vector<1x16xf32>
    tpu.vector_store %arg8[%swap3A_320, %swap3A_321], %swap3A_324 {strides = array<i32>} : memref<4x128xf32, #tpu.memory_space<vmem>>, vector<1x16xf32>,
    %get3A_325 = arith.constant 1 : i32
    %get3A_326 = arith.index_cast %get3A_325 : i32 to index
    %get3A_327 = arith.constant 96 : index
    %get3A_328 = tpu.vector_load %arg8[%get3A_326, %get3A_327] {strides = array<i32>} : memref<4x128xf32, #tpu.memory_space<vmem>>, vector<1x16xf32>,
    %get3A_329 = vector.shape_cast %get3A_328 : vector<1x16xf32> to vector<16xf32>
    %get3A_330 = arith.constant 1 : i32
    %get3A_331 = arith.index_cast %get3A_330 : i32 to index
    %get3A_332 = arith.constant 96 : index
    %get3A_333 = tpu.vector_load %arg7[%get3A_331, %get3A_332] {strides = array<i32>} : memref<4x128xf32, #tpu.memory_space<vmem>>, vector<1x16xf32>,
    %get3A_334 = vector.shape_cast %get3A_333 : vector<1x16xf32> to vector<16xf32>
    %add3A_335 = arith.addf %get3A_329, %get3A_334 : vector<16xf32>
    %swap3A_336 = arith.constant 1 : i32
    %swap3A_337 = arith.index_cast %swap3A_336 : i32 to index
    %swap3A_338 = arith.constant 96 : index
    %swap3A_339 = tpu.vector_load %arg8[%swap3A_337, %swap3A_338] {strides = array<i32>} : memref<4x128xf32, #tpu.memory_space<vmem>>, vector<1x16xf32>,
    %swap3A_340 = vector.shape_cast %swap3A_339 : vector<1x16xf32> to vector<16xf32>
    %swap3A_341 = vector.shape_cast %add3A_335 : vector<16xf32> to vector<1x16xf32>
    tpu.vector_store %arg8[%swap3A_337, %swap3A_338], %swap3A_341 {strides = array<i32>} : memref<4x128xf32, #tpu.memory_space<vmem>>, vector<1x16xf32>,
    %get3A_342 = arith.constant 1 : i32
    %get3A_343 = arith.index_cast %get3A_342 : i32 to index
    %get3A_344 = arith.constant 112 : index
    %get3A_345 = tpu.vector_load %arg8[%get3A_343, %get3A_344] {strides = array<i32>} : memref<4x128xf32, #tpu.memory_space<vmem>>, vector<1x16xf32>,
    %get3A_346 = vector.shape_cast %get3A_345 : vector<1x16xf32> to vector<16xf32>
    %get3A_347 = arith.constant 1 : i32
    %get3A_348 = arith.index_cast %get3A_347 : i32 to index
    %get3A_349 = arith.constant 112 : index
    %get3A_350 = tpu.vector_load %arg7[%get3A_348, %get3A_349] {strides = array<i32>} : memref<4x128xf32, #tpu.memory_space<vmem>>, vector<1x16xf32>,
    %get3A_351 = vector.shape_cast %get3A_350 : vector<1x16xf32> to vector<16xf32>
    %add3A_352 = arith.addf %get3A_346, %get3A_351 : vector<16xf32>
    %swap3A_353 = arith.constant 1 : i32
    %swap3A_354 = arith.index_cast %swap3A_353 : i32 to index
    %swap3A_355 = arith.constant 112 : index
    %swap3A_356 = tpu.vector_load %arg8[%swap3A_354, %swap3A_355] {strides = array<i32>} : memref<4x128xf32, #tpu.memory_space<vmem>>, vector<1x16xf32>,
    %swap3A_357 = vector.shape_cast %swap3A_356 : vector<1x16xf32> to vector<16xf32>
    %swap3A_358 = vector.shape_cast %add3A_352 : vector<16xf32> to vector<1x16xf32>
    tpu.vector_store %arg8[%swap3A_354, %swap3A_355], %swap3A_358 {strides = array<i32>} : memref<4x128xf32, #tpu.memory_space<vmem>>, vector<1x16xf32>,
    %get3A_359 = arith.constant 2 : i32
    %get3A_360 = arith.index_cast %get3A_359 : i32 to index
    %get3A_361 = arith.constant 0 : index
    %get3A_362 = tpu.vector_load %arg8[%get3A_360, %get3A_361] {strides = array<i32>} : memref<4x128xf32, #tpu.memory_space<vmem>>, vector<1x16xf32>,
    %get3A_363 = vector.shape_cast %get3A_362 : vector<1x16xf32> to vector<16xf32>
    %get3A_364 = arith.constant 2 : i32
    %get3A_365 = arith.index_cast %get3A_364 : i32 to index
    %get3A_366 = arith.constant 0 : index
    %get3A_367 = tpu.vector_load %arg7[%get3A_365, %get3A_366] {strides = array<i32>} : memref<4x128xf32, #tpu.memory_space<vmem>>, vector<1x16xf32>,
    %get3A_368 = vector.shape_cast %get3A_367 : vector<1x16xf32> to vector<16xf32>
    %add3A_369 = arith.addf %get3A_363, %get3A_368 : vector<16xf32>
    %swap3A_370 = arith.constant 2 : i32
    %swap3A_371 = arith.index_cast %swap3A_370 : i32 to index
    %swap3A_372 = arith.constant 0 : index
    %swap3A_373 = tpu.vector_load %arg8[%swap3A_371, %swap3A_372] {strides = array<i32>} : memref<4x128xf32, #tpu.memory_space<vmem>>, vector<1x16xf32>,
    %swap3A_374 = vector.shape_cast %swap3A_373 : vector<1x16xf32> to vector<16xf32>
    %swap3A_375 = vector.shape_cast %add3A_369 : vector<16xf32> to vector<1x16xf32>
    tpu.vector_store %arg8[%swap3A_371, %swap3A_372], %swap3A_375 {strides = array<i32>} : memref<4x128xf32, #tpu.memory_space<vmem>>, vector<1x16xf32>,
    %get3A_376 = arith.constant 2 : i32
    %get3A_377 = arith.index_cast %get3A_376 : i32 to index
    %get3A_378 = arith.constant 16 : index
    %get3A_379 = tpu.vector_load %arg8[%get3A_377, %get3A_378] {strides = array<i32>} : memref<4x128xf32, #tpu.memory_space<vmem>>, vector<1x16xf32>,
    %get3A_380 = vector.shape_cast %get3A_379 : vector<1x16xf32> to vector<16xf32>
    %get3A_381 = arith.constant 2 : i32
    %get3A_382 = arith.index_cast %get3A_381 : i32 to index
    %get3A_383 = arith.constant 16 : index
    %get3A_384 = tpu.vector_load %arg7[%get3A_382, %get3A_383] {strides = array<i32>} : memref<4x128xf32, #tpu.memory_space<vmem>>, vector<1x16xf32>,
    %get3A_385 = vector.shape_cast %get3A_384 : vector<1x16xf32> to vector<16xf32>
    %add3A_386 = arith.addf %get3A_380, %get3A_385 : vector<16xf32>
    %swap3A_387 = arith.constant 2 : i32
    %swap3A_388 = arith.index_cast %swap3A_387 : i32 to index
    %swap3A_389 = arith.constant 16 : index
    %swap3A_390 = tpu.vector_load %arg8[%swap3A_388, %swap3A_389] {strides = array<i32>} : memref<4x128xf32, #tpu.memory_space<vmem>>, vector<1x16xf32>,
    %swap3A_391 = vector.shape_cast %swap3A_390 : vector<1x16xf32> to vector<16xf32>
    %swap3A_392 = vector.shape_cast %add3A_386 : vector<16xf32> to vector<1x16xf32>
    tpu.vector_store %arg8[%swap3A_388, %swap3A_389], %swap3A_392 {strides = array<i32>} : memref<4x128xf32, #tpu.memory_space<vmem>>, vector<1x16xf32>,
    %get3A_393 = arith.constant 2 : i32
    %get3A_394 = arith.index_cast %get3A_393 : i32 to index
    %get3A_395 = arith.constant 32 : index
    %get3A_396 = tpu.vector_load %arg8[%get3A_394, %get3A_395] {strides = array<i32>} : memref<4x128xf32, #tpu.memory_space<vmem>>, vector<1x16xf32>,
    %get3A_397 = vector.shape_cast %get3A_396 : vector<1x16xf32> to vector<16xf32>
    %get3A_398 = arith.constant 2 : i32
    %get3A_399 = arith.index_cast %get3A_398 : i32 to index
    %get3A_400 = arith.constant 32 : index
    %get3A_401 = tpu.vector_load %arg7[%get3A_399, %get3A_400] {strides = array<i32>} : memref<4x128xf32, #tpu.memory_space<vmem>>, vector<1x16xf32>,
    %get3A_402 = vector.shape_cast %get3A_401 : vector<1x16xf32> to vector<16xf32>
    %add3A_403 = arith.addf %get3A_397, %get3A_402 : vector<16xf32>
    %swap3A_404 = arith.constant 2 : i32
    %swap3A_405 = arith.index_cast %swap3A_404 : i32 to index
    %swap3A_406 = arith.constant 32 : index
    %swap3A_407 = tpu.vector_load %arg8[%swap3A_405, %swap3A_406] {strides = array<i32>} : memref<4x128xf32, #tpu.memory_space<vmem>>, vector<1x16xf32>,
    %swap3A_408 = vector.shape_cast %swap3A_407 : vector<1x16xf32> to vector<16xf32>
    %swap3A_409 = vector.shape_cast %add3A_403 : vector<16xf32> to vector<1x16xf32>
    tpu.vector_store %arg8[%swap3A_405, %swap3A_406], %swap3A_409 {strides = array<i32>} : memref<4x128xf32, #tpu.memory_space<vmem>>, vector<1x16xf32>,
    %get3A_410 = arith.constant 2 : i32
    %get3A_411 = arith.index_cast %get3A_410 : i32 to index
    %get3A_412 = arith.constant 48 : index
    %get3A_413 = tpu.vector_load %arg8[%get3A_411, %get3A_412] {strides = array<i32>} : memref<4x128xf32, #tpu.memory_space<vmem>>, vector<1x16xf32>,
    %get3A_414 = vector.shape_cast %get3A_413 : vector<1x16xf32> to vector<16xf32>
    %get3A_415 = arith.constant 2 : i32
    %get3A_416 = arith.index_cast %get3A_415 : i32 to index
    %get3A_417 = arith.constant 48 : index
    %get3A_418 = tpu.vector_load %arg7[%get3A_416, %get3A_417] {strides = array<i32>} : memref<4x128xf32, #tpu.memory_space<vmem>>, vector<1x16xf32>,
    %get3A_419 = vector.shape_cast %get3A_418 : vector<1x16xf32> to vector<16xf32>
    %add3A_420 = arith.addf %get3A_414, %get3A_419 : vector<16xf32>
    %swap3A_421 = arith.constant 2 : i32
    %swap3A_422 = arith.index_cast %swap3A_421 : i32 to index
    %swap3A_423 = arith.constant 48 : index
    %swap3A_424 = tpu.vector_load %arg8[%swap3A_422, %swap3A_423] {strides = array<i32>} : memref<4x128xf32, #tpu.memory_space<vmem>>, vector<1x16xf32>,
    %swap3A_425 = vector.shape_cast %swap3A_424 : vector<1x16xf32> to vector<16xf32>
    %swap3A_426 = vector.shape_cast %add3A_420 : vector<16xf32> to vector<1x16xf32>
    tpu.vector_store %arg8[%swap3A_422, %swap3A_423], %swap3A_426 {strides = array<i32>} : memref<4x128xf32, #tpu.memory_space<vmem>>, vector<1x16xf32>,
    %get3A_427 = arith.constant 2 : i32
    %get3A_428 = arith.index_cast %get3A_427 : i32 to index
    %get3A_429 = arith.constant 64 : index
    %get3A_430 = tpu.vector_load %arg8[%get3A_428, %get3A_429] {strides = array<i32>} : memref<4x128xf32, #tpu.memory_space<vmem>>, vector<1x16xf32>,
    %get3A_431 = vector.shape_cast %get3A_430 : vector<1x16xf32> to vector<16xf32>
    %get3A_432 = arith.constant 2 : i32
    %get3A_433 = arith.index_cast %get3A_432 : i32 to index
    %get3A_434 = arith.constant 64 : index
    %get3A_435 = tpu.vector_load %arg7[%get3A_433, %get3A_434] {strides = array<i32>} : memref<4x128xf32, #tpu.memory_space<vmem>>, vector<1x16xf32>,
    %get3A_436 = vector.shape_cast %get3A_435 : vector<1x16xf32> to vector<16xf32>
    %add3A_437 = arith.addf %get3A_431, %get3A_436 : vector<16xf32>
    %swap3A_438 = arith.constant 2 : i32
    %swap3A_439 = arith.index_cast %swap3A_438 : i32 to index
    %swap3A_440 = arith.constant 64 : index
    %swap3A_441 = tpu.vector_load %arg8[%swap3A_439, %swap3A_440] {strides = array<i32>} : memref<4x128xf32, #tpu.memory_space<vmem>>, vector<1x16xf32>,
    %swap3A_442 = vector.shape_cast %swap3A_441 : vector<1x16xf32> to vector<16xf32>
    %swap3A_443 = vector.shape_cast %add3A_437 : vector<16xf32> to vector<1x16xf32>
    tpu.vector_store %arg8[%swap3A_439, %swap3A_440], %swap3A_443 {strides = array<i32>} : memref<4x128xf32, #tpu.memory_space<vmem>>, vector<1x16xf32>,
    %get3A_444 = arith.constant 2 : i32
    %get3A_445 = arith.index_cast %get3A_444 : i32 to index
    %get3A_446 = arith.constant 80 : index
    %get3A_447 = tpu.vector_load %arg8[%get3A_445, %get3A_446] {strides = array<i32>} : memref<4x128xf32, #tpu.memory_space<vmem>>, vector<1x16xf32>,
    %get3A_448 = vector.shape_cast %get3A_447 : vector<1x16xf32> to vector<16xf32>
    %get3A_449 = arith.constant 2 : i32
    %get3A_450 = arith.index_cast %get3A_449 : i32 to index
    %get3A_451 = arith.constant 80 : index
    %get3A_452 = tpu.vector_load %arg7[%get3A_450, %get3A_451] {strides = array<i32>} : memref<4x128xf32, #tpu.memory_space<vmem>>, vector<1x16xf32>,
    %get3A_453 = vector.shape_cast %get3A_452 : vector<1x16xf32> to vector<16xf32>
    %add3A_454 = arith.addf %get3A_448, %get3A_453 : vector<16xf32>
    %swap3A_455 = arith.constant 2 : i32
    %swap3A_456 = arith.index_cast %swap3A_455 : i32 to index
    %swap3A_457 = arith.constant 80 : index
    %swap3A_458 = tpu.vector_load %arg8[%swap3A_456, %swap3A_457] {strides = array<i32>} : memref<4x128xf32, #tpu.memory_space<vmem>>, vector<1x16xf32>,
    %swap3A_459 = vector.shape_cast %swap3A_458 : vector<1x16xf32> to vector<16xf32>
    %swap3A_460 = vector.shape_cast %add3A_454 : vector<16xf32> to vector<1x16xf32>
    tpu.vector_store %arg8[%swap3A_456, %swap3A_457], %swap3A_460 {strides = array<i32>} : memref<4x128xf32, #tpu.memory_space<vmem>>, vector<1x16xf32>,
    %get3A_461 = arith.constant 2 : i32
    %get3A_462 = arith.index_cast %get3A_461 : i32 to index
    %get3A_463 = arith.constant 96 : index
    %get3A_464 = tpu.vector_load %arg8[%get3A_462, %get3A_463] {strides = array<i32>} : memref<4x128xf32, #tpu.memory_space<vmem>>, vector<1x16xf32>,
    %get3A_465 = vector.shape_cast %get3A_464 : vector<1x16xf32> to vector<16xf32>
    %get3A_466 = arith.constant 2 : i32
    %get3A_467 = arith.index_cast %get3A_466 : i32 to index
    %get3A_468 = arith.constant 96 : index
    %get3A_469 = tpu.vector_load %arg7[%get3A_467, %get3A_468] {strides = array<i32>} : memref<4x128xf32, #tpu.memory_space<vmem>>, vector<1x16xf32>,
    %get3A_470 = vector.shape_cast %get3A_469 : vector<1x16xf32> to vector<16xf32>
    %add3A_471 = arith.addf %get3A_465, %get3A_470 : vector<16xf32>
    %swap3A_472 = arith.constant 2 : i32
    %swap3A_473 = arith.index_cast %swap3A_472 : i32 to index
    %swap3A_474 = arith.constant 96 : index
    %swap3A_475 = tpu.vector_load %arg8[%swap3A_473, %swap3A_474] {strides = array<i32>} : memref<4x128xf32, #tpu.memory_space<vmem>>, vector<1x16xf32>,
    %swap3A_476 = vector.shape_cast %swap3A_475 : vector<1x16xf32> to vector<16xf32>
    %swap3A_477 = vector.shape_cast %add3A_471 : vector<16xf32> to vector<1x16xf32>
    tpu.vector_store %arg8[%swap3A_473, %swap3A_474], %swap3A_477 {strides = array<i32>} : memref<4x128xf32, #tpu.memory_space<vmem>>, vector<1x16xf32>,
    %get3A_478 = arith.constant 2 : i32
    %get3A_479 = arith.index_cast %get3A_478 : i32 to index
    %get3A_480 = arith.constant 112 : index
    %get3A_481 = tpu.vector_load %arg8[%get3A_479, %get3A_480] {strides = array<i32>} : memref<4x128xf32, #tpu.memory_space<vmem>>, vector<1x16xf32>,
    %get3A_482 = vector.shape_cast %get3A_481 : vector<1x16xf32> to vector<16xf32>
    %get3A_483 = arith.constant 2 : i32
    %get3A_484 = arith.index_cast %get3A_483 : i32 to index
    %get3A_485 = arith.constant 112 : index
    %get3A_486 = tpu.vector_load %arg7[%get3A_484, %get3A_485] {strides = array<i32>} : memref<4x128xf32, #tpu.memory_space<vmem>>, vector<1x16xf32>,
    %get3A_487 = vector.shape_cast %get3A_486 : vector<1x16xf32> to vector<16xf32>
    %add3A_488 = arith.addf %get3A_482, %get3A_487 : vector<16xf32>
    %swap3A_489 = arith.constant 2 : i32
    %swap3A_490 = arith.index_cast %swap3A_489 : i32 to index
    %swap3A_491 = arith.constant 112 : index
    %swap3A_492 = tpu.vector_load %arg8[%swap3A_490, %swap3A_491] {strides = array<i32>} : memref<4x128xf32, #tpu.memory_space<vmem>>, vector<1x16xf32>,
    %swap3A_493 = vector.shape_cast %swap3A_492 : vector<1x16xf32> to vector<16xf32>
    %swap3A_494 = vector.shape_cast %add3A_488 : vector<16xf32> to vector<1x16xf32>
    tpu.vector_store %arg8[%swap3A_490, %swap3A_491], %swap3A_494 {strides = array<i32>} : memref<4x128xf32, #tpu.memory_space<vmem>>, vector<1x16xf32>,
    %get3A_495 = arith.constant 3 : i32
    %get3A_496 = arith.index_cast %get3A_495 : i32 to index
    %get3A_497 = arith.constant 0 : index
    %get3A_498 = tpu.vector_load %arg8[%get3A_496, %get3A_497] {strides = array<i32>} : memref<4x128xf32, #tpu.memory_space<vmem>>, vector<1x16xf32>,
    %get3A_499 = vector.shape_cast %get3A_498 : vector<1x16xf32> to vector<16xf32>
    %get3A_500 = arith.constant 3 : i32
    %get3A_501 = arith.index_cast %get3A_500 : i32 to index
    %get3A_502 = arith.constant 0 : index
    %get3A_503 = tpu.vector_load %arg7[%get3A_501, %get3A_502] {strides = array<i32>} : memref<4x128xf32, #tpu.memory_space<vmem>>, vector<1x16xf32>,
    %get3A_504 = vector.shape_cast %get3A_503 : vector<1x16xf32> to vector<16xf32>
    %add3A_505 = arith.addf %get3A_499, %get3A_504 : vector<16xf32>
    %swap3A_506 = arith.constant 3 : i32
    %swap3A_507 = arith.index_cast %swap3A_506 : i32 to index
    %swap3A_508 = arith.constant 0 : index
    %swap3A_509 = tpu.vector_load %arg8[%swap3A_507, %swap3A_508] {strides = array<i32>} : memref<4x128xf32, #tpu.memory_space<vmem>>, vector<1x16xf32>,
    %swap3A_510 = vector.shape_cast %swap3A_509 : vector<1x16xf32> to vector<16xf32>
    %swap3A_511 = vector.shape_cast %add3A_505 : vector<16xf32> to vector<1x16xf32>
    tpu.vector_store %arg8[%swap3A_507, %swap3A_508], %swap3A_511 {strides = array<i32>} : memref<4x128xf32, #tpu.memory_space<vmem>>, vector<1x16xf32>,
    %get3A_512 = arith.constant 3 : i32
    %get3A_513 = arith.index_cast %get3A_512 : i32 to index
    %get3A_514 = arith.constant 16 : index
    %get3A_515 = tpu.vector_load %arg8[%get3A_513, %get3A_514] {strides = array<i32>} : memref<4x128xf32, #tpu.memory_space<vmem>>, vector<1x16xf32>,
    %get3A_516 = vector.shape_cast %get3A_515 : vector<1x16xf32> to vector<16xf32>
    %get3A_517 = arith.constant 3 : i32
    %get3A_518 = arith.index_cast %get3A_517 : i32 to index
    %get3A_519 = arith.constant 16 : index
    %get3A_520 = tpu.vector_load %arg7[%get3A_518, %get3A_519] {strides = array<i32>} : memref<4x128xf32, #tpu.memory_space<vmem>>, vector<1x16xf32>,
    %get3A_521 = vector.shape_cast %get3A_520 : vector<1x16xf32> to vector<16xf32>
    %add3A_522 = arith.addf %get3A_516, %get3A_521 : vector<16xf32>
    %swap3A_523 = arith.constant 3 : i32
    %swap3A_524 = arith.index_cast %swap3A_523 : i32 to index
    %swap3A_525 = arith.constant 16 : index
    %swap3A_526 = tpu.vector_load %arg8[%swap3A_524, %swap3A_525] {strides = array<i32>} : memref<4x128xf32, #tpu.memory_space<vmem>>, vector<1x16xf32>,
    %swap3A_527 = vector.shape_cast %swap3A_526 : vector<1x16xf32> to vector<16xf32>
    %swap3A_528 = vector.shape_cast %add3A_522 : vector<16xf32> to vector<1x16xf32>
    tpu.vector_store %arg8[%swap3A_524, %swap3A_525], %swap3A_528 {strides = array<i32>} : memref<4x128xf32, #tpu.memory_space<vmem>>, vector<1x16xf32>,
    %get3A_529 = arith.constant 3 : i32
    %get3A_530 = arith.index_cast %get3A_529 : i32 to index
    %get3A_531 = arith.constant 32 : index
    %get3A_532 = tpu.vector_load %arg8[%get3A_530, %get3A_531] {strides = array<i32>} : memref<4x128xf32, #tpu.memory_space<vmem>>, vector<1x16xf32>,
    %get3A_533 = vector.shape_cast %get3A_532 : vector<1x16xf32> to vector<16xf32>
    %get3A_534 = arith.constant 3 : i32
    %get3A_535 = arith.index_cast %get3A_534 : i32 to index
    %get3A_536 = arith.constant 32 : index
    %get3A_537 = tpu.vector_load %arg7[%get3A_535, %get3A_536] {strides = array<i32>} : memref<4x128xf32, #tpu.memory_space<vmem>>, vector<1x16xf32>,
    %get3A_538 = vector.shape_cast %get3A_537 : vector<1x16xf32> to vector<16xf32>
    %add3A_539 = arith.addf %get3A_533, %get3A_538 : vector<16xf32>
    %swap3A_540 = arith.constant 3 : i32
    %swap3A_541 = arith.index_cast %swap3A_540 : i32 to index
    %swap3A_542 = arith.constant 32 : index
    %swap3A_543 = tpu.vector_load %arg8[%swap3A_541, %swap3A_542] {strides = array<i32>} : memref<4x128xf32, #tpu.memory_space<vmem>>, vector<1x16xf32>,
    %swap3A_544 = vector.shape_cast %swap3A_543 : vector<1x16xf32> to vector<16xf32>
    %swap3A_545 = vector.shape_cast %add3A_539 : vector<16xf32> to vector<1x16xf32>
    tpu.vector_store %arg8[%swap3A_541, %swap3A_542], %swap3A_545 {strides = array<i32>} : memref<4x128xf32, #tpu.memory_space<vmem>>, vector<1x16xf32>,
    %get3A_546 = arith.constant 3 : i32
    %get3A_547 = arith.index_cast %get3A_546 : i32 to index
    %get3A_548 = arith.constant 48 : index
    %get3A_549 = tpu.vector_load %arg8[%get3A_547, %get3A_548] {strides = array<i32>} : memref<4x128xf32, #tpu.memory_space<vmem>>, vector<1x16xf32>,
    %get3A_550 = vector.shape_cast %get3A_549 : vector<1x16xf32> to vector<16xf32>
    %get3A_551 = arith.constant 3 : i32
    %get3A_552 = arith.index_cast %get3A_551 : i32 to index
    %get3A_553 = arith.constant 48 : index
    %get3A_554 = tpu.vector_load %arg7[%get3A_552, %get3A_553] {strides = array<i32>} : memref<4x128xf32, #tpu.memory_space<vmem>>, vector<1x16xf32>,
    %get3A_555 = vector.shape_cast %get3A_554 : vector<1x16xf32> to vector<16xf32>
    %add3A_556 = arith.addf %get3A_550, %get3A_555 : vector<16xf32>
    %swap3A_557 = arith.constant 3 : i32
    %swap3A_558 = arith.index_cast %swap3A_557 : i32 to index
    %swap3A_559 = arith.constant 48 : index
    %swap3A_560 = tpu.vector_load %arg8[%swap3A_558, %swap3A_559] {strides = array<i32>} : memref<4x128xf32, #tpu.memory_space<vmem>>, vector<1x16xf32>,
    %swap3A_561 = vector.shape_cast %swap3A_560 : vector<1x16xf32> to vector<16xf32>
    %swap3A_562 = vector.shape_cast %add3A_556 : vector<16xf32> to vector<1x16xf32>
    tpu.vector_store %arg8[%swap3A_558, %swap3A_559], %swap3A_562 {strides = array<i32>} : memref<4x128xf32, #tpu.memory_space<vmem>>, vector<1x16xf32>,
    %get3A_563 = arith.constant 3 : i32
    %get3A_564 = arith.index_cast %get3A_563 : i32 to index
    %get3A_565 = arith.constant 64 : index
    %get3A_566 = tpu.vector_load %arg8[%get3A_564, %get3A_565] {strides = array<i32>} : memref<4x128xf32, #tpu.memory_space<vmem>>, vector<1x16xf32>,
    %get3A_567 = vector.shape_cast %get3A_566 : vector<1x16xf32> to vector<16xf32>
    %get3A_568 = arith.constant 3 : i32
    %get3A_569 = arith.index_cast %get3A_568 : i32 to index
    %get3A_570 = arith.constant 64 : index
    %get3A_571 = tpu.vector_load %arg7[%get3A_569, %get3A_570] {strides = array<i32>} : memref<4x128xf32, #tpu.memory_space<vmem>>, vector<1x16xf32>,
    %get3A_572 = vector.shape_cast %get3A_571 : vector<1x16xf32> to vector<16xf32>
    %add3A_573 = arith.addf %get3A_567, %get3A_572 : vector<16xf32>
    %swap3A_574 = arith.constant 3 : i32
    %swap3A_575 = arith.index_cast %swap3A_574 : i32 to index
    %swap3A_576 = arith.constant 64 : index
    %swap3A_577 = tpu.vector_load %arg8[%swap3A_575, %swap3A_576] {strides = array<i32>} : memref<4x128xf32, #tpu.memory_space<vmem>>, vector<1x16xf32>,
    %swap3A_578 = vector.shape_cast %swap3A_577 : vector<1x16xf32> to vector<16xf32>
    %swap3A_579 = vector.shape_cast %add3A_573 : vector<16xf32> to vector<1x16xf32>
    tpu.vector_store %arg8[%swap3A_575, %swap3A_576], %swap3A_579 {strides = array<i32>} : memref<4x128xf32, #tpu.memory_space<vmem>>, vector<1x16xf32>,
    %get3A_580 = arith.constant 3 : i32
    %get3A_581 = arith.index_cast %get3A_580 : i32 to index
    %get3A_582 = arith.constant 80 : index
    %get3A_583 = tpu.vector_load %arg8[%get3A_581, %get3A_582] {strides = array<i32>} : memref<4x128xf32, #tpu.memory_space<vmem>>, vector<1x16xf32>,
    %get3A_584 = vector.shape_cast %get3A_583 : vector<1x16xf32> to vector<16xf32>
    %get3A_585 = arith.constant 3 : i32
    %get3A_586 = arith.index_cast %get3A_585 : i32 to index
    %get3A_587 = arith.constant 80 : index
    %get3A_588 = tpu.vector_load %arg7[%get3A_586, %get3A_587] {strides = array<i32>} : memref<4x128xf32, #tpu.memory_space<vmem>>, vector<1x16xf32>,
    %get3A_589 = vector.shape_cast %get3A_588 : vector<1x16xf32> to vector<16xf32>
    %add3A_590 = arith.addf %get3A_584, %get3A_589 : vector<16xf32>
    %swap3A_591 = arith.constant 3 : i32
    %swap3A_592 = arith.index_cast %swap3A_591 : i32 to index
    %swap3A_593 = arith.constant 80 : index
    %swap3A_594 = tpu.vector_load %arg8[%swap3A_592, %swap3A_593] {strides = array<i32>} : memref<4x128xf32, #tpu.memory_space<vmem>>, vector<1x16xf32>,
    %swap3A_595 = vector.shape_cast %swap3A_594 : vector<1x16xf32> to vector<16xf32>
    %swap3A_596 = vector.shape_cast %add3A_590 : vector<16xf32> to vector<1x16xf32>
    tpu.vector_store %arg8[%swap3A_592, %swap3A_593], %swap3A_596 {strides = array<i32>} : memref<4x128xf32, #tpu.memory_space<vmem>>, vector<1x16xf32>,
    %get3A_597 = arith.constant 3 : i32
    %get3A_598 = arith.index_cast %get3A_597 : i32 to index
    %get3A_599 = arith.constant 96 : index
    %get3A_600 = tpu.vector_load %arg8[%get3A_598, %get3A_599] {strides = array<i32>} : memref<4x128xf32, #tpu.memory_space<vmem>>, vector<1x16xf32>,
    %get3A_601 = vector.shape_cast %get3A_600 : vector<1x16xf32> to vector<16xf32>
    %get3A_602 = arith.constant 3 : i32
    %get3A_603 = arith.index_cast %get3A_602 : i32 to index
    %get3A_604 = arith.constant 96 : index
    %get3A_605 = tpu.vector_load %arg7[%get3A_603, %get3A_604] {strides = array<i32>} : memref<4x128xf32, #tpu.memory_space<vmem>>, vector<1x16xf32>,
    %get3A_606 = vector.shape_cast %get3A_605 : vector<1x16xf32> to vector<16xf32>
    %add3A_607 = arith.addf %get3A_601, %get3A_606 : vector<16xf32>
    %swap3A_608 = arith.constant 3 : i32
    %swap3A_609 = arith.index_cast %swap3A_608 : i32 to index
    %swap3A_610 = arith.constant 96 : index
    %swap3A_611 = tpu.vector_load %arg8[%swap3A_609, %swap3A_610] {strides = array<i32>} : memref<4x128xf32, #tpu.memory_space<vmem>>, vector<1x16xf32>,
    %swap3A_612 = vector.shape_cast %swap3A_611 : vector<1x16xf32> to vector<16xf32>
    %swap3A_613 = vector.shape_cast %add3A_607 : vector<16xf32> to vector<1x16xf32>
    tpu.vector_store %arg8[%swap3A_609, %swap3A_610], %swap3A_613 {strides = array<i32>} : memref<4x128xf32, #tpu.memory_space<vmem>>, vector<1x16xf32>,
    %get3A_614 = arith.constant 3 : i32
    %get3A_615 = arith.index_cast %get3A_614 : i32 to index
    %get3A_616 = arith.constant 112 : index
    %get3A_617 = tpu.vector_load %arg8[%get3A_615, %get3A_616] {strides = array<i32>} : memref<4x128xf32, #tpu.memory_space<vmem>>, vector<1x16xf32>,
    %get3A_618 = vector.shape_cast %get3A_617 : vector<1x16xf32> to vector<16xf32>
    %get3A_619 = arith.constant 3 : i32
    %get3A_620 = arith.index_cast %get3A_619 : i32 to index
    %get3A_621 = arith.constant 112 : index
    %get3A_622 = tpu.vector_load %arg7[%get3A_620, %get3A_621] {strides = array<i32>} : memref<4x128xf32, #tpu.memory_space<vmem>>, vector<1x16xf32>,
    %get3A_623 = vector.shape_cast %get3A_622 : vector<1x16xf32> to vector<16xf32>
    %add3A_624 = arith.addf %get3A_618, %get3A_623 : vector<16xf32>
    %swap3A_625 = arith.constant 3 : i32
    %swap3A_626 = arith.index_cast %swap3A_625 : i32 to index
    %swap3A_627 = arith.constant 112 : index
    %swap3A_628 = tpu.vector_load %arg8[%swap3A_626, %swap3A_627] {strides = array<i32>} : memref<4x128xf32, #tpu.memory_space<vmem>>, vector<1x16xf32>,
    %swap3A_629 = vector.shape_cast %swap3A_628 : vector<1x16xf32> to vector<16xf32>
    %swap3A_630 = vector.shape_cast %add3A_624 : vector<16xf32> to vector<1x16xf32>
    tpu.vector_store %arg8[%swap3A_626, %swap3A_627], %swap3A_630 {strides = array<i32>} : memref<4x128xf32, #tpu.memory_space<vmem>>, vector<1x16xf32>,
    "tpu.region"() ({
      %run_scoped3A = tpu.sem_alloc : memref<!tpu.dma_semaphore, #tpu.memory_space<semaphore_mem>>
      %dma_start3A_631 = arith.constant 0 : i32
      %dma_start3A_632 = tpu.memref_slice %arg5[%mul3A_2, %dma_start3A_631] : memref<128x128xf32, #tpu.memory_space<hbm>> -> memref<4x128xf32, #tpu.memory_space<hbm>>
      %dma_start3A_633 = arith.constant 0 : i32
      %dma_start3A_634 = tpu.memref_slice %arg5[%mul3A_2, %dma_start3A_633] : memref<128x128xf32, #tpu.memory_space<hbm>> -> memref<4x128xf32, #tpu.memory_space<hbm>>
      tpu.enqueue_dma source(%arg8 : memref<4x128xf32, #tpu.memory_space<vmem>>) target(%dma_start3A_634 : memref<4x128xf32, #tpu.memory_space<hbm>>) target_semaphore(%run_scoped3A : memref<!tpu.dma_semaphore, #tpu.memory_space<semaphore_mem>>)
      %dma_wait3A_635 = arith.constant 0 : i32
      %dma_wait3A_636 = tpu.memref_slice %arg5[%mul3A_2, %dma_wait3A_635] : memref<128x128xf32, #tpu.memory_space<hbm>> -> memref<4x128xf32, #tpu.memory_space<hbm>>
      %dma_wait3A_637 = arith.constant 0 : i32
      %dma_wait3A_638 = tpu.memref_slice %arg5[%mul3A_2, %dma_wait3A_637] : memref<128x128xf32, #tpu.memory_space<hbm>> -> memref<4x128xf32, #tpu.memory_space<hbm>>
      tpu.wait_dma2 semaphore(%run_scoped3A : memref<!tpu.dma_semaphore, #tpu.memory_space<semaphore_mem>>) src(%arg8 : memref<4x128xf32, #tpu.memory_space<vmem>>) dst(%dma_wait3A_638 : memref<4x128xf32, #tpu.memory_space<hbm>>)
      tpu.yield
    }) : () -> ()
    return
  }
}

module attributes {stable_mosaic.version = 14 : i64} {
  func.func @_combo_body(%arg0: i32, %arg1: memref<256x1xf32, #tpu.memory_space<vmem>>, %arg2: memref<1x8192xf32, #tpu.memory_space<vmem>>, %arg3: memref<256x8192xf32, #tpu.memory_space<vmem>>, %arg4: memref<256x1xf32, #tpu.memory_space<vmem>>) attributes {dimension_semantics = [#tpu.dimension_semantics<arbitrary>], iteration_bounds = array<i64: 32>, scalar_prefetch = 0 : i64, scratch_operands = 0 : i64, tpu.core_type = #tpu.core_type<tc>, window_params = [{transform_indices = @transform_0, window_bounds = array<i64: 256, 1>}, {pipeline_mode = #tpu.pipeline_mode<synchronous>, transform_indices = @transform_1, window_bounds = array<i64: 1, 8192>}, {transform_indices = @transform_2, window_bounds = array<i64: 256, 8192>}, {transform_indices = @transform_3, window_bounds = array<i64: 256, 1>}]} {
    %get3A = arith.constant 0 : index
    %get3A_0 = arith.constant 0 : index
    %get3A_1 = vector.load %arg3[%get3A, %get3A_0] : memref<256x8192xf32, #tpu.memory_space<vmem>>, vector<256x8192xf32>
    %reduce_max3A = arith.constant dense<0xFF800000> : vector<256xf32>
    %reduce_max3A_2 = vector.multi_reduction <maximumf>, %get3A_1, %reduce_max3A [1] : vector<256x8192xf32> to vector<256xf32>
    %broadcast_in_dim3A = vector.shape_cast %reduce_max3A_2 : vector<256xf32> to vector<256x1xf32>
    %sub3A = vector.broadcast %broadcast_in_dim3A : vector<256x1xf32> to vector<256x8192xf32>
    %sub3A_3 = arith.subf %get3A_1, %sub3A : vector<256x8192xf32>
    %exp3A = math.exp %sub3A_3 : vector<256x8192xf32>
    %reduce_sum3A = arith.constant dense<0.000000e+00> : vector<256xf32>
    %reduce_sum3A_4 = vector.multi_reduction <add>, %exp3A, %reduce_sum3A [1] : vector<256x8192xf32> to vector<256xf32>
    %broadcast_in_dim3A_5 = vector.shape_cast %reduce_sum3A_4 : vector<256xf32> to vector<256x1xf32>
    %log3A = math.log %broadcast_in_dim3A_5 : vector<256x1xf32>
    %add3A = arith.addf %log3A, %broadcast_in_dim3A : vector<256x1xf32>
    %get3A_6 = arith.constant 0 : index
    %get3A_7 = arith.constant 0 : index
    %get3A_8 = vector.load %arg2[%get3A_6, %get3A_7] : memref<1x8192xf32, #tpu.memory_space<vmem>>, vector<1x8192xf32>
    %reduce_max3A_9 = vector.shape_cast %get3A_8 : vector<1x8192xf32> to vector<1x1x8192xf32>
    %reduce_max3A_10 = arith.constant dense<0xFF800000> : vector<1xf32>
    %reduce_max3A_11 = vector.multi_reduction <maximumf>, %reduce_max3A_9, %reduce_max3A_10 [1, 2] : vector<1x1x8192xf32> to vector<1xf32>
    %reduce_max3A_12 = vector.shape_cast %reduce_max3A_11 : vector<1xf32> to vector<1x1x1xf32>
    %reduce_max3A_13 = vector.extract %reduce_max3A_12[0, 0, 0] : f32 from vector<1x1x1xf32>
    %sub3A_14 = vector.broadcast %reduce_max3A_13 : f32 to vector<1x8192xf32>
    %sub3A_15 = arith.subf %get3A_8, %sub3A_14 : vector<1x8192xf32>
    %exp3A_16 = math.exp %sub3A_15 : vector<1x8192xf32>
    %reduce_sum3A_17 = vector.shape_cast %exp3A_16 : vector<1x8192xf32> to vector<1x1x8192xf32>
    %reduce_sum3A_18 = arith.constant dense<0.000000e+00> : vector<1xf32>
    %reduce_sum3A_19 = vector.multi_reduction <add>, %reduce_sum3A_17, %reduce_sum3A_18 [1, 2] : vector<1x1x8192xf32> to vector<1xf32>
    %reduce_sum3A_20 = vector.shape_cast %reduce_sum3A_19 : vector<1xf32> to vector<1x1x1xf32>
    %reduce_sum3A_21 = vector.extract %reduce_sum3A_20[0, 0, 0] : f32 from vector<1x1x1xf32>
    %log3A_22 = math.log %reduce_sum3A_21 : f32
    %add3A_23 = arith.addf %log3A_22, %reduce_max3A_13 : f32
    %get3A_24 = arith.constant 0 : index
    %get3A_25 = arith.constant 0 : index
    %get3A_26 = vector.load %arg1[%get3A_24, %get3A_25] : memref<256x1xf32, #tpu.memory_space<vmem>>, vector<256x1xf32>
    %sub3A_27 = vector.broadcast %add3A_23 : f32 to vector<256x1xf32>
    %sub3A_28 = arith.subf %get3A_26, %sub3A_27 : vector<256x1xf32>
    %sub3A_29 = arith.subf %sub3A_28, %add3A : vector<256x1xf32>
    %swap3A = arith.constant 0 : index
    %swap3A_30 = arith.constant 0 : index
    %swap3A_31 = vector.load %arg4[%swap3A, %swap3A_30] : memref<256x1xf32, #tpu.memory_space<vmem>>, vector<256x1xf32>
    tpu.vector_store %arg4[%swap3A, %swap3A_30], %sub3A_29 {strides = array<i32>} : memref<256x1xf32, #tpu.memory_space<vmem>>, vector<256x1xf32>,
    return
  }
  func.func @transform_0(%arg0: i32) -> (i32, i32) {
    %c0_i32 = arith.constant 0 : i32
    %c0_i32_0 = arith.constant 0 : i32
    return %arg0, %c0_i32 : i32, i32
  }
  func.func @transform_1(%arg0: i32) -> (i32, i32) {
    %c0_i32 = arith.constant 0 : i32
    %c0_i32_0 = arith.constant 0 : i32
    %c0_i32_1 = arith.constant 0 : i32
    return %c0_i32, %c0_i32_0 : i32, i32
  }
  func.func @transform_2(%arg0: i32) -> (i32, i32) {
    %c0_i32 = arith.constant 0 : i32
    %c0_i32_0 = arith.constant 0 : i32
    return %arg0, %c0_i32 : i32, i32
  }
  func.func @transform_3(%arg0: i32) -> (i32, i32) {
    %c0_i32 = arith.constant 0 : i32
    %c0_i32_0 = arith.constant 0 : i32
    return %arg0, %c0_i32 : i32, i32
  }
}

</mosaic_0001>

<sc_bundles>
// kernel: kernel.5.cloned.1.call-start
scs
__scs_entry_jumppad:
0x0: {  	(pc) =	sbr.rel $0x88, $3  }
0x1: {  	(tag) =	ssettag $0x0;
	lr =	simm.s32 $0x1  }
0x2: {  	[smem:$0x3F9E] =	sst lr;
	_ =	strace $0xD0000000  }
0x3: {  	_ = 	snop  }
0x4: {  	_ = 	snop  }
0x5: {  	_ = 	snop  }
0x6: {  	_ = 	snop  }
0x7: {  	_ = 	snop  }
__scs_overlays_trampoline_lowered:
0x8: {  	[smem:$0x3FAD] =	sst s0  }
0x9: {  	[smem:$0x3FAE] =	sst s1  }
0xa: {  	[smem:$0x3FAF] =	sst s2  }
0xb: {  	[smem:$0x3FB0] =	sst s3  }
0xc: {  	[smem:$0x3FB1] =	sst s4  }
0xd: {  	[smem:$0x3FB2] =	sst s5  }
0xe: {  	[smem:$0x3FB3] =	sst s6  }
0xf: {  	[smem:$0x3FB4] =	sst s7  }
0x10: {  	[smem:$0x3FB5] =	sst s8  }
0x11: {  	[smem:$0x3FB6] =	sst s9;
	s0 =	simm.s32 @!p0 $0x0  }
0x12: {  	s1 =	sld [smem:$0x3F9C];
	s0 =	simm.s32 @p0 $0x1  }
0x13: {  	[smem:$0x3FB7] =	sst s0;
	s0 =	simm.s32 @!p1 $0x0  }
0x14: {  	s2 =	sld [smem:$0x3F9B];
	s0 =	simm.s32 @p1 $0x1  }
0x15: {  	[smem:$0x3FB8] =	sst s0;
	s0 =	simm.s32 @!p2 $0x0  }
0x16: {  	s3 =	sld [smem:$0x3FDB];
	s0 =	simm.s32 @p2 $0x1  }
0x17: {  	s4 =	simm.s32 $0x1BF5;
	[smem:$0x3FBA] =	sst s0  }
0x18: {  	s0 =	sld [smem:$0x3F9D];
	_ =	swait.ge [sflag:s4], $0x0  }
0x19: {  	s7 =	sld [smem:$0x3F9E]  }
0x1a: {  	s8 =	sadd.s32 $0xFFFFE003, lr  }
0x1b: {  	s9 =	sadd.s32 $0xFFFFFEF7, lr;
	s5 =	simm.s32 $0xFFFFFFFF;
	p2 =	slt.u32 s8, $0xFFFFF086  }
0x1c: {  	p1 =	slt.u32 s9, $0xF7A;
	s5 =	simm.s32 @!p2 $0x0  }
0x1d: {  	s5 =	simm.s32 @p1 $0x1;
	p0 =	seq.s32 s7, s2  }
0x1e: {  	s7 =	smul.u32 @!p0 $0xF7A, s2;
	p2 =	seq.s32 @!p0 s5, $0x0  }
0x1f: {  	s9 =	smul.u32 $0xF7A, s1;
	s8 =	simm.s32 @!p0 $0x1BF5;
	p2 =	por !p2, p0  }
0x20: {  	[sflag:s8] =	ssyncset.s32 @!p0 $0xFFFFF086;
	s6 =	sadd.s32 @!p0 s3, s7;
	s7 =	simm.s32 @!p0 $0x108  }
0x21: {  	s3 =	sadd.s32 s3, s9;
	s6 =	sadd.s32 @!p0 $0x88, s6;
	s7 =	simm.s32 @p2 $0x1082  }
0x22: {  	[simem:s7], [sflag:s8] =	dma.local @!p0 [hbm:s6], $0xF7A  }
0x23: {  	s9 =	sor.u32 $0xD0000000, s2;
	s6 =	simm.s32 $0x108;
	_ =	swait.ge @!p0 [sflag:s8], $0x0  }
0x24: {  	s3 =	sadd.s32 $0x88, s3;
	s6 =	simm.s32 @!p1 $0x1082;
	[sflag:s4] =	ssyncset.s32 $0xFFFFF086  }
0x25: {  	[simem:s6], [sflag:s4] =	dma.local [hbm:s3], $0xF7A  }
0x26: {  	[smem:$0x3F9E] =	sst s1;
	(tag) =	ssettag s2;
	_ =	strace s9  }
0x27: {  	s1 =	sld [smem:$0x3FAE]  }
0x28: {  	s2 =	sld [smem:$0x3FAF]  }
0x29: {  	s4 =	sld [smem:$0x3FB1]  }
0x2a: {  	p0 =	seq.s32 s5, $0x0;
	s5 =	sld [smem:$0x3FB2]  }
0x2b: {  	s6 =	sld [smem:$0x3FB3]  }
0x2c: {  	s7 =	sld [smem:$0x3FB4]  }
0x2d: {  	s3 =	simm.s32 $0x108;
	s8 =	sld [smem:$0x3FB5]  }
0x2e: {  	s3 =	simm.s32 @!p0 $0x1082;
	s9 =	sld [smem:$0x3FB6]  }
0x2f: {  	lr =	sadd.s32 s0, s3;
	s0 =	sld [smem:$0x3FAD]  }
0x30: {  	s3 =	sld [smem:$0x3FB0]  }
0x31: {  	[smem:$0x3FB9] =	sst s10  }
0x32: {  	s10 =	sld [smem:$0x3FB7];
	_ =	sdelay $0x3  }
0x33: {  	p0 =	seq.s32 s10, $0x1;
	s10 =	sld [smem:$0x3FB9];
	_ =	sdelay $0x3  }
0x34: {  	[smem:$0x3FB9] =	sst s10  }
0x35: {  	s10 =	sld [smem:$0x3FB8];
	_ =	sdelay $0x3  }
0x36: {  	p1 =	seq.s32 s10, $0x1;
	s10 =	sld [smem:$0x3FB9];
	_ =	sdelay $0x3  }
0x37: {  	[smem:$0x3FB9] =	sst s10  }
0x38: {  	s10 =	sld [smem:$0x3FBA]  }
0x39: {  	_ = 	snop;
	(pc) =	sbr.ind lr, $3  }
0x3a: {  	_ = 	snop  }
0x3b: {  	_ = 	snop  }
0x3c: {  	p2 =	seq.s32 s10, $0x1;
	s10 =	sld [smem:$0x3FB9]  }
0x3d: {  	_ =	shalt  }
0x3e: {  	_ =	shalt  }
0x3f: {  	_ =	shalt  }
0x40: {  	_ =	shalt  }
0x41: {  	_ =	shalt  }
0x42: {  	_ =	shalt  }
0x43: {  	_ =	shalt  }
0x44: {  	_ =	shalt  }
0x45: {  	_ =	shalt  }
0x46: {  	_ =	shalt  }
0x47: {  	_ =	shalt  }
0x48: {  	_ =	shalt  }
0x49: {  	_ =	shalt  }
0x4a: {  	_ =	shalt  }
0x4b: {  	_ =	shalt  }
0x4c: {  	_ =	shalt  }
0x4d: {  	_ =	shalt  }
0x4e: {  	_ =	shalt  }
0x4f: {  	_ =	shalt  }
0x50: {  	_ =	shalt  }
0x51: {  	_ =	shalt  }
0x52: {  	_ =	shalt  }
0x53: {  	_ =	shalt  }
0x54: {  	_ =	shalt  }
0x55: {  	_ =	shalt  }
0x56: {  	_ =	shalt  }
0x57: {  	_ =	shalt  }
0x58: {  	_ =	shalt  }
0x59: {  	_ =	shalt  }
0x5a: {  	_ =	shalt  }
0x5b: {  	_ =	shalt  }
0x5c: {  	_ =	shalt  }
0x5d: {  	_ =	shalt  }
0x5e: {  	_ =	shalt  }
0x5f: {  	_ =	shalt  }
0x60: {  	_ =	shalt  }
0x61: {  	_ =	shalt  }
0x62: {  	_ =	shalt  }
0x63: {  	_ =	shalt  }
0x64: {  	_ =	shalt  }
0x65: {  	_ =	shalt  }
0x66: {  	_ =	shalt  }
0x67: {  	_ =	shalt  }
0x68: {  	_ =	shalt  }
0x69: {  	_ =	shalt  }
0x6a: {  	_ =	shalt  }
0x6b: {  	_ =	shalt  }
0x6c: {  	_ =	shalt  }
0x6d: {  	_ =	shalt  }
0x6e: {  	_ =	shalt  }
0x6f: {  	_ =	shalt  }
0x70: {  	_ =	shalt  }
0x71: {  	_ =	shalt  }
0x72: {  	_ =	shalt  }
0x73: {  	_ =	shalt  }
0x74: {  	_ =	shalt  }
0x75: {  	_ =	shalt  }
0x76: {  	_ =	shalt  }
0x77: {  	_ =	shalt  }
0x78: {  	_ =	shalt  }
0x79: {  	_ =	shalt  }
0x7a: {  	_ =	shalt  }
0x7b: {  	_ =	shalt  }
0x7c: {  	_ =	shalt  }
0x7d: {  	_ =	shalt  }
0x7e: {  	_ =	shalt  }
0x7f: {  	_ =	shalt  }
0x80: {  	_ =	shalt  }
0x81: {  	_ =	shalt  }
0x82: {  	_ =	shalt  }
0x83: {  	_ =	shalt  }
0x84: {  	_ =	shalt  }
0x85: {  	_ =	shalt  }
0x86: {  	_ =	shalt  }
0x87: {  	_ =	shalt  }
.Lfunc_end0:
.L_simem_size_0:
called_computation_lowered:
.L_overlay_start_0:
0x88: {  	s2 =	sld [smem:$0x3FD9]  }
0x89: {  	s3 =	sld [smem:$0x3FFE];
	_ =	sdelay $0x1  }
0x8a: {  	s1 =	srdreg.scid  }
0x8b: {  	s0 =	sand.u32 $0x1, s1  }
0x8c: {  	s17 =	sshll.u32 s0, $0xA;
	s2 =	sadd.s32 s3, s2  }
0x8d: {  	s2 =	sadd.s32 s2, s17  }
0x8e: {  	[smem:$0x3FC5] =	sst s2  }
0x8f: {  	_ = 	snop  }
0x90: {  	s2 =	sld [smem:$0x3FC7]  }
0x91: {  	s18 =	sld [smem:$0x3FD0];
	(tm) =	ssettm $0x1  }
0x92: {  	s4 =	sld [smem:$0x3FFB];
	_ =	sdelay $0x3  }
0x93: {  	_ =	strace s4  }
0x94: {  	s4 =	sld [smem:$0x3FFC];
	_ =	sdelay $0x3  }
0x95: {  	_ =	strace s4  }
0x96: {  	s4 =	sld [smem:$0x3FFD];
	_ =	sdelay $0x3  }
0x97: {  	_ =	strace s4  }
0x98: {  	_ =	strace $0x8FFFFFFF  }
0x99: {  	s19 =	sld [smem:$0x3FDB];
	_ =	sdelay $0x1  }
0x9a: {  	s5 =	simm.s32 $_scs_section_size  }
0x9b: {  	s6 =	simm.s32 $_size__tile_overlayer_lowered;
	s7 =	simm.s32 $_tile_overlayer_lowered  }
0x9c: {  	s22 =	simm.s32 $0x1BFF;
	s21 =	sshll.u32 s7, $0x1;
	s4 =	sadd.s32 s5, s19  }
0x9d: {  	s8 =	simm.s32 $0x0;
	s20 =	sshll.u32 s6, $0x1;
	s6 =	sadd.s32 s21, s4  }
0x9e: {  	[timem:s8], [sflag:s22] =	dma.local [hbm:s6], s20  }
0x9f: {  	_ =	swait.ge [sflag:s22], s20  }
0xa0: {  	s5 =	ssub.s32 $0x0, s20;
	[sflag:s22] =	ssyncset.done $0x0  }
0xa1: {  	[sflag:s22] =	ssyncadd.s32 s5;
	_ =	sdelay $0x1  }
0xa2: {  	s23 =	simm.s32 $0x1B8B  }
0xa3: {  	_ =	swait.ge [sflag:s23], $0x1  }
0xa4: {  	[sflag:s23] =	ssyncset.done $0x0  }
0xa5: {  	s25 =	simm.s32 $0x1B8E;
	s24 =	sld [smem:$0x3FFE];
	[sflag:s23] =	ssyncadd.s32 $0xFFFFFFFF  }
0xa6: {  	s26 =	simm.s32 $execute0_lowered;
	[smem:$0x3FD2] =	sst s25  }
0xa7: {  	s6 =	sshll.u32 s26, $0x1;
	_ =	strace $0x80000046;
	[dreg:$0x1] =	wrdreg $0xFFFFFFFF  }
0xa8: {  	s28 =	simm.s32 $_size_execute0_lowered;
	s4 =	sadd.s32 s4, s6;
	[dreg:$0x0] =	wrdreg $0x0  }
0xa9: {  	s6 =	sshll.u32 s28, $0x1;
	[dreg:$0x2] =	wrdreg s4  }
0xaa: {  	[dreg:$0x3] =	wrdreg s6  }
0xab: {  	[dreg:$0x4] =	wrdreg $0xC0  }
0xac: {  	_ =	task [dreg:s8], $0x5FFFF  }
0xad: {  	[dreg:$0x1] =	wrdreg $0xFFFFFFFF  }
0xae: {  	[dreg:$0x0] =	wrdreg $0x60  }
0xaf: {  	[dreg:$0x2] =	wrdreg s24  }
0xb0: {  	[dreg:$0x3] =	wrdreg s18  }
0xb1: {  	[dreg:$0x4] =	wrdreg s2  }
0xb2: {  	[dreg:$0x5] =	wrdreg $0x9  }
0xb3: {  	_ =	task.clear_ibuf [dreg:s8], $0x6FFFF;
	_ =	strace $0x90000046  }
0xb4: {  	s29 =	simm.s32 $0x9;
	_ =	strace $0x80000048  }
0xb5: {  	_ =	swait.ge [sflag:s29], $0x1  }
0xb6: {  	[sflag:s29] =	ssyncadd.s32 $0xFFFFFFFF  }
0xb7: {  	_ =	strace $0x90000048  }
0xb8: {  	_ =	sfence  }
0xb9: {  	s30 =	sld [smem:$0x0];
	_ =	sdelay $0x2  }
0xba: {  	s31 =	sshll.u32 s1, $0xD;
	s1 =	sshrl.u32 s1, $0x2  }
0xbb: {  	s3 =	sand.u32 $0x4000, s31;
	s1 =	sadd.s32 s1, s30  }
0xbc: {  	s0 =	sor.u32 s3, s0;
	s1 =	sshll.u32 s1, $0x11  }
0xbd: {  	s0 =	sor.u32 s1, s0  }
0xbe: {  	s0 =	sadd.s32 $0x8F2B, s0  }
0xbf: {  	[sflag:s0] =	ssyncadd.remote.s32 $0x1  }
0xc0: {  	_ =	sfence.sel $0xFFFF  }
0xc1: {  	[dreg:$0x0] =	wrdreg $0xFFFFFFFF;
	(pc) =	sbr.abs _section_cstart, $3  }
0xc2: {  	[dreg:$0x1] =	wrdreg $0xFFFFFFFF  }
0xc3: {  	_ =	task.clear_ibuf [dreg:s8], $0x2FFFF;
	_ =	strace $0x9FFFFFFF  }
0xc4: {  	(tm) =	ssettm $0x7FFFFFFF  }
0xc5: {  	_ =	shalt  }
tec
execute0_lowered:
.L_overlay_start_1:
0x0: {  	(tag) =	ssettag $0x1  }
0x1: {  	s4 =	rddreg [dreg:$0x0]  }
0x2: {  	s5 =	rddreg [dreg:$0x1]  }
0x3: {  	s2 =	rddreg [dreg:$0x2]  }
0x4: {  	s0 =	rddreg [dreg:$0x3];
	s6 =	srdreg.scid  }
0x5: {  	s3 =	simm.s32 $0x0;
	s1 =	stileid.u32;
	s10 =	simm.s32 $0x80  }
0x6: {  	s11 =	simm.s32 $0x400;
	s12 =	simm.s32 $0x280;
	s13 =	simm.s32 $0x480  }
0x7: {  	s14 =	simm.s32 $0x300;
	s15 =	simm.s32 $0x500;
	s16 =	simm.s32 $0x380  }
0x8: {  	s17 =	simm.s32 $0x580;
	s18 =	simm.s32 $0x1;
	s6 =	sand.u32 $0x1, s6  }
0x9: {  	s7 =	sshll.u32 s1, $0x7;
	s8 =	sshll.u32 s6, $0x6;
	s6 =	ssub.s32 $0x2, s6  }
0xa: {  	[smem:$0x7FF] =	sst s3;
	s7 =	sor.u32 s8, s7;
	s31 =	sshrl.u32 s6, $0x1  }
0xb: {  	_ =	strace $0x80000047;
	s9 =	sadd.s32 s7, s4;
	s8 =	ssub.s32 s6, s31  }
0xc: {  	s5 =	sadd.s32 s5, s7;
	s4 =	sadd.s32 $0x800, s9;
	s6 =	sadd.s32 $0x1000, s9  }
0xd: {  	s7 =	smax.u32 s8, $0x1;
	s8 =	simm.s32 $0x2;
	s9 =	simm.s32 $0x200  }
.LBB2_1:
0xe: {  	[tilespmem:s3], [sflag:$0x2] =	stream.linear.gather [hbm4b:s4+s3], $0x200, $0x38;
	[tilespmem:$0x600] =	vst v63  }
0xf: {  	_ =	swait.ge [sflag:s8], $0x200  }
0x10: {  	[sflag:s8] =	ssyncset.done $0x0  }
0x11: {  	[sflag:s8] =	ssyncadd.s32 $0xFFFFFE00  }
0x12: {  	[tilespmem:s9], [sflag:$0x2] =	stream.linear.gather [hbm4b:s5+s3], $0x200, $0x38;
	[tilespmem:$0x600] =	vst v63  }
0x13: {  	_ =	swait.ge [sflag:s8], $0x200  }
0x14: {  	[sflag:s8] =	ssyncset.done $0x0  }
0x15: {  	[sflag:s8] =	ssyncadd.s32 $0xFFFFFE00  }
0x16: {  	v0 =	vld [tilespmem:$0x0]  }
0x17: {  	v1 =	vld [tilespmem:$0x200]  }
0x18: {  	v2 =	vld [tilespmem:$0x10]  }
0x19: {  	v3 =	vld [tilespmem:$0x210]  }
0x1a: {  	v6 =	vld [tilespmem:$0x20]  }
0x1b: {  	v54 =	vld [tilespmem:$0x220]  }
0x1c: {  	v56 =	vld [tilespmem:$0x30]  }
0x1d: {  	v59 =	vld [tilespmem:$0x230]  }
0x1e: {  	v60 =	vld [tilespmem:$0x40]  }
0x1f: {  	v63 =	vld [tilespmem:$0x240]  }
0x20: {  	v12 =	vld [tilespmem:$0x50]  }
0x21: {  	v17 =	vld [tilespmem:$0x250]  }
0x22: {  	v22 =	vld [tilespmem:$0x60]  }
0x23: {  	v25 =	vld [tilespmem:$0x260]  }
0x24: {  	v28 =	vld [tilespmem:$0x70];
	v4 =	vshll.u32 v0, $0x3  }
0x25: {  	v30 =	vld [tilespmem:$0x270];
	v5 =	vshrl.u32 v1, $0x7;
	v0 =	vshll.u32 v0, $0x7;
	v7 =	vshll.u32 v2, $0x3  }
0x26: {  	v14 =	vld [tilespmem:$0x80];
	v8 =	vshrl.u32 v3, $0x7;
	v1 =	vand.u32 $0x7F, v1;
	v58 =	vshll.u32 v6, $0x3  }
0x27: {  	v37 =	vld [tilespmem:$0x90];
	v2 =	vshll.u32 v2, $0x7;
	v9 =	vshrl.u32 v54, $0x7;
	v6 =	vshll.u32 v6, $0x7  }
0x28: {  	v41 =	vld [tilespmem:$0xA0];
	v3 =	vand.u32 $0x7F, v3;
	v15 =	vshll.u32 v56, $0x3;
	v11 =	vshrl.u32 v59, $0x7  }
0x29: {  	v43 =	vld [tilespmem:$0x2A0];
	v18 =	vshll.u32 v56, $0x7;
	v19 =	vshll.u32 v60, $0x3;
	v20 =	vshrl.u32 v63, $0x7  }
0x2a: {  	v40 =	vld [tilespmem:$0x290];
	v21 =	vand.u32 $0x7F, v59;
	v24 =	vshll.u32 v12, $0x3;
	v26 =	vshrl.u32 v17, $0x7  }
0x2b: {  	v27 =	vshll.u32 v12, $0x7;
	v31 =	vshll.u32 v22, $0x3;
	v13 =	vshrl.u32 v25, $0x7  }
0x2c: {  	v34 =	vshll.u32 v28, $0x3;
	v35 =	vshrl.u32 v30, $0x7;
	v36 =	vand.u32 $0x7F, v25  }
0x2d: {  	v33 =	vld [tilespmem:$0x280];
	v39 =	vshll.u32 v14, $0x3;
	v12 =	vshll.u32 v28, $0x7;
	v14 =	vshll.u32 v14, $0x7  }
0x2e: {  	v44 =	vshll.u32 v37, $0x3;
	v47 =	vshll.u32 v41, $0x3;
	v48 =	vshrl.u32 v43, $0x7  }
0x2f: {  	v49 =	vand.u32 $0x7F, v40;
	v4 =	vand.u32 $0x3FFFC0, v4;
	v0 =	vand.u32 $0x380, v0  }
0x30: {  	v7 =	vand.u32 $0x3FFFC0, v7;
	v2 =	vand.u32 $0x380, v2;
	v62 =	vand.u32 $0x380, v6  }
0x31: {  	v46 =	vld [tilespmem:$0x2B0];
	v10 =	vand.u32 $0x3FFFC0, v15;
	v29 =	vand.u32 $0x380, v27;
	v6 =	vand.u32 $0x7F, v63  }
0x32: {  	v15 =	vshrl.u32 v33, $0x7;
	v12 =	vand.u32 $0x380, v12;
	v42 =	vand.u32 $0x380, v14  }
0x33: {  	v53 =	vld [tilespmem:$0x2C0];
	v14 =	vand.u32 $0x7F, v43;
	v4 =	vadd.s32 v5, v4;
	v55 =	vadd.s32 v8, v7  }
0x34: {  	v5 =	vand.u32 $0x7F, v54;
	v16 =	vadd.s32 v11, v10;
	v7 =	vand.u32 $0x3FFFC0, v19  }
0x35: {  	v50 =	vld [tilespmem:$0xC0];
	v8 =	vshll.u32 v22, $0x7;
	v11 =	vand.u32 $0x7F, v30;
	v10 =	vshll.u32 v37, $0x7  }
0x36: {  	v59 =	vld [tilespmem:$0x2E0];
	v19 =	vand.u32 $0x7F, v46;
	v4 =	vshll.u32 v4, $0xA;
	v57 =	vshll.u32 v55, $0xA  }
0x37: {  	v7 =	vadd.s32 v20, v7;
	v8 =	vand.u32 $0x380, v8;
	v10 =	vand.u32 $0x380, v10  }
0x38: {  	v20 =	vshrl.u32 v53, $0x7;
	v0 =	vor.u32 v0, v4;
	v4 =	vand.u32 $0x3FFFC0, v58  }
0x39: {  	v54 =	vld [tilespmem:$0xD0];
	v23 =	vshll.u32 v7, $0xA;
	v7 =	vand.u32 $0x3FFFC0, v24;
	v0 =	vor.u32 v1, v0  }
0x3a: {  	v56 =	vld [tilespmem:$0x2D0];
	v4 =	vadd.s32 v9, v4;
	v1 =	vor.u32 v2, v57;
	v9 =	vshll.u32 v60, $0x7  }
0x3b: {  	v7 =	vadd.s32 v26, v7;
	v57 =	vshll.u32 v50, $0x3;
	v22 =	vand.u32 $0x7F, v59  }
0x3c: {  	v61 =	vshll.u32 v4, $0xA;
	v2 =	vor.u32 v3, v1;
	v3 =	vshll.u32 v16, $0xA  }
0x3d: {  	v9 =	vand.u32 $0x380, v9;
	v7 =	vshll.u32 v7, $0xA;
	v16 =	vshrl.u32 v40, $0x7  }
0x3e: {  	v28 =	vld [tilespmem:$0x2F0];
	v4 =	vor.u32 v62, v61;
	v7 =	vor.u32 v29, v7;
	v60 =	vshll.u32 v54, $0x3  }
0x3f: {  	v61 =	vshrl.u32 v56, $0x7;
	v62 =	vand.u32 $0x7F, v53;
	v29 =	vshrl.u32 v59, $0x7  }
0x40: {  	v63 =	vld [tilespmem:$0xF0];
	v1 =	vor.u32 v5, v4;
	v5 =	vand.u32 $0x380, v18;
	v4 =	vand.u32 $0x7F, v17  }
0x41: {  	v18 =	vshrl.u32 v46, $0x7;
	v3 =	vor.u32 v5, v3;
	v5 =	vor.u32 v9, v23  }
0x42: {  	v9 =	vand.u32 $0x3FFFC0, v31;
	v4 =	vor.u32 v4, v7;
	v7 =	vand.u32 $0x7F, v33  }
0x43: {  	v23 =	vshrl.u32 v28, $0x7;
	v3 =	vor.u32 v21, v3;
	v5 =	vor.u32 v6, v5  }
0x44: {  	v17 =	vld [tilespmem:$0xB0];
	v32 =	vadd.s32 v13, v9;
	v9 =	vand.u32 $0x3FFFC0, v34;
	v13 =	vshll.u32 v50, $0x7  }
0x45: {  	v34 =	vshll.u32 v63, $0x3;
	v6 =	vshll.u32 v32, $0xA;
	v9 =	vadd.s32 v35, v9  }
0x46: {  	v13 =	vand.u32 $0x380, v13;
	v6 =	vor.u32 v8, v6;
	v38 =	vshll.u32 v9, $0xA  }
0x47: {  	v31 =	vld [tilespmem:$0x100];
	v9 =	vand.u32 $0x3FFFC0, v39;
	v39 =	vand.u32 $0x7F, v28;
	v6 =	vor.u32 v36, v6  }
0x48: {  	v33 =	vld [tilespmem:$0x300];
	v9 =	vadd.s32 v15, v9;
	v8 =	vor.u32 v12, v38;
	v12 =	vand.u32 $0x3FFFC0, v44  }
0x49: {  	v21 =	vld [tilespmem:$0xE0];
	v52 =	vshll.u32 v17, $0x3;
	v15 =	vshll.u32 v41, $0x7;
	v17 =	vshll.u32 v17, $0x7  }
0x4a: {  	v24 =	vld [tilespmem:$0x110];
	v9 =	vshll.u32 v9, $0xA;
	v8 =	vor.u32 v11, v8;
	v45 =	vadd.s32 v16, v12  }
0x4b: {  	v12 =	vand.u32 $0x3FFFC0, v47;
	v15 =	vand.u32 $0x380, v15;
	v55 =	vand.u32 $0x380, v17  }
0x4c: {  	v17 =	vand.u32 $0x7F, v56;
	v16 =	vshll.u32 v63, $0x7;
	v37 =	vshll.u32 v31, $0x3  }
0x4d: {  	v46 =	vld [tilespmem:$0x130];
	v38 =	vshrl.u32 v33, $0x7;
	v9 =	vor.u32 v42, v9;
	v12 =	vadd.s32 v48, v12  }
0x4e: {  	v27 =	vshll.u32 v21, $0x3;
	v30 =	vshll.u32 v21, $0x7;
	v16 =	vand.u32 $0x380, v16  }
0x4f: {  	v43 =	vld [tilespmem:$0x320];
	v42 =	vshll.u32 v24, $0x3;
	v21 =	vshll.u32 v31, $0x7;
	v7 =	vor.u32 v7, v9  }
0x50: {  	v9 =	vshll.u32 v45, $0xA;
	v51 =	vshll.u32 v12, $0xA;
	v12 =	vand.u32 $0x3FFFC0, v52  }
0x51: {  	v32 =	vand.u32 $0x380, v30;
	v21 =	vand.u32 $0x380, v21;
	v45 =	vshll.u32 v24, $0x7  }
0x52: {  	v36 =	vld [tilespmem:$0x310];
	v52 =	vshll.u32 v46, $0x3;
	v24 =	vshll.u32 v46, $0x7;
	v9 =	vor.u32 v10, v9  }
0x53: {  	v40 =	vld [tilespmem:$0x120];
	v12 =	vadd.s32 v18, v12;
	v10 =	vor.u32 v15, v51;
	v15 =	vand.u32 $0x3FFFC0, v57  }
0x54: {  	v18 =	vshll.u32 v54, $0x7;
	v47 =	vand.u32 $0x380, v45;
	v54 =	vand.u32 $0x7F, v43  }
0x55: {  	v24 =	vand.u32 $0x380, v24;
	v9 =	vor.u32 v49, v9;
	v12 =	vshll.u32 v12, $0xA  }
0x56: {  	v48 =	vld [tilespmem:$0x330];
	v11 =	vor.u32 v14, v10;
	v58 =	vadd.s32 v20, v15;
	v15 =	vand.u32 $0x3FFFC0, v60  }
0x57: {  	v18 =	vand.u32 $0x380, v18;
	v44 =	vshrl.u32 v36, $0x7;
	v20 =	vand.u32 $0x7F, v33  }
0x58: {  	v49 =	vshll.u32 v40, $0x3;
	v25 =	vand.u32 $0x7F, v36;
	v12 =	vor.u32 v55, v12  }
0x59: {  	v15 =	vadd.s32 v61, v15;
	v10 =	vor.u32 v19, v12;
	v12 =	vshll.u32 v58, $0xA  }
0x5a: {  	v51 =	vld [tilespmem:$0x340];
	v26 =	vshll.u32 v15, $0xA;
	v15 =	vand.u32 $0x3FFFC0, v27;
	v19 =	vshll.u32 v40, $0x7  }
0x5b: {  	v33 =	vld [tilespmem:$0x370];
	v53 =	vshrl.u32 v48, $0x7;
	v12 =	vor.u32 v13, v12;
	v15 =	vadd.s32 v29, v15  }
0x5c: {  	v55 =	vld [tilespmem:$0x150];
	v13 =	vor.u32 v18, v26;
	v18 =	vand.u32 $0x3FFFC0, v34;
	v26 =	vshrl.u32 v43, $0x7  }
0x5d: {  	v61 =	vld [tilespmem:$0x160];
	v19 =	vand.u32 $0x380, v19;
	v12 =	vor.u32 v62, v12;
	v15 =	vshll.u32 v15, $0xA  }
0x5e: {  	v63 =	vld [tilespmem:$0x360];
	v14 =	vor.u32 v17, v13;
	v35 =	vadd.s32 v23, v18;
	v18 =	vand.u32 $0x3FFFC0, v37  }
0x5f: {  	v27 =	vld [tilespmem:$0x140];
	v59 =	vshrl.u32 v51, $0x7;
	v23 =	vand.u32 $0x7F, v48;
	v15 =	vor.u32 v32, v15  }
0x60: {  	v58 =	vld [tilespmem:$0x350];
	v18 =	vadd.s32 v38, v18;
	v30 =	vshrl.u32 v33, $0x7;
	v13 =	vor.u32 v22, v15  }
0x61: {  	v15 =	vshll.u32 v35, $0xA;
	v41 =	vshll.u32 v18, $0xA;
	v18 =	vand.u32 $0x3FFFC0, v42  }
0x62: {  	v40 =	vld [tilespmem:$0x380];
	v31 =	vshll.u32 v55, $0x3;
	v22 =	vshll.u32 v55, $0x7;
	v34 =	vshll.u32 v61, $0x3  }
0x63: {  	v35 =	vshrl.u32 v63, $0x7;
	v15 =	vor.u32 v16, v15;
	v18 =	vadd.s32 v44, v18  }
0x64: {  	v29 =	vld [tilespmem:$0x170];
	v16 =	vor.u32 v21, v41;
	v21 =	vand.u32 $0x3FFFC0, v49;
	v57 =	vshll.u32 v27, $0x3  }
0x65: {  	v60 =	vshll.u32 v27, $0x7;
	v28 =	vshrl.u32 v58, $0x7;
	v22 =	vand.u32 $0x380, v22  }
0x66: {  	v43 =	vld [tilespmem:$0x190];
	v36 =	vand.u32 $0x7F, v58;
	v27 =	vshll.u32 v61, $0x7;
	v49 =	vand.u32 $0x7F, v33  }
0x67: {  	v37 =	vld [tilespmem:$0x180];
	v58 =	vand.u32 $0x7F, v40;
	v15 =	vor.u32 v39, v15;
	v18 =	vshll.u32 v18, $0xA  }
0x68: {  	v17 =	vor.u32 v20, v16;
	v50 =	vadd.s32 v26, v21;
	v21 =	vand.u32 $0x3FFFC0, v52  }
0x69: {  	v62 =	vand.u32 $0x380, v60;
	v20 =	vand.u32 $0x7F, v51;
	v39 =	vshll.u32 v29, $0x3  }
0x6a: {  	v46 =	vld [tilespmem:$0x390];
	v41 =	vand.u32 $0x380, v27;
	v42 =	vshll.u32 v29, $0x7;
	v18 =	vor.u32 v47, v18  }
0x6b: {  	v21 =	vadd.s32 v53, v21;
	v45 =	vand.u32 $0x380, v42;
	v47 =	vand.u32 $0x7F, v63  }
0x6c: {  	v48 =	vshll.u32 v37, $0x3;
	v55 =	vshll.u32 v37, $0x7;
	v63 =	vshll.u32 v43, $0x7  }
0x6d: {  	v16 =	vor.u32 v25, v18;
	v18 =	vshll.u32 v50, $0xA;
	v56 =	vshll.u32 v21, $0xA  }
0x6e: {  	[tilespmem:$0x250] =	vst v4;
	v33 =	vld [tilespmem:$0x3D0];
	v21 =	vand.u32 $0x3FFFC0, v57;
	v50 =	vshrl.u32 v40, $0x7;
	v4 =	vand.u32 $0x380, v55  }
0x6f: {  	[tilespmem:$0x270] =	vst v8;
	v51 =	vld [tilespmem:$0x1A0];
	v57 =	vshrl.u32 v46, $0x7;
	v8 =	vand.u32 $0x380, v63;
	v18 =	vor.u32 v19, v18  }
0x70: {  	v27 =	vld [tilespmem:$0x3C0];
	v21 =	vadd.s32 v59, v21;
	v19 =	vor.u32 v24, v56;
	v24 =	vand.u32 $0x3FFFC0, v31  }
0x71: {  	v56 =	vshll.u32 v43, $0x3;
	v18 =	vor.u32 v54, v18;
	v21 =	vshll.u32 v21, $0xA  }
0x72: {  	v19 =	vor.u32 v23, v19;
	v32 =	vadd.s32 v28, v24;
	v24 =	vand.u32 $0x3FFFC0, v34  }
0x73: {  	[tilespmem:$0x240] =	vst v5;
	v5 =	vand.u32 $0x3FFFC0, v56;
	v28 =	vand.u32 $0x7F, v46;
	v42 =	vshrl.u32 v33, $0x7  }
0x74: {  	[tilespmem:$0x200] =	vst v0;
	v25 =	vld [tilespmem:$0x1C0];
	v21 =	vor.u32 v62, v21;
	v24 =	vadd.s32 v35, v24;
	v5 =	vadd.s32 v57, v5  }
0x75: {  	[tilespmem:$0x210] =	vst v2;
	v61 =	vshll.u32 v51, $0x3;
	v23 =	vshll.u32 v51, $0x7;
	v35 =	vshrl.u32 v27, $0x7  }
0x76: {  	[tilespmem:$0x220] =	vst v1;
	v59 =	vld [tilespmem:$0x1B0];
	v20 =	vor.u32 v20, v21;
	v21 =	vshll.u32 v32, $0xA;
	v38 =	vshll.u32 v24, $0xA  }
0x77: {  	[tilespmem:$0x230] =	vst v3;
	v31 =	vld [tilespmem:$0x1D0];
	v24 =	vand.u32 $0x3FFFC0, v39;
	v60 =	vshll.u32 v5, $0xA;
	v5 =	vand.u32 $0x3FFFC0, v61  }
0x78: {  	[tilespmem:$0x260] =	vst v6;
	v26 =	vand.u32 $0x380, v23;
	v21 =	vor.u32 v22, v21;
	v24 =	vadd.s32 v30, v24  }
0x79: {  	[tilespmem:$0x280] =	vst v7;
	v54 =	vld [tilespmem:$0x3A0];
	v0 =	vor.u32 v41, v38;
	v22 =	vand.u32 $0x3FFFC0, v48;
	v34 =	vshll.u32 v25, $0x3  }
0x7a: {  	[tilespmem:$0x2A0] =	vst v11;
	v11 =	vshll.u32 v25, $0x7;
	v21 =	vor.u32 v36, v21;
	v44 =	vshll.u32 v24, $0xA  }
0x7b: {  	[tilespmem:$0x290] =	vst v9;
	v46 =	vld [tilespmem:$0x3F0];
	v0 =	vor.u32 v47, v0;
	v53 =	vadd.s32 v50, v22;
	v29 =	vshll.u32 v59, $0x3  }
0x7c: {  	[tilespmem:$0x2B0] =	vst v10;
	v62 =	vld [tilespmem:$0x3B0];
	v6 =	vshll.u32 v59, $0x7;
	v10 =	vand.u32 $0x3FFFC0, v34;
	v40 =	vshll.u32 v31, $0x3  }
0x7d: {  	[tilespmem:$0x2C0] =	vst v12;
	v11 =	vand.u32 $0x380, v11;
	v43 =	vshll.u32 v31, $0x7;
	v47 =	vand.u32 $0x7F, v27  }
0x7e: {  	[tilespmem:$0x2D0] =	vst v14;
	v2 =	vor.u32 v45, v44;
	v22 =	vshrl.u32 v54, $0x7;
	v3 =	vand.u32 $0x7F, v54  }
0x7f: {  	[tilespmem:$0x2E0] =	vst v13;
	v6 =	vand.u32 $0x380, v6;
	v37 =	vadd.s32 v35, v10;
	v7 =	vand.u32 $0x3FFFC0, v40  }
0x80: {  	[tilespmem:$0x2F0] =	vst v15;
	v45 =	vand.u32 $0x380, v43;
	v57 =	vshrl.u32 v46, $0x7;
	v52 =	vor.u32 v49, v2  }
0x81: {  	[tilespmem:$0x300] =	vst v17;
	v38 =	vld [tilespmem:$0x1E0];
	v2 =	vshll.u32 v53, $0xA;
	v5 =	vadd.s32 v22, v5;
	v30 =	vshrl.u32 v62, $0x7  }
0x82: {  	[tilespmem:$0x310] =	vst v16;
	v41 =	vld [tilespmem:$0x3E0];
	v36 =	vand.u32 $0x7F, v62;
	v39 =	vshll.u32 v37, $0xA;
	v7 =	vadd.s32 v42, v7  }
0x83: {  	[tilespmem:$0x320] =	vst v18;
	v49 =	vand.u32 $0x7F, v33;
	v2 =	vor.u32 v4, v2;
	v4 =	vor.u32 v8, v60  }
0x84: {  	[tilespmem:$0x330] =	vst v19;
	v5 =	vshll.u32 v5, $0xA;
	v8 =	vand.u32 $0x3FFFC0, v29;
	v7 =	vshll.u32 v7, $0xA  }
0x85: {  	[tilespmem:$0x340] =	vst v20;
	v44 =	vld [tilespmem:$0x1F0];
	v2 =	vor.u32 v58, v2;
	v5 =	vor.u32 v26, v5;
	v4 =	vor.u32 v28, v4  }
0x86: {  	[tilespmem:$0x350] =	vst v21;
	v32 =	vadd.s32 v30, v8;
	v7 =	vor.u32 v45, v7;
	v48 =	vshll.u32 v38, $0x3  }
0x87: {  	[tilespmem:$0x360] =	vst v0;
	v51 =	vshrl.u32 v41, $0x7;
	v53 =	vshll.u32 v38, $0x7;
	v60 =	vand.u32 $0x7F, v41  }
0x88: {  	[tilespmem:$0x370] =	vst v52;
	v3 =	vor.u32 v3, v5;
	v5 =	vshll.u32 v32, $0xA;
	v50 =	vand.u32 $0x3FFFC0, v48  }
0x89: {  	[tilespmem:$0x380] =	vst v2;
	v1 =	vor.u32 v49, v7;
	v55 =	vand.u32 $0x380, v53;
	v5 =	vor.u32 v6, v5  }
0x8a: {  	[tilespmem:$0x390] =	vst v4;
	v6 =	vor.u32 v11, v39;
	v52 =	vadd.s32 v51, v50;
	v54 =	vshll.u32 v44, $0x3  }
0x8b: {  	[tilespmem:$0x3A0] =	vst v3;
	v59 =	vshll.u32 v44, $0x7;
	v5 =	vor.u32 v36, v5;
	v56 =	vand.u32 $0x3FFFC0, v54  }
0x8c: {  	[tilespmem:$0x3D0] =	vst v1;
	v0 =	vor.u32 v47, v6;
	v2 =	vshll.u32 v52, $0xA;
	v58 =	vadd.s32 v57, v56  }
0x8d: {  	v4 =	vand.u32 $0x380, v59;
	[tilespmem:$0x3B0] =	vst v5;
	v2 =	vor.u32 v55, v2;
	v3 =	vshll.u32 v58, $0xA  }
0x8e: {  	v62 =	vand.u32 $0x7F, v46;
	[tilespmem:$0x3C0] =	vst v0;
	v0 =	vor.u32 v60, v2;
	v61 =	vor.u32 v4, v3  }
0x8f: {  	[tilespmem:$0x3E0] =	vst v0;
	v63 =	vor.u32 v62, v61  }
0x90: {  	[tilespmem:$0x3F0] =	vst v63  }
0x91: {  	[tilespmem:s11], [sflag:$0x1] =	stream.indirect.gather [hbm4b:s2+s10], $0x1, s9, s10, $0xb8;
	[tilespmem:$0x600] =	vst v63  }
0x92: {  	_ = 	snop  }
0x93: {  	[tilespmem:s13], [sflag:$0x1] =	stream.indirect.gather [hbm4b:s2+s10], $0x1, s12, s10, $0xb8;
	[tilespmem:$0x600] =	vst v63  }
0x94: {  	_ = 	snop  }
0x95: {  	[tilespmem:s15], [sflag:$0x1] =	stream.indirect.gather [hbm4b:s2+s10], $0x1, s14, s10, $0xb8;
	[tilespmem:$0x600] =	vst v63  }
0x96: {  	_ = 	snop  }
0x97: {  	[tilespmem:s17], [sflag:$0x1] =	stream.indirect.gather [hbm4b:s2+s10], $0x1, s16, s10, $0xb8;
	[tilespmem:$0x600] =	vst v63  }
0x98: {  	_ =	swait.ge [sflag:s18], $0x80  }
0x99: {  	[sflag:s18] =	ssyncset.done $0x0  }
0x9a: {  	[sflag:s18] =	ssyncadd.s32 $0xFFFFFF80  }
0x9b: {  	_ =	swait.ge [sflag:s18], $0x80  }
0x9c: {  	[sflag:s18] =	ssyncset.done $0x0  }
0x9d: {  	[sflag:s18] =	ssyncadd.s32 $0xFFFFFF80  }
0x9e: {  	_ =	swait.ge [sflag:s18], $0x80  }
0x9f: {  	[sflag:s18] =	ssyncset.done $0x0  }
0xa0: {  	[sflag:s18] =	ssyncadd.s32 $0xFFFFFF80  }
0xa1: {  	_ =	swait.ge [sflag:s18], $0x80  }
0xa2: {  	p0 =	sne.s32 s7, $0x1;
	[sflag:s18] =	ssyncset.done $0x0  }
.Ltmp0:
0xa3: {  	[sflag:s18] =	ssyncadd.s32 $0xFFFFFF80;
	(pc) =	sbr.rel @p0 .LBB2_1-.Ltmp0, $4  }
0xa4: {  	[hbm4b:s6+s3] =	stream.linear.scatter [tilespmem:s11], [sflag:$0x2], $0x200, $0x38;
	[tilespmem:$0x600] =	vst v63  }
0xa5: {  	_ =	swait.ge [sflag:s8], $0x200  }
0xa6: {  	[sflag:s8] =	ssyncset.done $0x0  }
0xa7: {  	s7 =	sadd.s32 $0xFFFFFFFF, s7;
	[sflag:s8] =	ssyncadd.s32 $0xFFFFFE00  }
0xa8: {  	_ =	sfence.sel $0x180000  }
0xa9: {  	[bflag:$0x0] =	sbarrier.arrive $0xFFFF  }
0xaa: {  	p0 =	sne.s32 s1, $0x0;
	_ =	strace $0x90000047  }
0xab: {  	s0 =	sadd.s32 @!p0 $0x100000, s0;
	[bflag:$0x2] =	sbarrier.arrive $0xFFFF  }
0xac: {  	[sflag:s0] =	ssyncadd.tile.s32 @!p0 $0x1;
	_ =	shalt  }
.Lfunc_end2:
_tile_overlayer_lowered:
.L_overlay_start_2:
0xad: {  	(tag) =	ssettag $0x2  }
0xae: {  	s0 =	rddreg [dreg:$0x0];
	s2 =	stileid.u32  }
0xaf: {  	s1 =	rddreg [dreg:$0x1];
	p0 =	sne.s32 s2, $0x0  }
0xb0: {  	s3 =	rddreg [dreg:$0x2];
	[bflag:$0x3] =	sbarrier.arrive $0xFFFF;
	s2 =	simm.s32 @!p0 $0x1C02  }
0xb1: {  	[timem:s3], [sflag:s2] =	dma.local @!p0 [hbm:s0], s1  }
0xb2: {  	s0 =	simm.s32 @!p0 $0x2  }
0xb3: {  	_ =	swait.ge @!p0 [sflag:s0], s1  }
0xb4: {  	s1 =	ssub.s32 @!p0 $0x0, s1;
	[sflag:s0] =	ssyncset.done @!p0 $0x0  }
0xb5: {  	[sflag:s0] =	ssyncadd.s32 @!p0 s1  }
0xb6: {  	[bflag:$0x3] =	sbarrier.arrive $0xFFFF  }
0xb7: {  	_ =	shalt  }

// kernel: kernel.8.cloned.1.call-start
scs
__scs_entry_jumppad:
0x0: {  	(pc) =	sbr.rel $0x88, $3  }
0x1: {  	(tag) =	ssettag $0x0;
	lr =	simm.s32 $0x1  }
0x2: {  	[smem:$0x3F9E] =	sst lr;
	_ =	strace $0xD0000000  }
0x3: {  	_ = 	snop  }
0x4: {  	_ = 	snop  }
0x5: {  	_ = 	snop  }
0x6: {  	_ = 	snop  }
0x7: {  	_ = 	snop  }
__scs_overlays_trampoline_lowered:
0x8: {  	[smem:$0x3FAD] =	sst s0  }
0x9: {  	[smem:$0x3FAE] =	sst s1  }
0xa: {  	[smem:$0x3FAF] =	sst s2  }
0xb: {  	[smem:$0x3FB0] =	sst s3  }
0xc: {  	[smem:$0x3FB1] =	sst s4  }
0xd: {  	[smem:$0x3FB2] =	sst s5  }
0xe: {  	[smem:$0x3FB3] =	sst s6  }
0xf: {  	[smem:$0x3FB4] =	sst s7  }
0x10: {  	[smem:$0x3FB5] =	sst s8  }
0x11: {  	[smem:$0x3FB6] =	sst s9;
	s0 =	simm.s32 @!p0 $0x0  }
0x12: {  	s1 =	sld [smem:$0x3F9C];
	s0 =	simm.s32 @p0 $0x1  }
0x13: {  	[smem:$0x3FB7] =	sst s0;
	s0 =	simm.s32 @!p1 $0x0  }
0x14: {  	s2 =	sld [smem:$0x3F9B];
	s0 =	simm.s32 @p1 $0x1  }
0x15: {  	[smem:$0x3FB8] =	sst s0;
	s0 =	simm.s32 @!p2 $0x0  }
0x16: {  	s3 =	sld [smem:$0x3FDB];
	s0 =	simm.s32 @p2 $0x1  }
0x17: {  	s4 =	simm.s32 $0x1BF5;
	[smem:$0x3FBA] =	sst s0  }
0x18: {  	s0 =	sld [smem:$0x3F9D];
	_ =	swait.ge [sflag:s4], $0x0  }
0x19: {  	s7 =	sld [smem:$0x3F9E]  }
0x1a: {  	s8 =	sadd.s32 $0xFFFFE003, lr  }
0x1b: {  	s9 =	sadd.s32 $0xFFFFFEF7, lr;
	s5 =	simm.s32 $0xFFFFFFFF;
	p2 =	slt.u32 s8, $0xFFFFF086  }
0x1c: {  	p1 =	slt.u32 s9, $0xF7A;
	s5 =	simm.s32 @!p2 $0x0  }
0x1d: {  	s5 =	simm.s32 @p1 $0x1;
	p0 =	seq.s32 s7, s2  }
0x1e: {  	s7 =	smul.u32 @!p0 $0xF7A, s2;
	p2 =	seq.s32 @!p0 s5, $0x0  }
0x1f: {  	s9 =	smul.u32 $0xF7A, s1;
	s8 =	simm.s32 @!p0 $0x1BF5;
	p2 =	por !p2, p0  }
0x20: {  	[sflag:s8] =	ssyncset.s32 @!p0 $0xFFFFF086;
	s6 =	sadd.s32 @!p0 s3, s7;
	s7 =	simm.s32 @!p0 $0x108  }
0x21: {  	s3 =	sadd.s32 s3, s9;
	s6 =	sadd.s32 @!p0 $0x88, s6;
	s7 =	simm.s32 @p2 $0x1082  }
0x22: {  	[simem:s7], [sflag:s8] =	dma.local @!p0 [hbm:s6], $0xF7A  }
0x23: {  	s9 =	sor.u32 $0xD0000000, s2;
	s6 =	simm.s32 $0x108;
	_ =	swait.ge @!p0 [sflag:s8], $0x0  }
0x24: {  	s3 =	sadd.s32 $0x88, s3;
	s6 =	simm.s32 @!p1 $0x1082;
	[sflag:s4] =	ssyncset.s32 $0xFFFFF086  }
0x25: {  	[simem:s6], [sflag:s4] =	dma.local [hbm:s3], $0xF7A  }
0x26: {  	[smem:$0x3F9E] =	sst s1;
	(tag) =	ssettag s2;
	_ =	strace s9  }
0x27: {  	s1 =	sld [smem:$0x3FAE]  }
0x28: {  	s2 =	sld [smem:$0x3FAF]  }
0x29: {  	s4 =	sld [smem:$0x3FB1]  }
0x2a: {  	p0 =	seq.s32 s5, $0x0;
	s5 =	sld [smem:$0x3FB2]  }
0x2b: {  	s6 =	sld [smem:$0x3FB3]  }
0x2c: {  	s7 =	sld [smem:$0x3FB4]  }
0x2d: {  	s3 =	simm.s32 $0x108;
	s8 =	sld [smem:$0x3FB5]  }
0x2e: {  	s3 =	simm.s32 @!p0 $0x1082;
	s9 =	sld [smem:$0x3FB6]  }
0x2f: {  	lr =	sadd.s32 s0, s3;
	s0 =	sld [smem:$0x3FAD]  }
0x30: {  	s3 =	sld [smem:$0x3FB0]  }
0x31: {  	[smem:$0x3FB9] =	sst s10  }
0x32: {  	s10 =	sld [smem:$0x3FB7];
	_ =	sdelay $0x3  }
0x33: {  	p0 =	seq.s32 s10, $0x1;
	s10 =	sld [smem:$0x3FB9];
	_ =	sdelay $0x3  }
0x34: {  	[smem:$0x3FB9] =	sst s10  }
0x35: {  	s10 =	sld [smem:$0x3FB8];
	_ =	sdelay $0x3  }
0x36: {  	p1 =	seq.s32 s10, $0x1;
	s10 =	sld [smem:$0x3FB9];
	_ =	sdelay $0x3  }
0x37: {  	[smem:$0x3FB9] =	sst s10  }
0x38: {  	s10 =	sld [smem:$0x3FBA]  }
0x39: {  	_ = 	snop;
	(pc) =	sbr.ind lr, $3  }
0x3a: {  	_ = 	snop  }
0x3b: {  	_ = 	snop  }
0x3c: {  	p2 =	seq.s32 s10, $0x1;
	s10 =	sld [smem:$0x3FB9]  }
0x3d: {  	_ =	shalt  }
0x3e: {  	_ =	shalt  }
0x3f: {  	_ =	shalt  }
0x40: {  	_ =	shalt  }
0x41: {  	_ =	shalt  }
0x42: {  	_ =	shalt  }
0x43: {  	_ =	shalt  }
0x44: {  	_ =	shalt  }
0x45: {  	_ =	shalt  }
0x46: {  	_ =	shalt  }
0x47: {  	_ =	shalt  }
0x48: {  	_ =	shalt  }
0x49: {  	_ =	shalt  }
0x4a: {  	_ =	shalt  }
0x4b: {  	_ =	shalt  }
0x4c: {  	_ =	shalt  }
0x4d: {  	_ =	shalt  }
0x4e: {  	_ =	shalt  }
0x4f: {  	_ =	shalt  }
0x50: {  	_ =	shalt  }
0x51: {  	_ =	shalt  }
0x52: {  	_ =	shalt  }
0x53: {  	_ =	shalt  }
0x54: {  	_ =	shalt  }
0x55: {  	_ =	shalt  }
0x56: {  	_ =	shalt  }
0x57: {  	_ =	shalt  }
0x58: {  	_ =	shalt  }
0x59: {  	_ =	shalt  }
0x5a: {  	_ =	shalt  }
0x5b: {  	_ =	shalt  }
0x5c: {  	_ =	shalt  }
0x5d: {  	_ =	shalt  }
0x5e: {  	_ =	shalt  }
0x5f: {  	_ =	shalt  }
0x60: {  	_ =	shalt  }
0x61: {  	_ =	shalt  }
0x62: {  	_ =	shalt  }
0x63: {  	_ =	shalt  }
0x64: {  	_ =	shalt  }
0x65: {  	_ =	shalt  }
0x66: {  	_ =	shalt  }
0x67: {  	_ =	shalt  }
0x68: {  	_ =	shalt  }
0x69: {  	_ =	shalt  }
0x6a: {  	_ =	shalt  }
0x6b: {  	_ =	shalt  }
0x6c: {  	_ =	shalt  }
0x6d: {  	_ =	shalt  }
0x6e: {  	_ =	shalt  }
0x6f: {  	_ =	shalt  }
0x70: {  	_ =	shalt  }
0x71: {  	_ =	shalt  }
0x72: {  	_ =	shalt  }
0x73: {  	_ =	shalt  }
0x74: {  	_ =	shalt  }
0x75: {  	_ =	shalt  }
0x76: {  	_ =	shalt  }
0x77: {  	_ =	shalt  }
0x78: {  	_ =	shalt  }
0x79: {  	_ =	shalt  }
0x7a: {  	_ =	shalt  }
0x7b: {  	_ =	shalt  }
0x7c: {  	_ =	shalt  }
0x7d: {  	_ =	shalt  }
0x7e: {  	_ =	shalt  }
0x7f: {  	_ =	shalt  }
0x80: {  	_ =	shalt  }
0x81: {  	_ =	shalt  }
0x82: {  	_ =	shalt  }
0x83: {  	_ =	shalt  }
0x84: {  	_ =	shalt  }
0x85: {  	_ =	shalt  }
0x86: {  	_ =	shalt  }
0x87: {  	_ =	shalt  }
.Lfunc_end0:
.L_simem_size_0:
called_computation.1_lowered:
.L_overlay_start_0:
0x88: {  	s2 =	sld [smem:$0x3FD9]  }
0x89: {  	s3 =	sld [smem:$0x3FFE];
	_ =	sdelay $0x1  }
0x8a: {  	s1 =	srdreg.scid  }
0x8b: {  	s0 =	sand.u32 $0x1, s1  }
0x8c: {  	s17 =	sshll.u32 s0, $0xA;
	s2 =	sadd.s32 s3, s2  }
0x8d: {  	s2 =	sadd.s32 s2, s17  }
0x8e: {  	[smem:$0x3FC5] =	sst s2  }
0x8f: {  	_ = 	snop  }
0x90: {  	s2 =	sld [smem:$0x3FD0];
	(tm) =	ssettm $0x1  }
0x91: {  	s18 =	sld [smem:$0x3FFB];
	_ =	sdelay $0x3  }
0x92: {  	_ =	strace s18  }
0x93: {  	s3 =	sld [smem:$0x3FFC];
	_ =	sdelay $0x3  }
0x94: {  	_ =	strace s3  }
0x95: {  	s3 =	sld [smem:$0x3FFD];
	_ =	sdelay $0x3  }
0x96: {  	_ =	strace s3  }
0x97: {  	_ =	strace $0x8FFFFFFF  }
0x98: {  	s19 =	sld [smem:$0x3FDB];
	_ =	sdelay $0x1  }
0x99: {  	s4 =	simm.s32 $_scs_section_size  }
0x9a: {  	s5 =	simm.s32 $_size__tile_overlayer_lowered;
	s6 =	simm.s32 $_tile_overlayer_lowered  }
0x9b: {  	s22 =	simm.s32 $0x1BFF;
	s21 =	sshll.u32 s6, $0x1;
	s3 =	sadd.s32 s4, s19  }
0x9c: {  	s7 =	simm.s32 $0x0;
	s20 =	sshll.u32 s5, $0x1;
	s5 =	sadd.s32 s21, s3  }
0x9d: {  	[timem:s7], [sflag:s22] =	dma.local [hbm:s5], s20  }
0x9e: {  	_ =	swait.ge [sflag:s22], s20  }
0x9f: {  	s4 =	ssub.s32 $0x0, s20;
	[sflag:s22] =	ssyncset.done $0x0  }
0xa0: {  	[sflag:s22] =	ssyncadd.s32 s4;
	_ =	sdelay $0x1  }
0xa1: {  	s23 =	simm.s32 $0x1B8B  }
0xa2: {  	_ =	swait.ge [sflag:s23], $0x1  }
0xa3: {  	[sflag:s23] =	ssyncset.done $0x0  }
0xa4: {  	s25 =	simm.s32 $0x1B8E;
	s24 =	sld [smem:$0x3FFE];
	[sflag:s23] =	ssyncadd.s32 $0xFFFFFFFF  }
0xa5: {  	s26 =	simm.s32 $execute0_lowered;
	[smem:$0x3FD2] =	sst s25  }
0xa6: {  	s5 =	sshll.u32 s26, $0x1;
	_ =	strace $0x80000049;
	[dreg:$0x1] =	wrdreg $0xFFFFFFFF  }
0xa7: {  	s28 =	simm.s32 $_size_execute0_lowered;
	s3 =	sadd.s32 s3, s5;
	[dreg:$0x0] =	wrdreg $0x0  }
0xa8: {  	s5 =	sshll.u32 s28, $0x1;
	[dreg:$0x2] =	wrdreg s3  }
0xa9: {  	[dreg:$0x3] =	wrdreg s5  }
0xaa: {  	[dreg:$0x4] =	wrdreg $0xC0  }
0xab: {  	_ =	task [dreg:s7], $0x5FFFF  }
0xac: {  	[dreg:$0x1] =	wrdreg $0xFFFFFFFF  }
0xad: {  	[dreg:$0x0] =	wrdreg $0x60  }
0xae: {  	[dreg:$0x2] =	wrdreg s24  }
0xaf: {  	[dreg:$0x3] =	wrdreg s2  }
0xb0: {  	[dreg:$0x4] =	wrdreg $0x9  }
0xb1: {  	_ =	task.clear_ibuf [dreg:s7], $0x5FFFF;
	_ =	strace $0x90000049  }
0xb2: {  	s29 =	simm.s32 $0x9;
	_ =	strace $0x8000004B  }
0xb3: {  	_ =	swait.ge [sflag:s29], $0x1  }
0xb4: {  	[sflag:s29] =	ssyncadd.s32 $0xFFFFFFFF  }
0xb5: {  	_ =	strace $0x9000004B  }
0xb6: {  	_ =	sfence  }
0xb7: {  	s30 =	sld [smem:$0x0];
	_ =	sdelay $0x2  }
0xb8: {  	s31 =	sshll.u32 s1, $0xD;
	s1 =	sshrl.u32 s1, $0x2  }
0xb9: {  	s3 =	sand.u32 $0x4000, s31;
	s1 =	sadd.s32 s1, s30  }
0xba: {  	s0 =	sor.u32 s3, s0;
	s1 =	sshll.u32 s1, $0x11  }
0xbb: {  	s0 =	sor.u32 s1, s0  }
0xbc: {  	s0 =	sadd.s32 $0x8F2B, s0  }
0xbd: {  	[sflag:s0] =	ssyncadd.remote.s32 $0x1  }
0xbe: {  	_ =	sfence.sel $0xFFFF  }
0xbf: {  	[dreg:$0x0] =	wrdreg $0xFFFFFFFF;
	(pc) =	sbr.abs _section_cstart, $3  }
0xc0: {  	[dreg:$0x1] =	wrdreg $0xFFFFFFFF  }
0xc1: {  	_ =	task.clear_ibuf [dreg:s7], $0x2FFFF;
	_ =	strace $0x9FFFFFFF  }
0xc2: {  	(tm) =	ssettm $0x7FFFFFFF  }
0xc3: {  	_ =	shalt  }
tec
execute0_lowered:
.L_overlay_start_1:
0x0: {  	(tag) =	ssettag $0x1  }
0x1: {  	s3 =	rddreg [dreg:$0x0]  }
0x2: {  	s6 =	rddreg [dreg:$0x1]  }
0x3: {  	s0 =	rddreg [dreg:$0x2];
	s2 =	simm.s32 $0x0;
	s4 =	srdreg.scid  }
0x4: {  	s1 =	stileid.u32;
	s10 =	simm.s32 $0x80;
	s11 =	simm.s32 $0x200  }
0x5: {  	s12 =	simm.s32 $0x280;
	s13 =	simm.s32 $0x100;
	s14 =	simm.s32 $0x300  }
0x6: {  	s15 =	simm.s32 $0x180;
	s16 =	simm.s32 $0x380;
	s17 =	simm.s32 $0x2  }
0x7: {  	s18 =	simm.s32 $0x1;
	[smem:$0x7FF] =	sst s2;
	s4 =	sand.u32 $0x1, s4  }
0x8: {  	s5 =	sshll.u32 s1, $0x7;
	s7 =	sshll.u32 s4, $0x6;
	s4 =	ssub.s32 $0x2, s4  }
0x9: {  	_ =	strace $0x8000004A;
	s7 =	sor.u32 s7, s5;
	s31 =	sshrl.u32 s4, $0x1  }
0xa: {  	s8 =	sadd.s32 s7, s3;
	s3 =	sadd.s32 $0x1800, s3;
	s9 =	ssub.s32 s4, s31  }
0xb: {  	s6 =	sadd.s32 s6, s7;
	s4 =	sadd.s32 $0x1000, s8;
	s5 =	sadd.s32 $0x800, s8  }
0xc: {  	s7 =	smax.u32 s9, $0x1;
	s8 =	simm.s32 $0x400;
	s9 =	simm.s32 $0x3  }
.LBB2_1:
0xd: {  	[tilespmem:s8], [sflag:$0x2] =	stream.linear.gather [hbm4b:s4+s2], $0x200, $0x38;
	[tilespmem:$0x600] =	vst v63  }
0xe: {  	_ = 	snop  }
0xf: {  	[tilespmem:s2], [sflag:$0x3] =	stream.linear.gather [hbm4b:s5+s2], $0x200, $0x38;
	[tilespmem:$0x600] =	vst v63  }
0x10: {  	_ =	swait.ge [sflag:s9], $0x200  }
0x11: {  	[sflag:s9] =	ssyncset.done $0x0  }
0x12: {  	[sflag:s9] =	ssyncadd.s32 $0xFFFFFE00  }
0x13: {  	[tilespmem:s11], [sflag:$0x1] =	stream.indirect.gather [hbm4b:s3+s10], $0x1, s2, s10, $0xb8;
	[tilespmem:$0x600] =	vst v63  }
0x14: {  	_ = 	snop  }
0x15: {  	[tilespmem:s12], [sflag:$0x1] =	stream.indirect.gather [hbm4b:s3+s10], $0x1, s10, s10, $0xb8;
	[tilespmem:$0x600] =	vst v63  }
0x16: {  	_ = 	snop  }
0x17: {  	[tilespmem:s14], [sflag:$0x1] =	stream.indirect.gather [hbm4b:s3+s10], $0x1, s13, s10, $0xb8;
	[tilespmem:$0x600] =	vst v63  }
0x18: {  	_ = 	snop  }
0x19: {  	[tilespmem:s16], [sflag:$0x1] =	stream.indirect.gather [hbm4b:s3+s10], $0x1, s15, s10, $0xb8;
	[tilespmem:$0x600] =	vst v63  }
0x1a: {  	_ =	swait.ge [sflag:s17], $0x200  }
0x1b: {  	[sflag:s17] =	ssyncset.done $0x0  }
0x1c: {  	[sflag:s17] =	ssyncadd.s32 $0xFFFFFE00  }
0x1d: {  	_ =	swait.ge [sflag:s18], $0x80  }
0x1e: {  	[sflag:s18] =	ssyncset.done $0x0  }
0x1f: {  	[sflag:s18] =	ssyncadd.s32 $0xFFFFFF80  }
0x20: {  	_ =	swait.ge [sflag:s18], $0x80  }
0x21: {  	[sflag:s18] =	ssyncset.done $0x0  }
0x22: {  	[sflag:s18] =	ssyncadd.s32 $0xFFFFFF80  }
0x23: {  	_ =	swait.ge [sflag:s18], $0x80  }
0x24: {  	[sflag:s18] =	ssyncset.done $0x0  }
0x25: {  	[sflag:s18] =	ssyncadd.s32 $0xFFFFFF80  }
0x26: {  	_ =	swait.ge [sflag:s18], $0x80  }
0x27: {  	[sflag:s18] =	ssyncset.done $0x0  }
0x28: {  	[sflag:s18] =	ssyncadd.s32 $0xFFFFFF80  }
0x29: {  	v0 =	vld [tilespmem:$0x400]  }
0x2a: {  	v1 =	vld [tilespmem:$0x200]  }
0x2b: {  	v2 =	vld [tilespmem:$0x410]  }
0x2c: {  	v3 =	vld [tilespmem:$0x210]  }
0x2d: {  	v4 =	vld [tilespmem:$0x420]  }
0x2e: {  	v5 =	vld [tilespmem:$0x220]  }
0x2f: {  	v6 =	vld [tilespmem:$0x430]  }
0x30: {  	v7 =	vld [tilespmem:$0x230]  }
0x31: {  	v8 =	vld [tilespmem:$0x440]  }
0x32: {  	v9 =	vld [tilespmem:$0x240]  }
0x33: {  	v10 =	vld [tilespmem:$0x450]  }
0x34: {  	v11 =	vld [tilespmem:$0x250]  }
0x35: {  	v12 =	vld [tilespmem:$0x460]  }
0x36: {  	v13 =	vld [tilespmem:$0x260]  }
0x37: {  	v14 =	vld [tilespmem:$0x470]  }
0x38: {  	v15 =	vld [tilespmem:$0x270]  }
0x39: {  	v16 =	vld [tilespmem:$0x480]  }
0x3a: {  	v17 =	vld [tilespmem:$0x280]  }
0x3b: {  	v18 =	vld [tilespmem:$0x490]  }
0x3c: {  	v19 =	vld [tilespmem:$0x290]  }
0x3d: {  	v20 =	vld [tilespmem:$0x4A0]  }
0x3e: {  	v21 =	vld [tilespmem:$0x2A0]  }
0x3f: {  	v22 =	vld [tilespmem:$0x4B0]  }
0x40: {  	v23 =	vld [tilespmem:$0x2B0]  }
0x41: {  	v24 =	vld [tilespmem:$0x4C0]  }
0x42: {  	v25 =	vld [tilespmem:$0x2C0]  }
0x43: {  	v26 =	vld [tilespmem:$0x4D0]  }
0x44: {  	v27 =	vld [tilespmem:$0x2D0]  }
0x45: {  	v28 =	vld [tilespmem:$0x4E0]  }
0x46: {  	v29 =	vld [tilespmem:$0x2E0]  }
0x47: {  	v30 =	vld [tilespmem:$0x4F0]  }
0x48: {  	v31 =	vld [tilespmem:$0x2F0]  }
0x49: {  	v32 =	vld [tilespmem:$0x500]  }
0x4a: {  	v33 =	vld [tilespmem:$0x300]  }
0x4b: {  	v34 =	vld [tilespmem:$0x510]  }
0x4c: {  	v35 =	vld [tilespmem:$0x310]  }
0x4d: {  	v36 =	vld [tilespmem:$0x520]  }
0x4e: {  	v46 =	vld [tilespmem:$0x320];
	v0 =	vadd.f32 v1, v0  }
0x4f: {  	v47 =	vld [tilespmem:$0x530];
	v2 =	vadd.f32 v3, v2  }
0x50: {  	v49 =	vld [tilespmem:$0x330];
	v48 =	vadd.f32 v5, v4;
	[tilespmem:$0x400] =	vst v0  }
0x51: {  	v51 =	vld [tilespmem:$0x540];
	v50 =	vadd.f32 v7, v6;
	[tilespmem:$0x410] =	vst v2  }
0x52: {  	v53 =	vld [tilespmem:$0x340];
	v52 =	vadd.f32 v9, v8;
	[tilespmem:$0x420] =	vst v48  }
0x53: {  	v55 =	vld [tilespmem:$0x550];
	v54 =	vadd.f32 v11, v10;
	[tilespmem:$0x430] =	vst v50  }
0x54: {  	v57 =	vld [tilespmem:$0x350];
	v56 =	vadd.f32 v13, v12;
	[tilespmem:$0x440] =	vst v52  }
0x55: {  	v59 =	vld [tilespmem:$0x560];
	v58 =	vadd.f32 v15, v14;
	[tilespmem:$0x450] =	vst v54  }
0x56: {  	v61 =	vld [tilespmem:$0x360];
	v60 =	vadd.f32 v17, v16;
	[tilespmem:$0x460] =	vst v56  }
0x57: {  	v63 =	vld [tilespmem:$0x570];
	v62 =	vadd.f32 v19, v18;
	[tilespmem:$0x470] =	vst v58  }
0x58: {  	v37 =	vld [tilespmem:$0x5A0];
	v20 =	vadd.f32 v21, v20;
	[tilespmem:$0x480] =	vst v60  }
0x59: {  	v39 =	vld [tilespmem:$0x3A0];
	v22 =	vadd.f32 v23, v22;
	[tilespmem:$0x490] =	vst v62  }
0x5a: {  	v41 =	vld [tilespmem:$0x5B0];
	v24 =	vadd.f32 v25, v24;
	[tilespmem:$0x4A0] =	vst v20  }
0x5b: {  	v43 =	vld [tilespmem:$0x3B0];
	v26 =	vadd.f32 v27, v26;
	[tilespmem:$0x4B0] =	vst v22  }
0x5c: {  	v45 =	vld [tilespmem:$0x5C0];
	v28 =	vadd.f32 v29, v28;
	[tilespmem:$0x4C0] =	vst v24  }
0x5d: {  	v21 =	vld [tilespmem:$0x370];
	v31 =	vadd.f32 v31, v30;
	[tilespmem:$0x4D0] =	vst v26  }
0x5e: {  	v23 =	vld [tilespmem:$0x580];
	v38 =	vadd.f32 v33, v32;
	[tilespmem:$0x4E0] =	vst v28  }
0x5f: {  	v25 =	vld [tilespmem:$0x380];
	v40 =	vadd.f32 v35, v34;
	[tilespmem:$0x4F0] =	vst v31  }
0x60: {  	v27 =	vld [tilespmem:$0x590];
	v42 =	vadd.f32 v46, v36;
	[tilespmem:$0x500] =	vst v38  }
0x61: {  	v29 =	vld [tilespmem:$0x390];
	v44 =	vadd.f32 v49, v47;
	[tilespmem:$0x510] =	vst v40  }
0x62: {  	v46 =	vadd.f32 v53, v51;
	v47 =	vld [tilespmem:$0x3C0];
	[tilespmem:$0x520] =	vst v42  }
0x63: {  	v49 =	vld [tilespmem:$0x5D0];
	v1 =	vadd.f32 v43, v41;
	[tilespmem:$0x530] =	vst v44  }
0x64: {  	v51 =	vld [tilespmem:$0x3D0];
	v48 =	vadd.f32 v57, v55;
	[tilespmem:$0x540] =	vst v46  }
0x65: {  	v53 =	vld [tilespmem:$0x5E0];
	v50 =	vadd.f32 v61, v59;
	[tilespmem:$0x5B0] =	vst v1  }
0x66: {  	v55 =	vld [tilespmem:$0x3E0];
	v58 =	vadd.f32 v39, v37;
	[tilespmem:$0x550] =	vst v48  }
0x67: {  	v57 =	vld [tilespmem:$0x5F0];
	[tilespmem:$0x560] =	vst v50;
	v52 =	vadd.f32 v21, v63  }
0x68: {  	v59 =	vld [tilespmem:$0x3F0];
	[tilespmem:$0x5A0] =	vst v58;
	v54 =	vadd.f32 v25, v23  }
0x69: {  	v56 =	vadd.f32 v29, v27;
	[tilespmem:$0x570] =	vst v52  }
0x6a: {  	v60 =	vadd.f32 v47, v45;
	[tilespmem:$0x580] =	vst v54  }
0x6b: {  	v61 =	vadd.f32 v51, v49;
	[tilespmem:$0x590] =	vst v56  }
0x6c: {  	[tilespmem:$0x5C0] =	vst v60;
	v62 =	vadd.f32 v55, v53  }
0x6d: {  	[tilespmem:$0x5D0] =	vst v61;
	v63 =	vadd.f32 v59, v57  }
0x6e: {  	p0 =	sne.s32 s7, $0x1;
	[tilespmem:$0x5E0] =	vst v62  }
.Ltmp0:
0x6f: {  	[tilespmem:$0x5F0] =	vst v63;
	(pc) =	sbr.rel @p0 .LBB2_1-.Ltmp0, $4  }
0x70: {  	[hbm4b:s6+s2] =	stream.linear.scatter [tilespmem:s8], [sflag:$0x3], $0x200, $0x38;
	[tilespmem:$0x600] =	vst v63  }
0x71: {  	_ =	swait.ge [sflag:s9], $0x200  }
0x72: {  	[sflag:s9] =	ssyncset.done $0x0  }
0x73: {  	s7 =	sadd.s32 $0xFFFFFFFF, s7;
	[sflag:s9] =	ssyncadd.s32 $0xFFFFFE00  }
0x74: {  	_ =	sfence.sel $0x180000  }
0x75: {  	[bflag:$0x0] =	sbarrier.arrive $0xFFFF  }
0x76: {  	p0 =	sne.s32 s1, $0x0;
	_ =	strace $0x9000004A  }
0x77: {  	s0 =	sadd.s32 @!p0 $0x100000, s0;
	[bflag:$0x2] =	sbarrier.arrive $0xFFFF  }
0x78: {  	[sflag:s0] =	ssyncadd.tile.s32 @!p0 $0x1;
	_ =	shalt  }
.Lfunc_end2:
_tile_overlayer_lowered:
.L_overlay_start_2:
0x79: {  	(tag) =	ssettag $0x2  }
0x7a: {  	s0 =	rddreg [dreg:$0x0];
	s2 =	stileid.u32  }
0x7b: {  	s1 =	rddreg [dreg:$0x1];
	p0 =	sne.s32 s2, $0x0  }
0x7c: {  	s3 =	rddreg [dreg:$0x2];
	[bflag:$0x3] =	sbarrier.arrive $0xFFFF;
	s2 =	simm.s32 @!p0 $0x1C03  }
0x7d: {  	[timem:s3], [sflag:s2] =	dma.local @!p0 [hbm:s0], s1  }
0x7e: {  	s0 =	simm.s32 @!p0 $0x3  }
0x7f: {  	_ =	swait.ge @!p0 [sflag:s0], s1  }
0x80: {  	s1 =	ssub.s32 @!p0 $0x0, s1;
	[sflag:s0] =	ssyncset.done @!p0 $0x0  }
0x81: {  	[sflag:s0] =	ssyncadd.s32 @!p0 s1  }
0x82: {  	[bflag:$0x3] =	sbarrier.arrive $0xFFFF  }
0x83: {  	_ =	shalt  }

</sc_bundles>
